<compile_context>
chip_gen: v7x
topology: tpu7x:2x2x1
jax: 0.10.2.dev20260603
libtpu: 0.0.44.dev20260713+nightly
codegen_flags: <defaults>
</compile_context>

<pallas_src>
import functools

import jax
import jax.numpy as jnp
from jax import lax
from jax.experimental import pallas as pl
from jax.experimental.pallas import tpu as pltpu
from jax.experimental.pallas import tpu_sc as plsc

_N = 10000
_E = 320000
_CH = 128
_HC = 64
_L = 128
_NW = 32
_EPAD = 327680
_EBLK = _EPAD // _L
_J = _EBLK // _NW
_NACC = 10240
_DUMMY_DST = 10016
_RPT = _NACC // 16


def _sc_aggregate(table, src2d, dst2d, zblk):
    mesh = plsc.VectorSubcoreMesh(core_axis_name="c", subcore_axis_name="s")

    @functools.partial(
        pl.kernel,
        out_type=jax.ShapeDtypeStruct((2, _NACC, _HC), jnp.float32),
        mesh=mesh,
        compiler_params=pltpu.CompilerParams(use_tc_tiling_on_sc=False),
        scratch_types=[
            pltpu.VMEM((_J, _L), jnp.int32),
            pltpu.VMEM((_J, _L), jnp.int32),
            pltpu.VMEM((_L, _HC), jnp.float32),
            pltpu.VMEM((_L, _HC), jnp.float32),
            pltpu.VMEM_SHARED((_NACC, _HC), jnp.float32),
            pltpu.SemaphoreType.DMA,
        ],
    )
    def agg(table_h, src_h, dst_h, z_h, out_h, src_v, dst_v, rows_v, buf_v,
            acc_s, sem):
        c = lax.axis_index("c")
        s = lax.axis_index("s")
        wid = c * 16 + s

        pltpu.sync_copy(z_h, buf_v)
        for k in range(_RPT // _L):
            pltpu.sync_copy(buf_v, acc_s.at[pl.ds(s * _RPT + k * _L, _L)])

        pltpu.sync_copy(src_h.at[pl.ds(wid * _J, _J)], src_v)
        pltpu.sync_copy(dst_h.at[pl.ds(wid * _J, _J)], dst_v)

        plsc.subcore_barrier()

        def step(j, carry):
            pltpu.async_copy(table_h.at[src_v.at[j]], rows_v, sem).wait()
            pltpu.sync_copy(rows_v, acc_s.at[dst_v.at[j]], add=True)
            return carry

        lax.fori_loop(0, _J, step, 0)

        plsc.subcore_barrier()

        for k in range(_RPT // _L):
            r0 = s * _RPT + k * _L
            pltpu.sync_copy(acc_s.at[pl.ds(r0, _L)], buf_v)
            pltpu.sync_copy(buf_v, out_h.at[c, pl.ds(r0, _L)])

    return agg(table, src2d, dst2d, zblk)


_BLK = 1000


def _tc_layer1(agg_lo, agg_hi, W1lo, W1hi, b1):

    def body(lo_ref, hi_ref, wlo_ref, whi_ref, b_ref, hlo_ref, hhi_ref):
        a_lo = lo_ref[0] + lo_ref[1]
        a_hi = hi_ref[0] + hi_ref[1]
        h = jnp.maximum(
            jnp.dot(a_lo, wlo_ref[...], preferred_element_type=jnp.float32)
            + jnp.dot(a_hi, whi_ref[...], preferred_element_type=jnp.float32)
            + b_ref[...], 0.0)
        hlo_ref[...] = h[:, :_HC]
        hhi_ref[...] = h[:, _HC:]

    return pl.pallas_call(
        body,
        grid=(_N // _BLK,),
        in_specs=[
            pl.BlockSpec((2, _BLK, _HC), lambda i: (0, i, 0)),
            pl.BlockSpec((2, _BLK, _HC), lambda i: (0, i, 0)),
            pl.BlockSpec((_HC, _CH), lambda i: (0, 0)),
            pl.BlockSpec((_HC, _CH), lambda i: (0, 0)),
            pl.BlockSpec((1, _CH), lambda i: (0, 0)),
        ],
        out_specs=[
            pl.BlockSpec((_BLK, _HC), lambda i: (i, 0)),
            pl.BlockSpec((_BLK, _HC), lambda i: (i, 0)),
        ],
        out_shape=[
            jax.ShapeDtypeStruct((_N, _HC), jnp.float32),
            jax.ShapeDtypeStruct((_N, _HC), jnp.float32),
        ],
    )(agg_lo, agg_hi, W1lo, W1hi, b1.reshape(1, _CH))


def _tc_layer23(agg_lo, agg_hi, W2lo, W2hi, b2, W3lo, W3hi, b3):
    oc = W2lo.shape[1]

    def body(lo_ref, hi_ref, w2l, w2h, b2_ref, w3l, w3h, b3_ref,
             mu_ref, lv_ref):
        a_lo = lo_ref[0] + lo_ref[1]
        a_hi = hi_ref[0] + hi_ref[1]
        mu_ref[...] = (
            jnp.dot(a_lo, w2l[...], preferred_element_type=jnp.float32)
            + jnp.dot(a_hi, w2h[...], preferred_element_type=jnp.float32)
            + b2_ref[...])
        lv_ref[...] = (
            jnp.dot(a_lo, w3l[...], preferred_element_type=jnp.float32)
            + jnp.dot(a_hi, w3h[...], preferred_element_type=jnp.float32)
            + b3_ref[...])

    return pl.pallas_call(
        body,
        grid=(_N // _BLK,),
        in_specs=[
            pl.BlockSpec((2, _BLK, _HC), lambda i: (0, i, 0)),
            pl.BlockSpec((2, _BLK, _HC), lambda i: (0, i, 0)),
            pl.BlockSpec((_HC, oc), lambda i: (0, 0)),
            pl.BlockSpec((_HC, oc), lambda i: (0, 0)),
            pl.BlockSpec((1, oc), lambda i: (0, 0)),
            pl.BlockSpec((_HC, oc), lambda i: (0, 0)),
            pl.BlockSpec((_HC, oc), lambda i: (0, 0)),
            pl.BlockSpec((1, oc), lambda i: (0, 0)),
        ],
        out_specs=[
            pl.BlockSpec((_BLK, oc), lambda i: (i, 0)),
            pl.BlockSpec((_BLK, oc), lambda i: (i, 0)),
        ],
        out_shape=[
            jax.ShapeDtypeStruct((_N, oc), jnp.float32),
            jax.ShapeDtypeStruct((_N, oc), jnp.float32),
        ],
    )(agg_lo, agg_hi, W2lo, W2hi, b2.reshape(1, oc),
      W3lo, W3hi, b3.reshape(1, oc))


def kernel(x, edge_index, W1, b1, W2, b2, W3, b3):
    src = edge_index[0]
    dst = edge_index[1]
    pad = _EPAD - _E
    src2d = jnp.concatenate(
        [src, jnp.zeros((pad,), jnp.int32)]).reshape(_EBLK, _L)
    dst2d = jnp.concatenate(
        [dst, jnp.full((pad,), _DUMMY_DST, jnp.int32)]).reshape(_EBLK, _L)
    zblk = jnp.zeros((_L, _HC), jnp.float32)

    a1_lo = _sc_aggregate(x[:, :_HC], src2d, dst2d, zblk)
    a1_hi = _sc_aggregate(x[:, _HC:], src2d, dst2d, zblk)
    h_lo, h_hi = _tc_layer1(a1_lo, a1_hi, W1[:_HC, :], W1[_HC:, :], b1)
    a2_lo = _sc_aggregate(h_lo, src2d, dst2d, zblk)
    a2_hi = _sc_aggregate(h_hi, src2d, dst2d, zblk)
    mu, logvar = _tc_layer23(a2_lo, a2_hi, W2[:_HC, :], W2[_HC:, :], b2,
                             W3[:_HC, :], W3[_HC:, :], b3)
    return (mu, logvar)

# --- scband reference (transcript-rebuilt; emitter-appended) ---
"""Pipeline reference for scband-gcnencoder-44203803410712 (READ-ONLY COPY).

The authoritative reference and input builder live on the scoring server;
editing this copy changes nothing except your own understanding.
"""

import jax, jax.numpy as jnp
import numpy as np

N = 10000
E = 320000
IN_C = 128
HID_C = 128
OUT_C = 64


def _glorot(key, shape):
    fan_in, fan_out = shape[0], shape[1]
    limit = np.sqrt(6.0 / (fan_in + fan_out))
    return jax.random.uniform(key, shape, dtype=jnp.float32, minval=-limit, maxval=limit)


def setup_inputs(seed: int = 0) -> dict:
    key = jax.random.key(seed)
    ks = jax.random.split(key, 8)
    x = jax.random.normal(ks[0], (N, IN_C), dtype=jnp.float32)
    edge_index = jax.random.randint(ks[1], (2, E), 0, N, dtype=jnp.int32)
    W1 = _glorot(ks[2], (IN_C, HID_C))
    b1 = jnp.zeros((HID_C,), dtype=jnp.float32)
    W2 = _glorot(ks[3], (HID_C, OUT_C))
    b2 = jnp.zeros((OUT_C,), dtype=jnp.float32)
    W3 = _glorot(ks[4], (HID_C, OUT_C))
    b3 = jnp.zeros((OUT_C,), dtype=jnp.float32)
    return {"x": x, "edge_index": edge_index, "W1": W1, "b1": b1, "W2": W2, "b2": b2, "W3": W3, "b3": b3}


def _gcn_conv(x, W, b, src, dst, n):
    # GCNConv with normalize=False, add_self_loops=False:
    # h = x @ W; out[dst] += h[src]; out += b
    h = x @ W
    agg = jax.ops.segment_sum(h[src], dst, num_segments=n)
    return agg + b


def reference(x, edge_index, W1, b1, W2, b2, W3, b3):
    src = edge_index[0]
    dst = edge_index[1]
    h = jax.nn.relu(_gcn_conv(x, W1, b1, src, dst, N))
    mu = _gcn_conv(h, W2, b2, src, dst, N)
    logvar = _gcn_conv(h, W3, b3, src, dst, N)
    return (mu, logvar)

if __name__ == "__main__":
    import jax
    _d = setup_inputs()
    print(jax.jit(kernel)(*tuple(_d.values())))

</pallas_src>

<mosaic_0001>
#map = affine_map<(d0, d1) -> (0, 0)>
#map1 = affine_map<(d0, d1) -> (0, 0, 0)>
module attributes {stable_mosaic.version = 14 : i64} {
  func.func @agg(%arg0: i32, %arg1: i32, %arg2: memref<10000x64xf32, #tpu.memory_space<hbm>>, %arg3: memref<2560x128xi32, #tpu.memory_space<hbm>>, %arg4: memref<2560x128xi32, #tpu.memory_space<hbm>>, %arg5: memref<128x64xf32, #tpu.memory_space<hbm>>, %arg6: memref<2x10240x64xf32, #tpu.memory_space<hbm>>, %arg7: memref<80x128xi32, #tpu.memory_space<vmem>>, %arg8: memref<80x128xi32, #tpu.memory_space<vmem>>, %arg9: memref<128x64xf32, #tpu.memory_space<vmem>>, %arg10: memref<128x64xf32, #tpu.memory_space<vmem>>, %arg11: memref<10240x64xf32, #tpu.memory_space<vmem_shared>>, %arg12: memref<!tpu.dma_semaphore, #tpu.memory_space<semaphore_mem>>) attributes {dimension_semantics = [#tpu.dimension_semantics<core_parallel>, #tpu.dimension_semantics<subcore_parallel>], iteration_bounds = array<i64: 2, 16>, scalar_prefetch = 0 : i64, scratch_operands = 6 : i64, tpu.core_type = #tpu.core_type<sc_vector_subcore>, window_params = [{transform_indices = #map}, {transform_indices = #map}, {transform_indices = #map}, {transform_indices = #map}, {transform_indices = #map1}]} {
    %mul3A = arith.constant 16 : i32
    %mul3A_0 = arith.muli %arg0, %mul3A : i32
    %add3A = arith.addi %mul3A_0, %arg1 : i32
    "tpu.region"() ({
      %run_scoped3A = tpu.sem_alloc : memref<!tpu.dma_semaphore, #tpu.memory_space<semaphore_mem>>
      tpu.enqueue_dma source(%arg5 : memref<128x64xf32, #tpu.memory_space<hbm>>) target(%arg10 : memref<128x64xf32, #tpu.memory_space<vmem>>) target_semaphore(%run_scoped3A : memref<!tpu.dma_semaphore, #tpu.memory_space<semaphore_mem>>)
      tpu.wait_dma2 semaphore(%run_scoped3A : memref<!tpu.dma_semaphore, #tpu.memory_space<semaphore_mem>>) src(%arg5 : memref<128x64xf32, #tpu.memory_space<hbm>>) dst(%arg10 : memref<128x64xf32, #tpu.memory_space<vmem>>)
      tpu.yield
    }) : () -> ()
    %mul3A_1 = arith.constant 640 : i32
    %mul3A_2 = arith.muli %arg1, %mul3A_1 : i32
    %add3A_3 = arith.constant 0 : i32
    %add3A_4 = arith.addi %mul3A_2, %add3A_3 : i32
    "tpu.region"() ({
      %run_scoped3A = tpu.sem_alloc : memref<!tpu.dma_semaphore, #tpu.memory_space<semaphore_mem>>
      %dma_start3A = arith.constant 0 : i32
      %dma_start3A_51 = tpu.memref_slice %arg11[%add3A_4, %dma_start3A] : memref<10240x64xf32, #tpu.memory_space<vmem_shared>> -> memref<128x64xf32, #tpu.memory_space<vmem_shared>>
      %dma_start3A_52 = arith.constant 0 : i32
      %dma_start3A_53 = tpu.memref_slice %arg11[%add3A_4, %dma_start3A_52] : memref<10240x64xf32, #tpu.memory_space<vmem_shared>> -> memref<128x64xf32, #tpu.memory_space<vmem_shared>>
      tpu.enqueue_dma source(%arg10 : memref<128x64xf32, #tpu.memory_space<vmem>>) target(%dma_start3A_53 : memref<128x64xf32, #tpu.memory_space<vmem_shared>>) target_semaphore(%run_scoped3A : memref<!tpu.dma_semaphore, #tpu.memory_space<semaphore_mem>>)
      %dma_wait3A = arith.constant 0 : i32
      %dma_wait3A_54 = tpu.memref_slice %arg11[%add3A_4, %dma_wait3A] : memref<10240x64xf32, #tpu.memory_space<vmem_shared>> -> memref<128x64xf32, #tpu.memory_space<vmem_shared>>
      %dma_wait3A_55 = arith.constant 0 : i32
      %dma_wait3A_56 = tpu.memref_slice %arg11[%add3A_4, %dma_wait3A_55] : memref<10240x64xf32, #tpu.memory_space<vmem_shared>> -> memref<128x64xf32, #tpu.memory_space<vmem_shared>>
      tpu.wait_dma2 semaphore(%run_scoped3A : memref<!tpu.dma_semaphore, #tpu.memory_space<semaphore_mem>>) src(%arg10 : memref<128x64xf32, #tpu.memory_space<vmem>>) dst(%dma_wait3A_56 : memref<128x64xf32, #tpu.memory_space<vmem_shared>>)
      tpu.yield
    }) : () -> ()
    %mul3A_5 = arith.constant 640 : i32
    %mul3A_6 = arith.muli %arg1, %mul3A_5 : i32
    %add3A_7 = arith.constant 128 : i32
    %add3A_8 = arith.addi %mul3A_6, %add3A_7 : i32
    "tpu.region"() ({
      %run_scoped3A = tpu.sem_alloc : memref<!tpu.dma_semaphore, #tpu.memory_space<semaphore_mem>>
      %dma_start3A = arith.constant 0 : i32
      %dma_start3A_51 = tpu.memref_slice %arg11[%add3A_8, %dma_start3A] : memref<10240x64xf32, #tpu.memory_space<vmem_shared>> -> memref<128x64xf32, #tpu.memory_space<vmem_shared>>
      %dma_start3A_52 = arith.constant 0 : i32
      %dma_start3A_53 = tpu.memref_slice %arg11[%add3A_8, %dma_start3A_52] : memref<10240x64xf32, #tpu.memory_space<vmem_shared>> -> memref<128x64xf32, #tpu.memory_space<vmem_shared>>
      tpu.enqueue_dma source(%arg10 : memref<128x64xf32, #tpu.memory_space<vmem>>) target(%dma_start3A_53 : memref<128x64xf32, #tpu.memory_space<vmem_shared>>) target_semaphore(%run_scoped3A : memref<!tpu.dma_semaphore, #tpu.memory_space<semaphore_mem>>)
      %dma_wait3A = arith.constant 0 : i32
      %dma_wait3A_54 = tpu.memref_slice %arg11[%add3A_8, %dma_wait3A] : memref<10240x64xf32, #tpu.memory_space<vmem_shared>> -> memref<128x64xf32, #tpu.memory_space<vmem_shared>>
      %dma_wait3A_55 = arith.constant 0 : i32
      %dma_wait3A_56 = tpu.memref_slice %arg11[%add3A_8, %dma_wait3A_55] : memref<10240x64xf32, #tpu.memory_space<vmem_shared>> -> memref<128x64xf32, #tpu.memory_space<vmem_shared>>
      tpu.wait_dma2 semaphore(%run_scoped3A : memref<!tpu.dma_semaphore, #tpu.memory_space<semaphore_mem>>) src(%arg10 : memref<128x64xf32, #tpu.memory_space<vmem>>) dst(%dma_wait3A_56 : memref<128x64xf32, #tpu.memory_space<vmem_shared>>)
      tpu.yield
    }) : () -> ()
    %mul3A_9 = arith.constant 640 : i32
    %mul3A_10 = arith.muli %arg1, %mul3A_9 : i32
    %add3A_11 = arith.constant 256 : i32
    %add3A_12 = arith.addi %mul3A_10, %add3A_11 : i32
    "tpu.region"() ({
      %run_scoped3A = tpu.sem_alloc : memref<!tpu.dma_semaphore, #tpu.memory_space<semaphore_mem>>
      %dma_start3A = arith.constant 0 : i32
      %dma_start3A_51 = tpu.memref_slice %arg11[%add3A_12, %dma_start3A] : memref<10240x64xf32, #tpu.memory_space<vmem_shared>> -> memref<128x64xf32, #tpu.memory_space<vmem_shared>>
      %dma_start3A_52 = arith.constant 0 : i32
      %dma_start3A_53 = tpu.memref_slice %arg11[%add3A_12, %dma_start3A_52] : memref<10240x64xf32, #tpu.memory_space<vmem_shared>> -> memref<128x64xf32, #tpu.memory_space<vmem_shared>>
      tpu.enqueue_dma source(%arg10 : memref<128x64xf32, #tpu.memory_space<vmem>>) target(%dma_start3A_53 : memref<128x64xf32, #tpu.memory_space<vmem_shared>>) target_semaphore(%run_scoped3A : memref<!tpu.dma_semaphore, #tpu.memory_space<semaphore_mem>>)
      %dma_wait3A = arith.constant 0 : i32
      %dma_wait3A_54 = tpu.memref_slice %arg11[%add3A_12, %dma_wait3A] : memref<10240x64xf32, #tpu.memory_space<vmem_shared>> -> memref<128x64xf32, #tpu.memory_space<vmem_shared>>
      %dma_wait3A_55 = arith.constant 0 : i32
      %dma_wait3A_56 = tpu.memref_slice %arg11[%add3A_12, %dma_wait3A_55] : memref<10240x64xf32, #tpu.memory_space<vmem_shared>> -> memref<128x64xf32, #tpu.memory_space<vmem_shared>>
      tpu.wait_dma2 semaphore(%run_scoped3A : memref<!tpu.dma_semaphore, #tpu.memory_space<semaphore_mem>>) src(%arg10 : memref<128x64xf32, #tpu.memory_space<vmem>>) dst(%dma_wait3A_56 : memref<128x64xf32, #tpu.memory_space<vmem_shared>>)
      tpu.yield
    }) : () -> ()
    %mul3A_13 = arith.constant 640 : i32
    %mul3A_14 = arith.muli %arg1, %mul3A_13 : i32
    %add3A_15 = arith.constant 384 : i32
    %add3A_16 = arith.addi %mul3A_14, %add3A_15 : i32
    "tpu.region"() ({
      %run_scoped3A = tpu.sem_alloc : memref<!tpu.dma_semaphore, #tpu.memory_space<semaphore_mem>>
      %dma_start3A = arith.constant 0 : i32
      %dma_start3A_51 = tpu.memref_slice %arg11[%add3A_16, %dma_start3A] : memref<10240x64xf32, #tpu.memory_space<vmem_shared>> -> memref<128x64xf32, #tpu.memory_space<vmem_shared>>
      %dma_start3A_52 = arith.constant 0 : i32
      %dma_start3A_53 = tpu.memref_slice %arg11[%add3A_16, %dma_start3A_52] : memref<10240x64xf32, #tpu.memory_space<vmem_shared>> -> memref<128x64xf32, #tpu.memory_space<vmem_shared>>
      tpu.enqueue_dma source(%arg10 : memref<128x64xf32, #tpu.memory_space<vmem>>) target(%dma_start3A_53 : memref<128x64xf32, #tpu.memory_space<vmem_shared>>) target_semaphore(%run_scoped3A : memref<!tpu.dma_semaphore, #tpu.memory_space<semaphore_mem>>)
      %dma_wait3A = arith.constant 0 : i32
      %dma_wait3A_54 = tpu.memref_slice %arg11[%add3A_16, %dma_wait3A] : memref<10240x64xf32, #tpu.memory_space<vmem_shared>> -> memref<128x64xf32, #tpu.memory_space<vmem_shared>>
      %dma_wait3A_55 = arith.constant 0 : i32
      %dma_wait3A_56 = tpu.memref_slice %arg11[%add3A_16, %dma_wait3A_55] : memref<10240x64xf32, #tpu.memory_space<vmem_shared>> -> memref<128x64xf32, #tpu.memory_space<vmem_shared>>
      tpu.wait_dma2 semaphore(%run_scoped3A : memref<!tpu.dma_semaphore, #tpu.memory_space<semaphore_mem>>) src(%arg10 : memref<128x64xf32, #tpu.memory_space<vmem>>) dst(%dma_wait3A_56 : memref<128x64xf32, #tpu.memory_space<vmem_shared>>)
      tpu.yield
    }) : () -> ()
    %mul3A_17 = arith.constant 640 : i32
    %mul3A_18 = arith.muli %arg1, %mul3A_17 : i32
    %add3A_19 = arith.constant 512 : i32
    %add3A_20 = arith.addi %mul3A_18, %add3A_19 : i32
    "tpu.region"() ({
      %run_scoped3A = tpu.sem_alloc : memref<!tpu.dma_semaphore, #tpu.memory_space<semaphore_mem>>
      %dma_start3A = arith.constant 0 : i32
      %dma_start3A_51 = tpu.memref_slice %arg11[%add3A_20, %dma_start3A] : memref<10240x64xf32, #tpu.memory_space<vmem_shared>> -> memref<128x64xf32, #tpu.memory_space<vmem_shared>>
      %dma_start3A_52 = arith.constant 0 : i32
      %dma_start3A_53 = tpu.memref_slice %arg11[%add3A_20, %dma_start3A_52] : memref<10240x64xf32, #tpu.memory_space<vmem_shared>> -> memref<128x64xf32, #tpu.memory_space<vmem_shared>>
      tpu.enqueue_dma source(%arg10 : memref<128x64xf32, #tpu.memory_space<vmem>>) target(%dma_start3A_53 : memref<128x64xf32, #tpu.memory_space<vmem_shared>>) target_semaphore(%run_scoped3A : memref<!tpu.dma_semaphore, #tpu.memory_space<semaphore_mem>>)
      %dma_wait3A = arith.constant 0 : i32
      %dma_wait3A_54 = tpu.memref_slice %arg11[%add3A_20, %dma_wait3A] : memref<10240x64xf32, #tpu.memory_space<vmem_shared>> -> memref<128x64xf32, #tpu.memory_space<vmem_shared>>
      %dma_wait3A_55 = arith.constant 0 : i32
      %dma_wait3A_56 = tpu.memref_slice %arg11[%add3A_20, %dma_wait3A_55] : memref<10240x64xf32, #tpu.memory_space<vmem_shared>> -> memref<128x64xf32, #tpu.memory_space<vmem_shared>>
      tpu.wait_dma2 semaphore(%run_scoped3A : memref<!tpu.dma_semaphore, #tpu.memory_space<semaphore_mem>>) src(%arg10 : memref<128x64xf32, #tpu.memory_space<vmem>>) dst(%dma_wait3A_56 : memref<128x64xf32, #tpu.memory_space<vmem_shared>>)
      tpu.yield
    }) : () -> ()
    %mul3A_21 = arith.constant 80 : i32
    %mul3A_22 = arith.muli %add3A, %mul3A_21 : i32
    "tpu.region"() ({
      %run_scoped3A = tpu.sem_alloc : memref<!tpu.dma_semaphore, #tpu.memory_space<semaphore_mem>>
      %dma_start3A = arith.constant 0 : i32
      %dma_start3A_51 = tpu.memref_slice %arg3[%mul3A_22, %dma_start3A] : memref<2560x128xi32, #tpu.memory_space<hbm>> -> memref<80x128xi32, #tpu.memory_space<hbm>>
      %dma_start3A_52 = arith.constant 0 : i32
      %dma_start3A_53 = tpu.memref_slice %arg3[%mul3A_22, %dma_start3A_52] : memref<2560x128xi32, #tpu.memory_space<hbm>> -> memref<80x128xi32, #tpu.memory_space<hbm>>
      tpu.enqueue_dma source(%dma_start3A_53 : memref<80x128xi32, #tpu.memory_space<hbm>>) target(%arg7 : memref<80x128xi32, #tpu.memory_space<vmem>>) target_semaphore(%run_scoped3A : memref<!tpu.dma_semaphore, #tpu.memory_space<semaphore_mem>>)
      %dma_wait3A = arith.constant 0 : i32
      %dma_wait3A_54 = tpu.memref_slice %arg3[%mul3A_22, %dma_wait3A] : memref<2560x128xi32, #tpu.memory_space<hbm>> -> memref<80x128xi32, #tpu.memory_space<hbm>>
      %dma_wait3A_55 = arith.constant 0 : i32
      %dma_wait3A_56 = tpu.memref_slice %arg3[%mul3A_22, %dma_wait3A_55] : memref<2560x128xi32, #tpu.memory_space<hbm>> -> memref<80x128xi32, #tpu.memory_space<hbm>>
      tpu.wait_dma2 semaphore(%run_scoped3A : memref<!tpu.dma_semaphore, #tpu.memory_space<semaphore_mem>>) src(%dma_wait3A_56 : memref<80x128xi32, #tpu.memory_space<hbm>>) dst(%arg7 : memref<80x128xi32, #tpu.memory_space<vmem>>)
      tpu.yield
    }) : () -> ()
    %mul3A_23 = arith.constant 80 : i32
    %mul3A_24 = arith.muli %add3A, %mul3A_23 : i32
    "tpu.region"() ({
      %run_scoped3A = tpu.sem_alloc : memref<!tpu.dma_semaphore, #tpu.memory_space<semaphore_mem>>
      %dma_start3A = arith.constant 0 : i32
      %dma_start3A_51 = tpu.memref_slice %arg4[%mul3A_24, %dma_start3A] : memref<2560x128xi32, #tpu.memory_space<hbm>> -> memref<80x128xi32, #tpu.memory_space<hbm>>
      %dma_start3A_52 = arith.constant 0 : i32
      %dma_start3A_53 = tpu.memref_slice %arg4[%mul3A_24, %dma_start3A_52] : memref<2560x128xi32, #tpu.memory_space<hbm>> -> memref<80x128xi32, #tpu.memory_space<hbm>>
      tpu.enqueue_dma source(%dma_start3A_53 : memref<80x128xi32, #tpu.memory_space<hbm>>) target(%arg8 : memref<80x128xi32, #tpu.memory_space<vmem>>) target_semaphore(%run_scoped3A : memref<!tpu.dma_semaphore, #tpu.memory_space<semaphore_mem>>)
      %dma_wait3A = arith.constant 0 : i32
      %dma_wait3A_54 = tpu.memref_slice %arg4[%mul3A_24, %dma_wait3A] : memref<2560x128xi32, #tpu.memory_space<hbm>> -> memref<80x128xi32, #tpu.memory_space<hbm>>
      %dma_wait3A_55 = arith.constant 0 : i32
      %dma_wait3A_56 = tpu.memref_slice %arg4[%mul3A_24, %dma_wait3A_55] : memref<2560x128xi32, #tpu.memory_space<hbm>> -> memref<80x128xi32, #tpu.memory_space<hbm>>
      tpu.wait_dma2 semaphore(%run_scoped3A : memref<!tpu.dma_semaphore, #tpu.memory_space<semaphore_mem>>) src(%dma_wait3A_56 : memref<80x128xi32, #tpu.memory_space<hbm>>) dst(%arg8 : memref<80x128xi32, #tpu.memory_space<vmem>>)
      tpu.yield
    }) : () -> ()
    %barrier3A = arith.constant 0 : index
    tpu.barrier barrier_id(%barrier3A)
    %scan3A = arith.constant 0 : i32
    %scan3A_25 = arith.constant 0 : i32
    %scan3A_26 = arith.constant 80 : i32
    %scan3A_27 = arith.addi %scan3A_25, %scan3A_26 : i32
    %scan3A_28 = arith.constant 1 : i32
    scf.for %scan3A_51 = %scan3A_25 to %scan3A_27 step %scan3A_28  : i32 {
      %dma_start3A = arith.constant 0 : i32
      %dma_start3A_52 = tpu.memref_slice %arg7[%scan3A_51, %dma_start3A] : memref<80x128xi32, #tpu.memory_space<vmem>> -> memref<1x128xi32, #tpu.memory_space<vmem>>
      %dma_start3A_53 = tpu.memref_squeeze %dma_start3A_52 : memref<1x128xi32, #tpu.memory_space<vmem>> -> memref<128xi32, #tpu.memory_space<vmem>>
      %dma_start3A_54 = arith.constant 0 : i32
      %dma_start3A_55 = arith.constant 0 : i32
      %dma_start3A_56 = tpu.memref_slice %arg2[%dma_start3A_54, %dma_start3A_55] : memref<10000x64xf32, #tpu.memory_space<hbm>> -> memref<10000x64xf32, #tpu.memory_space<hbm>>
      tpu.enqueue_indirect_dma source(%dma_start3A_56 : memref<10000x64xf32, #tpu.memory_space<hbm>>) target(%arg9 : memref<128x64xf32, #tpu.memory_space<vmem>>) offsets(%dma_start3A_53 : memref<128xi32, #tpu.memory_space<vmem>>) semaphore(%arg12 : memref<!tpu.dma_semaphore, #tpu.memory_space<semaphore_mem>>)
      %dma_wait3A = arith.constant 0 : i32
      %dma_wait3A_57 = tpu.memref_slice %arg7[%scan3A_51, %dma_wait3A] : memref<80x128xi32, #tpu.memory_space<vmem>> -> memref<1x128xi32, #tpu.memory_space<vmem>>
      %dma_wait3A_58 = tpu.memref_squeeze %dma_wait3A_57 : memref<1x128xi32, #tpu.memory_space<vmem>> -> memref<128xi32, #tpu.memory_space<vmem>>
      %dma_wait3A_59 = arith.constant 0 : i32
      %dma_wait3A_60 = arith.constant 0 : i32
      %dma_wait3A_61 = tpu.memref_slice %arg2[%dma_wait3A_59, %dma_wait3A_60] : memref<10000x64xf32, #tpu.memory_space<hbm>> -> memref<10000x64xf32, #tpu.memory_space<hbm>>
      tpu.wait_indirect_dma semaphore(%arg12 : memref<!tpu.dma_semaphore, #tpu.memory_space<semaphore_mem>>) src(%dma_wait3A_61 : memref<10000x64xf32, #tpu.memory_space<hbm>>) dst(%arg9 : memref<128x64xf32, #tpu.memory_space<vmem>>)
      "tpu.region"() ({
        %run_scoped3A = tpu.sem_alloc : memref<!tpu.dma_semaphore, #tpu.memory_space<semaphore_mem>>
        %dma_start3A_62 = arith.constant 0 : i32
        %dma_start3A_63 = tpu.memref_slice %arg8[%scan3A_51, %dma_start3A_62] : memref<80x128xi32, #tpu.memory_space<vmem>> -> memref<1x128xi32, #tpu.memory_space<vmem>>
        %dma_start3A_64 = tpu.memref_squeeze %dma_start3A_63 : memref<1x128xi32, #tpu.memory_space<vmem>> -> memref<128xi32, #tpu.memory_space<vmem>>
        %dma_start3A_65 = arith.constant 0 : i32
        %dma_start3A_66 = arith.constant 0 : i32
        %dma_start3A_67 = tpu.memref_slice %arg11[%dma_start3A_65, %dma_start3A_66] : memref<10240x64xf32, #tpu.memory_space<vmem_shared>> -> memref<10240x64xf32, #tpu.memory_space<vmem_shared>>
        tpu.enqueue_indirect_dma source(%arg9 : memref<128x64xf32, #tpu.memory_space<vmem>>) target(%dma_start3A_67 : memref<10240x64xf32, #tpu.memory_space<vmem_shared>>) offsets(%dma_start3A_64 : memref<128xi32, #tpu.memory_space<vmem>>) semaphore(%run_scoped3A : memref<!tpu.dma_semaphore, #tpu.memory_space<semaphore_mem>>) {add = true}
        %dma_wait3A_68 = arith.constant 0 : i32
        %dma_wait3A_69 = tpu.memref_slice %arg8[%scan3A_51, %dma_wait3A_68] : memref<80x128xi32, #tpu.memory_space<vmem>> -> memref<1x128xi32, #tpu.memory_space<vmem>>
        %dma_wait3A_70 = tpu.memref_squeeze %dma_wait3A_69 : memref<1x128xi32, #tpu.memory_space<vmem>> -> memref<128xi32, #tpu.memory_space<vmem>>
        %dma_wait3A_71 = arith.constant 0 : i32
        %dma_wait3A_72 = arith.constant 0 : i32
        %dma_wait3A_73 = tpu.memref_slice %arg11[%dma_wait3A_71, %dma_wait3A_72] : memref<10240x64xf32, #tpu.memory_space<vmem_shared>> -> memref<10240x64xf32, #tpu.memory_space<vmem_shared>>
        tpu.wait_indirect_dma semaphore(%run_scoped3A : memref<!tpu.dma_semaphore, #tpu.memory_space<semaphore_mem>>) src(%arg9 : memref<128x64xf32, #tpu.memory_space<vmem>>) dst(%dma_wait3A_73 : memref<10240x64xf32, #tpu.memory_space<vmem_shared>>)
        tpu.yield
      }) : () -> ()
    }
    %scan3A_29 = arith.constant 80 : i32
    %barrier3A_30 = arith.constant 0 : index
    tpu.barrier barrier_id(%barrier3A_30)
    %mul3A_31 = arith.constant 640 : i32
    %mul3A_32 = arith.muli %arg1, %mul3A_31 : i32
    %add3A_33 = arith.constant 0 : i32
    %add3A_34 = arith.addi %mul3A_32, %add3A_33 : i32
    "tpu.region"() ({
      %run_scoped3A = tpu.sem_alloc : memref<!tpu.dma_semaphore, #tpu.memory_space<semaphore_mem>>
      %dma_start3A = arith.constant 0 : i32
      %dma_start3A_51 = tpu.memref_slice %arg11[%add3A_34, %dma_start3A] : memref<10240x64xf32, #tpu.memory_space<vmem_shared>> -> memref<128x64xf32, #tpu.memory_space<vmem_shared>>
      %dma_start3A_52 = arith.constant 0 : i32
      %dma_start3A_53 = tpu.memref_slice %arg11[%add3A_34, %dma_start3A_52] : memref<10240x64xf32, #tpu.memory_space<vmem_shared>> -> memref<128x64xf32, #tpu.memory_space<vmem_shared>>
      tpu.enqueue_dma source(%dma_start3A_53 : memref<128x64xf32, #tpu.memory_space<vmem_shared>>) target(%arg10 : memref<128x64xf32, #tpu.memory_space<vmem>>) target_semaphore(%run_scoped3A : memref<!tpu.dma_semaphore, #tpu.memory_space<semaphore_mem>>)
      %dma_wait3A = arith.constant 0 : i32
      %dma_wait3A_54 = tpu.memref_slice %arg11[%add3A_34, %dma_wait3A] : memref<10240x64xf32, #tpu.memory_space<vmem_shared>> -> memref<128x64xf32, #tpu.memory_space<vmem_shared>>
      %dma_wait3A_55 = arith.constant 0 : i32
      %dma_wait3A_56 = tpu.memref_slice %arg11[%add3A_34, %dma_wait3A_55] : memref<10240x64xf32, #tpu.memory_space<vmem_shared>> -> memref<128x64xf32, #tpu.memory_space<vmem_shared>>
      tpu.wait_dma2 semaphore(%run_scoped3A : memref<!tpu.dma_semaphore, #tpu.memory_space<semaphore_mem>>) src(%dma_wait3A_56 : memref<128x64xf32, #tpu.memory_space<vmem_shared>>) dst(%arg10 : memref<128x64xf32, #tpu.memory_space<vmem>>)
      tpu.yield
    }) : () -> ()
    "tpu.region"() ({
      %run_scoped3A = tpu.sem_alloc : memref<!tpu.dma_semaphore, #tpu.memory_space<semaphore_mem>>
      %dma_start3A = arith.constant 0 : i32
      %dma_start3A_51 = tpu.memref_slice %arg6[%arg0, %add3A_34, %dma_start3A] : memref<2x10240x64xf32, #tpu.memory_space<hbm>> -> memref<1x128x64xf32, #tpu.memory_space<hbm>>
      %dma_start3A_52 = tpu.memref_squeeze %dma_start3A_51 : memref<1x128x64xf32, #tpu.memory_space<hbm>> -> memref<128x64xf32, #tpu.memory_space<hbm>>
      %dma_start3A_53 = arith.constant 0 : i32
      %dma_start3A_54 = tpu.memref_slice %arg6[%arg0, %add3A_34, %dma_start3A_53] : memref<2x10240x64xf32, #tpu.memory_space<hbm>> -> memref<1x128x64xf32, #tpu.memory_space<hbm>>
      %dma_start3A_55 = tpu.memref_squeeze %dma_start3A_54 : memref<1x128x64xf32, #tpu.memory_space<hbm>> -> memref<128x64xf32, #tpu.memory_space<hbm>>
      tpu.enqueue_dma source(%arg10 : memref<128x64xf32, #tpu.memory_space<vmem>>) target(%dma_start3A_55 : memref<128x64xf32, #tpu.memory_space<hbm>>) target_semaphore(%run_scoped3A : memref<!tpu.dma_semaphore, #tpu.memory_space<semaphore_mem>>)
      %dma_wait3A = arith.constant 0 : i32
      %dma_wait3A_56 = tpu.memref_slice %arg6[%arg0, %add3A_34, %dma_wait3A] : memref<2x10240x64xf32, #tpu.memory_space<hbm>> -> memref<1x128x64xf32, #tpu.memory_space<hbm>>
      %dma_wait3A_57 = tpu.memref_squeeze %dma_wait3A_56 : memref<1x128x64xf32, #tpu.memory_space<hbm>> -> memref<128x64xf32, #tpu.memory_space<hbm>>
      %dma_wait3A_58 = arith.constant 0 : i32
      %dma_wait3A_59 = tpu.memref_slice %arg6[%arg0, %add3A_34, %dma_wait3A_58] : memref<2x10240x64xf32, #tpu.memory_space<hbm>> -> memref<1x128x64xf32, #tpu.memory_space<hbm>>
      %dma_wait3A_60 = tpu.memref_squeeze %dma_wait3A_59 : memref<1x128x64xf32, #tpu.memory_space<hbm>> -> memref<128x64xf32, #tpu.memory_space<hbm>>
      tpu.wait_dma2 semaphore(%run_scoped3A : memref<!tpu.dma_semaphore, #tpu.memory_space<semaphore_mem>>) src(%arg10 : memref<128x64xf32, #tpu.memory_space<vmem>>) dst(%dma_wait3A_60 : memref<128x64xf32, #tpu.memory_space<hbm>>)
      tpu.yield
    }) : () -> ()
    %mul3A_35 = arith.constant 640 : i32
    %mul3A_36 = arith.muli %arg1, %mul3A_35 : i32
    %add3A_37 = arith.constant 128 : i32
    %add3A_38 = arith.addi %mul3A_36, %add3A_37 : i32
    "tpu.region"() ({
      %run_scoped3A = tpu.sem_alloc : memref<!tpu.dma_semaphore, #tpu.memory_space<semaphore_mem>>
      %dma_start3A = arith.constant 0 : i32
      %dma_start3A_51 = tpu.memref_slice %arg11[%add3A_38, %dma_start3A] : memref<10240x64xf32, #tpu.memory_space<vmem_shared>> -> memref<128x64xf32, #tpu.memory_space<vmem_shared>>
      %dma_start3A_52 = arith.constant 0 : i32
      %dma_start3A_53 = tpu.memref_slice %arg11[%add3A_38, %dma_start3A_52] : memref<10240x64xf32, #tpu.memory_space<vmem_shared>> -> memref<128x64xf32, #tpu.memory_space<vmem_shared>>
      tpu.enqueue_dma source(%dma_start3A_53 : memref<128x64xf32, #tpu.memory_space<vmem_shared>>) target(%arg10 : memref<128x64xf32, #tpu.memory_space<vmem>>) target_semaphore(%run_scoped3A : memref<!tpu.dma_semaphore, #tpu.memory_space<semaphore_mem>>)
      %dma_wait3A = arith.constant 0 : i32
      %dma_wait3A_54 = tpu.memref_slice %arg11[%add3A_38, %dma_wait3A] : memref<10240x64xf32, #tpu.memory_space<vmem_shared>> -> memref<128x64xf32, #tpu.memory_space<vmem_shared>>
      %dma_wait3A_55 = arith.constant 0 : i32
      %dma_wait3A_56 = tpu.memref_slice %arg11[%add3A_38, %dma_wait3A_55] : memref<10240x64xf32, #tpu.memory_space<vmem_shared>> -> memref<128x64xf32, #tpu.memory_space<vmem_shared>>
      tpu.wait_dma2 semaphore(%run_scoped3A : memref<!tpu.dma_semaphore, #tpu.memory_space<semaphore_mem>>) src(%dma_wait3A_56 : memref<128x64xf32, #tpu.memory_space<vmem_shared>>) dst(%arg10 : memref<128x64xf32, #tpu.memory_space<vmem>>)
      tpu.yield
    }) : () -> ()
    "tpu.region"() ({
      %run_scoped3A = tpu.sem_alloc : memref<!tpu.dma_semaphore, #tpu.memory_space<semaphore_mem>>
      %dma_start3A = arith.constant 0 : i32
      %dma_start3A_51 = tpu.memref_slice %arg6[%arg0, %add3A_38, %dma_start3A] : memref<2x10240x64xf32, #tpu.memory_space<hbm>> -> memref<1x128x64xf32, #tpu.memory_space<hbm>>
      %dma_start3A_52 = tpu.memref_squeeze %dma_start3A_51 : memref<1x128x64xf32, #tpu.memory_space<hbm>> -> memref<128x64xf32, #tpu.memory_space<hbm>>
      %dma_start3A_53 = arith.constant 0 : i32
      %dma_start3A_54 = tpu.memref_slice %arg6[%arg0, %add3A_38, %dma_start3A_53] : memref<2x10240x64xf32, #tpu.memory_space<hbm>> -> memref<1x128x64xf32, #tpu.memory_space<hbm>>
      %dma_start3A_55 = tpu.memref_squeeze %dma_start3A_54 : memref<1x128x64xf32, #tpu.memory_space<hbm>> -> memref<128x64xf32, #tpu.memory_space<hbm>>
      tpu.enqueue_dma source(%arg10 : memref<128x64xf32, #tpu.memory_space<vmem>>) target(%dma_start3A_55 : memref<128x64xf32, #tpu.memory_space<hbm>>) target_semaphore(%run_scoped3A : memref<!tpu.dma_semaphore, #tpu.memory_space<semaphore_mem>>)
      %dma_wait3A = arith.constant 0 : i32
      %dma_wait3A_56 = tpu.memref_slice %arg6[%arg0, %add3A_38, %dma_wait3A] : memref<2x10240x64xf32, #tpu.memory_space<hbm>> -> memref<1x128x64xf32, #tpu.memory_space<hbm>>
      %dma_wait3A_57 = tpu.memref_squeeze %dma_wait3A_56 : memref<1x128x64xf32, #tpu.memory_space<hbm>> -> memref<128x64xf32, #tpu.memory_space<hbm>>
      %dma_wait3A_58 = arith.constant 0 : i32
      %dma_wait3A_59 = tpu.memref_slice %arg6[%arg0, %add3A_38, %dma_wait3A_58] : memref<2x10240x64xf32, #tpu.memory_space<hbm>> -> memref<1x128x64xf32, #tpu.memory_space<hbm>>
      %dma_wait3A_60 = tpu.memref_squeeze %dma_wait3A_59 : memref<1x128x64xf32, #tpu.memory_space<hbm>> -> memref<128x64xf32, #tpu.memory_space<hbm>>
      tpu.wait_dma2 semaphore(%run_scoped3A : memref<!tpu.dma_semaphore, #tpu.memory_space<semaphore_mem>>) src(%arg10 : memref<128x64xf32, #tpu.memory_space<vmem>>) dst(%dma_wait3A_60 : memref<128x64xf32, #tpu.memory_space<hbm>>)
      tpu.yield
    }) : () -> ()
    %mul3A_39 = arith.constant 640 : i32
    %mul3A_40 = arith.muli %arg1, %mul3A_39 : i32
    %add3A_41 = arith.constant 256 : i32
    %add3A_42 = arith.addi %mul3A_40, %add3A_41 : i32
    "tpu.region"() ({
      %run_scoped3A = tpu.sem_alloc : memref<!tpu.dma_semaphore, #tpu.memory_space<semaphore_mem>>
      %dma_start3A = arith.constant 0 : i32
      %dma_start3A_51 = tpu.memref_slice %arg11[%add3A_42, %dma_start3A] : memref<10240x64xf32, #tpu.memory_space<vmem_shared>> -> memref<128x64xf32, #tpu.memory_space<vmem_shared>>
      %dma_start3A_52 = arith.constant 0 : i32
      %dma_start3A_53 = tpu.memref_slice %arg11[%add3A_42, %dma_start3A_52] : memref<10240x64xf32, #tpu.memory_space<vmem_shared>> -> memref<128x64xf32, #tpu.memory_space<vmem_shared>>
      tpu.enqueue_dma source(%dma_start3A_53 : memref<128x64xf32, #tpu.memory_space<vmem_shared>>) target(%arg10 : memref<128x64xf32, #tpu.memory_space<vmem>>) target_semaphore(%run_scoped3A : memref<!tpu.dma_semaphore, #tpu.memory_space<semaphore_mem>>)
      %dma_wait3A = arith.constant 0 : i32
      %dma_wait3A_54 = tpu.memref_slice %arg11[%add3A_42, %dma_wait3A] : memref<10240x64xf32, #tpu.memory_space<vmem_shared>> -> memref<128x64xf32, #tpu.memory_space<vmem_shared>>
      %dma_wait3A_55 = arith.constant 0 : i32
      %dma_wait3A_56 = tpu.memref_slice %arg11[%add3A_42, %dma_wait3A_55] : memref<10240x64xf32, #tpu.memory_space<vmem_shared>> -> memref<128x64xf32, #tpu.memory_space<vmem_shared>>
      tpu.wait_dma2 semaphore(%run_scoped3A : memref<!tpu.dma_semaphore, #tpu.memory_space<semaphore_mem>>) src(%dma_wait3A_56 : memref<128x64xf32, #tpu.memory_space<vmem_shared>>) dst(%arg10 : memref<128x64xf32, #tpu.memory_space<vmem>>)
      tpu.yield
    }) : () -> ()
    "tpu.region"() ({
      %run_scoped3A = tpu.sem_alloc : memref<!tpu.dma_semaphore, #tpu.memory_space<semaphore_mem>>
      %dma_start3A = arith.constant 0 : i32
      %dma_start3A_51 = tpu.memref_slice %arg6[%arg0, %add3A_42, %dma_start3A] : memref<2x10240x64xf32, #tpu.memory_space<hbm>> -> memref<1x128x64xf32, #tpu.memory_space<hbm>>
      %dma_start3A_52 = tpu.memref_squeeze %dma_start3A_51 : memref<1x128x64xf32, #tpu.memory_space<hbm>> -> memref<128x64xf32, #tpu.memory_space<hbm>>
      %dma_start3A_53 = arith.constant 0 : i32
      %dma_start3A_54 = tpu.memref_slice %arg6[%arg0, %add3A_42, %dma_start3A_53] : memref<2x10240x64xf32, #tpu.memory_space<hbm>> -> memref<1x128x64xf32, #tpu.memory_space<hbm>>
      %dma_start3A_55 = tpu.memref_squeeze %dma_start3A_54 : memref<1x128x64xf32, #tpu.memory_space<hbm>> -> memref<128x64xf32, #tpu.memory_space<hbm>>
      tpu.enqueue_dma source(%arg10 : memref<128x64xf32, #tpu.memory_space<vmem>>) target(%dma_start3A_55 : memref<128x64xf32, #tpu.memory_space<hbm>>) target_semaphore(%run_scoped3A : memref<!tpu.dma_semaphore, #tpu.memory_space<semaphore_mem>>)
      %dma_wait3A = arith.constant 0 : i32
      %dma_wait3A_56 = tpu.memref_slice %arg6[%arg0, %add3A_42, %dma_wait3A] : memref<2x10240x64xf32, #tpu.memory_space<hbm>> -> memref<1x128x64xf32, #tpu.memory_space<hbm>>
      %dma_wait3A_57 = tpu.memref_squeeze %dma_wait3A_56 : memref<1x128x64xf32, #tpu.memory_space<hbm>> -> memref<128x64xf32, #tpu.memory_space<hbm>>
      %dma_wait3A_58 = arith.constant 0 : i32
      %dma_wait3A_59 = tpu.memref_slice %arg6[%arg0, %add3A_42, %dma_wait3A_58] : memref<2x10240x64xf32, #tpu.memory_space<hbm>> -> memref<1x128x64xf32, #tpu.memory_space<hbm>>
      %dma_wait3A_60 = tpu.memref_squeeze %dma_wait3A_59 : memref<1x128x64xf32, #tpu.memory_space<hbm>> -> memref<128x64xf32, #tpu.memory_space<hbm>>
      tpu.wait_dma2 semaphore(%run_scoped3A : memref<!tpu.dma_semaphore, #tpu.memory_space<semaphore_mem>>) src(%arg10 : memref<128x64xf32, #tpu.memory_space<vmem>>) dst(%dma_wait3A_60 : memref<128x64xf32, #tpu.memory_space<hbm>>)
      tpu.yield
    }) : () -> ()
    %mul3A_43 = arith.constant 640 : i32
    %mul3A_44 = arith.muli %arg1, %mul3A_43 : i32
    %add3A_45 = arith.constant 384 : i32
    %add3A_46 = arith.addi %mul3A_44, %add3A_45 : i32
    "tpu.region"() ({
      %run_scoped3A = tpu.sem_alloc : memref<!tpu.dma_semaphore, #tpu.memory_space<semaphore_mem>>
      %dma_start3A = arith.constant 0 : i32
      %dma_start3A_51 = tpu.memref_slice %arg11[%add3A_46, %dma_start3A] : memref<10240x64xf32, #tpu.memory_space<vmem_shared>> -> memref<128x64xf32, #tpu.memory_space<vmem_shared>>
      %dma_start3A_52 = arith.constant 0 : i32
      %dma_start3A_53 = tpu.memref_slice %arg11[%add3A_46, %dma_start3A_52] : memref<10240x64xf32, #tpu.memory_space<vmem_shared>> -> memref<128x64xf32, #tpu.memory_space<vmem_shared>>
      tpu.enqueue_dma source(%dma_start3A_53 : memref<128x64xf32, #tpu.memory_space<vmem_shared>>) target(%arg10 : memref<128x64xf32, #tpu.memory_space<vmem>>) target_semaphore(%run_scoped3A : memref<!tpu.dma_semaphore, #tpu.memory_space<semaphore_mem>>)
      %dma_wait3A = arith.constant 0 : i32
      %dma_wait3A_54 = tpu.memref_slice %arg11[%add3A_46, %dma_wait3A] : memref<10240x64xf32, #tpu.memory_space<vmem_shared>> -> memref<128x64xf32, #tpu.memory_space<vmem_shared>>
      %dma_wait3A_55 = arith.constant 0 : i32
      %dma_wait3A_56 = tpu.memref_slice %arg11[%add3A_46, %dma_wait3A_55] : memref<10240x64xf32, #tpu.memory_space<vmem_shared>> -> memref<128x64xf32, #tpu.memory_space<vmem_shared>>
      tpu.wait_dma2 semaphore(%run_scoped3A : memref<!tpu.dma_semaphore, #tpu.memory_space<semaphore_mem>>) src(%dma_wait3A_56 : memref<128x64xf32, #tpu.memory_space<vmem_shared>>) dst(%arg10 : memref<128x64xf32, #tpu.memory_space<vmem>>)
      tpu.yield
    }) : () -> ()
    "tpu.region"() ({
      %run_scoped3A = tpu.sem_alloc : memref<!tpu.dma_semaphore, #tpu.memory_space<semaphore_mem>>
      %dma_start3A = arith.constant 0 : i32
      %dma_start3A_51 = tpu.memref_slice %arg6[%arg0, %add3A_46, %dma_start3A] : memref<2x10240x64xf32, #tpu.memory_space<hbm>> -> memref<1x128x64xf32, #tpu.memory_space<hbm>>
      %dma_start3A_52 = tpu.memref_squeeze %dma_start3A_51 : memref<1x128x64xf32, #tpu.memory_space<hbm>> -> memref<128x64xf32, #tpu.memory_space<hbm>>
      %dma_start3A_53 = arith.constant 0 : i32
      %dma_start3A_54 = tpu.memref_slice %arg6[%arg0, %add3A_46, %dma_start3A_53] : memref<2x10240x64xf32, #tpu.memory_space<hbm>> -> memref<1x128x64xf32, #tpu.memory_space<hbm>>
      %dma_start3A_55 = tpu.memref_squeeze %dma_start3A_54 : memref<1x128x64xf32, #tpu.memory_space<hbm>> -> memref<128x64xf32, #tpu.memory_space<hbm>>
      tpu.enqueue_dma source(%arg10 : memref<128x64xf32, #tpu.memory_space<vmem>>) target(%dma_start3A_55 : memref<128x64xf32, #tpu.memory_space<hbm>>) target_semaphore(%run_scoped3A : memref<!tpu.dma_semaphore, #tpu.memory_space<semaphore_mem>>)
      %dma_wait3A = arith.constant 0 : i32
      %dma_wait3A_56 = tpu.memref_slice %arg6[%arg0, %add3A_46, %dma_wait3A] : memref<2x10240x64xf32, #tpu.memory_space<hbm>> -> memref<1x128x64xf32, #tpu.memory_space<hbm>>
      %dma_wait3A_57 = tpu.memref_squeeze %dma_wait3A_56 : memref<1x128x64xf32, #tpu.memory_space<hbm>> -> memref<128x64xf32, #tpu.memory_space<hbm>>
      %dma_wait3A_58 = arith.constant 0 : i32
      %dma_wait3A_59 = tpu.memref_slice %arg6[%arg0, %add3A_46, %dma_wait3A_58] : memref<2x10240x64xf32, #tpu.memory_space<hbm>> -> memref<1x128x64xf32, #tpu.memory_space<hbm>>
      %dma_wait3A_60 = tpu.memref_squeeze %dma_wait3A_59 : memref<1x128x64xf32, #tpu.memory_space<hbm>> -> memref<128x64xf32, #tpu.memory_space<hbm>>
      tpu.wait_dma2 semaphore(%run_scoped3A : memref<!tpu.dma_semaphore, #tpu.memory_space<semaphore_mem>>) src(%arg10 : memref<128x64xf32, #tpu.memory_space<vmem>>) dst(%dma_wait3A_60 : memref<128x64xf32, #tpu.memory_space<hbm>>)
      tpu.yield
    }) : () -> ()
    %mul3A_47 = arith.constant 640 : i32
    %mul3A_48 = arith.muli %arg1, %mul3A_47 : i32
    %add3A_49 = arith.constant 512 : i32
    %add3A_50 = arith.addi %mul3A_48, %add3A_49 : i32
    "tpu.region"() ({
      %run_scoped3A = tpu.sem_alloc : memref<!tpu.dma_semaphore, #tpu.memory_space<semaphore_mem>>
      %dma_start3A = arith.constant 0 : i32
      %dma_start3A_51 = tpu.memref_slice %arg11[%add3A_50, %dma_start3A] : memref<10240x64xf32, #tpu.memory_space<vmem_shared>> -> memref<128x64xf32, #tpu.memory_space<vmem_shared>>
      %dma_start3A_52 = arith.constant 0 : i32
      %dma_start3A_53 = tpu.memref_slice %arg11[%add3A_50, %dma_start3A_52] : memref<10240x64xf32, #tpu.memory_space<vmem_shared>> -> memref<128x64xf32, #tpu.memory_space<vmem_shared>>
      tpu.enqueue_dma source(%dma_start3A_53 : memref<128x64xf32, #tpu.memory_space<vmem_shared>>) target(%arg10 : memref<128x64xf32, #tpu.memory_space<vmem>>) target_semaphore(%run_scoped3A : memref<!tpu.dma_semaphore, #tpu.memory_space<semaphore_mem>>)
      %dma_wait3A = arith.constant 0 : i32
      %dma_wait3A_54 = tpu.memref_slice %arg11[%add3A_50, %dma_wait3A] : memref<10240x64xf32, #tpu.memory_space<vmem_shared>> -> memref<128x64xf32, #tpu.memory_space<vmem_shared>>
      %dma_wait3A_55 = arith.constant 0 : i32
      %dma_wait3A_56 = tpu.memref_slice %arg11[%add3A_50, %dma_wait3A_55] : memref<10240x64xf32, #tpu.memory_space<vmem_shared>> -> memref<128x64xf32, #tpu.memory_space<vmem_shared>>
      tpu.wait_dma2 semaphore(%run_scoped3A : memref<!tpu.dma_semaphore, #tpu.memory_space<semaphore_mem>>) src(%dma_wait3A_56 : memref<128x64xf32, #tpu.memory_space<vmem_shared>>) dst(%arg10 : memref<128x64xf32, #tpu.memory_space<vmem>>)
      tpu.yield
    }) : () -> ()
    "tpu.region"() ({
      %run_scoped3A = tpu.sem_alloc : memref<!tpu.dma_semaphore, #tpu.memory_space<semaphore_mem>>
      %dma_start3A = arith.constant 0 : i32
      %dma_start3A_51 = tpu.memref_slice %arg6[%arg0, %add3A_50, %dma_start3A] : memref<2x10240x64xf32, #tpu.memory_space<hbm>> -> memref<1x128x64xf32, #tpu.memory_space<hbm>>
      %dma_start3A_52 = tpu.memref_squeeze %dma_start3A_51 : memref<1x128x64xf32, #tpu.memory_space<hbm>> -> memref<128x64xf32, #tpu.memory_space<hbm>>
      %dma_start3A_53 = arith.constant 0 : i32
      %dma_start3A_54 = tpu.memref_slice %arg6[%arg0, %add3A_50, %dma_start3A_53] : memref<2x10240x64xf32, #tpu.memory_space<hbm>> -> memref<1x128x64xf32, #tpu.memory_space<hbm>>
      %dma_start3A_55 = tpu.memref_squeeze %dma_start3A_54 : memref<1x128x64xf32, #tpu.memory_space<hbm>> -> memref<128x64xf32, #tpu.memory_space<hbm>>
      tpu.enqueue_dma source(%arg10 : memref<128x64xf32, #tpu.memory_space<vmem>>) target(%dma_start3A_55 : memref<128x64xf32, #tpu.memory_space<hbm>>) target_semaphore(%run_scoped3A : memref<!tpu.dma_semaphore, #tpu.memory_space<semaphore_mem>>)
      %dma_wait3A = arith.constant 0 : i32
      %dma_wait3A_56 = tpu.memref_slice %arg6[%arg0, %add3A_50, %dma_wait3A] : memref<2x10240x64xf32, #tpu.memory_space<hbm>> -> memref<1x128x64xf32, #tpu.memory_space<hbm>>
      %dma_wait3A_57 = tpu.memref_squeeze %dma_wait3A_56 : memref<1x128x64xf32, #tpu.memory_space<hbm>> -> memref<128x64xf32, #tpu.memory_space<hbm>>
      %dma_wait3A_58 = arith.constant 0 : i32
      %dma_wait3A_59 = tpu.memref_slice %arg6[%arg0, %add3A_50, %dma_wait3A_58] : memref<2x10240x64xf32, #tpu.memory_space<hbm>> -> memref<1x128x64xf32, #tpu.memory_space<hbm>>
      %dma_wait3A_60 = tpu.memref_squeeze %dma_wait3A_59 : memref<1x128x64xf32, #tpu.memory_space<hbm>> -> memref<128x64xf32, #tpu.memory_space<hbm>>
      tpu.wait_dma2 semaphore(%run_scoped3A : memref<!tpu.dma_semaphore, #tpu.memory_space<semaphore_mem>>) src(%arg10 : memref<128x64xf32, #tpu.memory_space<vmem>>) dst(%dma_wait3A_60 : memref<128x64xf32, #tpu.memory_space<hbm>>)
      tpu.yield
    }) : () -> ()
    return
  }
}

#map = affine_map<(d0, d1) -> (0, 0)>
#map1 = affine_map<(d0, d1) -> (0, 0, 0)>
module attributes {stable_mosaic.version = 14 : i64} {
  func.func @agg(%arg0: i32, %arg1: i32, %arg2: memref<10000x64xf32, #tpu.memory_space<hbm>>, %arg3: memref<2560x128xi32, #tpu.memory_space<hbm>>, %arg4: memref<2560x128xi32, #tpu.memory_space<hbm>>, %arg5: memref<128x64xf32, #tpu.memory_space<hbm>>, %arg6: memref<2x10240x64xf32, #tpu.memory_space<hbm>>, %arg7: memref<80x128xi32, #tpu.memory_space<vmem>>, %arg8: memref<80x128xi32, #tpu.memory_space<vmem>>, %arg9: memref<128x64xf32, #tpu.memory_space<vmem>>, %arg10: memref<128x64xf32, #tpu.memory_space<vmem>>, %arg11: memref<10240x64xf32, #tpu.memory_space<vmem_shared>>, %arg12: memref<!tpu.dma_semaphore, #tpu.memory_space<semaphore_mem>>) attributes {dimension_semantics = [#tpu.dimension_semantics<core_parallel>, #tpu.dimension_semantics<subcore_parallel>], iteration_bounds = array<i64: 2, 16>, scalar_prefetch = 0 : i64, scratch_operands = 6 : i64, tpu.core_type = #tpu.core_type<sc_vector_subcore>, window_params = [{transform_indices = #map}, {transform_indices = #map}, {transform_indices = #map}, {transform_indices = #map}, {transform_indices = #map1}]} {
    %mul3A = arith.constant 16 : i32
    %mul3A_0 = arith.muli %arg0, %mul3A : i32
    %add3A = arith.addi %mul3A_0, %arg1 : i32
    "tpu.region"() ({
      %run_scoped3A = tpu.sem_alloc : memref<!tpu.dma_semaphore, #tpu.memory_space<semaphore_mem>>
      tpu.enqueue_dma source(%arg5 : memref<128x64xf32, #tpu.memory_space<hbm>>) target(%arg10 : memref<128x64xf32, #tpu.memory_space<vmem>>) target_semaphore(%run_scoped3A : memref<!tpu.dma_semaphore, #tpu.memory_space<semaphore_mem>>)
      tpu.wait_dma2 semaphore(%run_scoped3A : memref<!tpu.dma_semaphore, #tpu.memory_space<semaphore_mem>>) src(%arg5 : memref<128x64xf32, #tpu.memory_space<hbm>>) dst(%arg10 : memref<128x64xf32, #tpu.memory_space<vmem>>)
      tpu.yield
    }) : () -> ()
    %mul3A_1 = arith.constant 640 : i32
    %mul3A_2 = arith.muli %arg1, %mul3A_1 : i32
    %add3A_3 = arith.constant 0 : i32
    %add3A_4 = arith.addi %mul3A_2, %add3A_3 : i32
    "tpu.region"() ({
      %run_scoped3A = tpu.sem_alloc : memref<!tpu.dma_semaphore, #tpu.memory_space<semaphore_mem>>
      %dma_start3A = arith.constant 0 : i32
      %dma_start3A_51 = tpu.memref_slice %arg11[%add3A_4, %dma_start3A] : memref<10240x64xf32, #tpu.memory_space<vmem_shared>> -> memref<128x64xf32, #tpu.memory_space<vmem_shared>>
      %dma_start3A_52 = arith.constant 0 : i32
      %dma_start3A_53 = tpu.memref_slice %arg11[%add3A_4, %dma_start3A_52] : memref<10240x64xf32, #tpu.memory_space<vmem_shared>> -> memref<128x64xf32, #tpu.memory_space<vmem_shared>>
      tpu.enqueue_dma source(%arg10 : memref<128x64xf32, #tpu.memory_space<vmem>>) target(%dma_start3A_53 : memref<128x64xf32, #tpu.memory_space<vmem_shared>>) target_semaphore(%run_scoped3A : memref<!tpu.dma_semaphore, #tpu.memory_space<semaphore_mem>>)
      %dma_wait3A = arith.constant 0 : i32
      %dma_wait3A_54 = tpu.memref_slice %arg11[%add3A_4, %dma_wait3A] : memref<10240x64xf32, #tpu.memory_space<vmem_shared>> -> memref<128x64xf32, #tpu.memory_space<vmem_shared>>
      %dma_wait3A_55 = arith.constant 0 : i32
      %dma_wait3A_56 = tpu.memref_slice %arg11[%add3A_4, %dma_wait3A_55] : memref<10240x64xf32, #tpu.memory_space<vmem_shared>> -> memref<128x64xf32, #tpu.memory_space<vmem_shared>>
      tpu.wait_dma2 semaphore(%run_scoped3A : memref<!tpu.dma_semaphore, #tpu.memory_space<semaphore_mem>>) src(%arg10 : memref<128x64xf32, #tpu.memory_space<vmem>>) dst(%dma_wait3A_56 : memref<128x64xf32, #tpu.memory_space<vmem_shared>>)
      tpu.yield
    }) : () -> ()
    %mul3A_5 = arith.constant 640 : i32
    %mul3A_6 = arith.muli %arg1, %mul3A_5 : i32
    %add3A_7 = arith.constant 128 : i32
    %add3A_8 = arith.addi %mul3A_6, %add3A_7 : i32
    "tpu.region"() ({
      %run_scoped3A = tpu.sem_alloc : memref<!tpu.dma_semaphore, #tpu.memory_space<semaphore_mem>>
      %dma_start3A = arith.constant 0 : i32
      %dma_start3A_51 = tpu.memref_slice %arg11[%add3A_8, %dma_start3A] : memref<10240x64xf32, #tpu.memory_space<vmem_shared>> -> memref<128x64xf32, #tpu.memory_space<vmem_shared>>
      %dma_start3A_52 = arith.constant 0 : i32
      %dma_start3A_53 = tpu.memref_slice %arg11[%add3A_8, %dma_start3A_52] : memref<10240x64xf32, #tpu.memory_space<vmem_shared>> -> memref<128x64xf32, #tpu.memory_space<vmem_shared>>
      tpu.enqueue_dma source(%arg10 : memref<128x64xf32, #tpu.memory_space<vmem>>) target(%dma_start3A_53 : memref<128x64xf32, #tpu.memory_space<vmem_shared>>) target_semaphore(%run_scoped3A : memref<!tpu.dma_semaphore, #tpu.memory_space<semaphore_mem>>)
      %dma_wait3A = arith.constant 0 : i32
      %dma_wait3A_54 = tpu.memref_slice %arg11[%add3A_8, %dma_wait3A] : memref<10240x64xf32, #tpu.memory_space<vmem_shared>> -> memref<128x64xf32, #tpu.memory_space<vmem_shared>>
      %dma_wait3A_55 = arith.constant 0 : i32
      %dma_wait3A_56 = tpu.memref_slice %arg11[%add3A_8, %dma_wait3A_55] : memref<10240x64xf32, #tpu.memory_space<vmem_shared>> -> memref<128x64xf32, #tpu.memory_space<vmem_shared>>
      tpu.wait_dma2 semaphore(%run_scoped3A : memref<!tpu.dma_semaphore, #tpu.memory_space<semaphore_mem>>) src(%arg10 : memref<128x64xf32, #tpu.memory_space<vmem>>) dst(%dma_wait3A_56 : memref<128x64xf32, #tpu.memory_space<vmem_shared>>)
      tpu.yield
    }) : () -> ()
    %mul3A_9 = arith.constant 640 : i32
    %mul3A_10 = arith.muli %arg1, %mul3A_9 : i32
    %add3A_11 = arith.constant 256 : i32
    %add3A_12 = arith.addi %mul3A_10, %add3A_11 : i32
    "tpu.region"() ({
      %run_scoped3A = tpu.sem_alloc : memref<!tpu.dma_semaphore, #tpu.memory_space<semaphore_mem>>
      %dma_start3A = arith.constant 0 : i32
      %dma_start3A_51 = tpu.memref_slice %arg11[%add3A_12, %dma_start3A] : memref<10240x64xf32, #tpu.memory_space<vmem_shared>> -> memref<128x64xf32, #tpu.memory_space<vmem_shared>>
      %dma_start3A_52 = arith.constant 0 : i32
      %dma_start3A_53 = tpu.memref_slice %arg11[%add3A_12, %dma_start3A_52] : memref<10240x64xf32, #tpu.memory_space<vmem_shared>> -> memref<128x64xf32, #tpu.memory_space<vmem_shared>>
      tpu.enqueue_dma source(%arg10 : memref<128x64xf32, #tpu.memory_space<vmem>>) target(%dma_start3A_53 : memref<128x64xf32, #tpu.memory_space<vmem_shared>>) target_semaphore(%run_scoped3A : memref<!tpu.dma_semaphore, #tpu.memory_space<semaphore_mem>>)
      %dma_wait3A = arith.constant 0 : i32
      %dma_wait3A_54 = tpu.memref_slice %arg11[%add3A_12, %dma_wait3A] : memref<10240x64xf32, #tpu.memory_space<vmem_shared>> -> memref<128x64xf32, #tpu.memory_space<vmem_shared>>
      %dma_wait3A_55 = arith.constant 0 : i32
      %dma_wait3A_56 = tpu.memref_slice %arg11[%add3A_12, %dma_wait3A_55] : memref<10240x64xf32, #tpu.memory_space<vmem_shared>> -> memref<128x64xf32, #tpu.memory_space<vmem_shared>>
      tpu.wait_dma2 semaphore(%run_scoped3A : memref<!tpu.dma_semaphore, #tpu.memory_space<semaphore_mem>>) src(%arg10 : memref<128x64xf32, #tpu.memory_space<vmem>>) dst(%dma_wait3A_56 : memref<128x64xf32, #tpu.memory_space<vmem_shared>>)
      tpu.yield
    }) : () -> ()
    %mul3A_13 = arith.constant 640 : i32
    %mul3A_14 = arith.muli %arg1, %mul3A_13 : i32
    %add3A_15 = arith.constant 384 : i32
    %add3A_16 = arith.addi %mul3A_14, %add3A_15 : i32
    "tpu.region"() ({
      %run_scoped3A = tpu.sem_alloc : memref<!tpu.dma_semaphore, #tpu.memory_space<semaphore_mem>>
      %dma_start3A = arith.constant 0 : i32
      %dma_start3A_51 = tpu.memref_slice %arg11[%add3A_16, %dma_start3A] : memref<10240x64xf32, #tpu.memory_space<vmem_shared>> -> memref<128x64xf32, #tpu.memory_space<vmem_shared>>
      %dma_start3A_52 = arith.constant 0 : i32
      %dma_start3A_53 = tpu.memref_slice %arg11[%add3A_16, %dma_start3A_52] : memref<10240x64xf32, #tpu.memory_space<vmem_shared>> -> memref<128x64xf32, #tpu.memory_space<vmem_shared>>
      tpu.enqueue_dma source(%arg10 : memref<128x64xf32, #tpu.memory_space<vmem>>) target(%dma_start3A_53 : memref<128x64xf32, #tpu.memory_space<vmem_shared>>) target_semaphore(%run_scoped3A : memref<!tpu.dma_semaphore, #tpu.memory_space<semaphore_mem>>)
      %dma_wait3A = arith.constant 0 : i32
      %dma_wait3A_54 = tpu.memref_slice %arg11[%add3A_16, %dma_wait3A] : memref<10240x64xf32, #tpu.memory_space<vmem_shared>> -> memref<128x64xf32, #tpu.memory_space<vmem_shared>>
      %dma_wait3A_55 = arith.constant 0 : i32
      %dma_wait3A_56 = tpu.memref_slice %arg11[%add3A_16, %dma_wait3A_55] : memref<10240x64xf32, #tpu.memory_space<vmem_shared>> -> memref<128x64xf32, #tpu.memory_space<vmem_shared>>
      tpu.wait_dma2 semaphore(%run_scoped3A : memref<!tpu.dma_semaphore, #tpu.memory_space<semaphore_mem>>) src(%arg10 : memref<128x64xf32, #tpu.memory_space<vmem>>) dst(%dma_wait3A_56 : memref<128x64xf32, #tpu.memory_space<vmem_shared>>)
      tpu.yield
    }) : () -> ()
    %mul3A_17 = arith.constant 640 : i32
    %mul3A_18 = arith.muli %arg1, %mul3A_17 : i32
    %add3A_19 = arith.constant 512 : i32
    %add3A_20 = arith.addi %mul3A_18, %add3A_19 : i32
    "tpu.region"() ({
      %run_scoped3A = tpu.sem_alloc : memref<!tpu.dma_semaphore, #tpu.memory_space<semaphore_mem>>
      %dma_start3A = arith.constant 0 : i32
      %dma_start3A_51 = tpu.memref_slice %arg11[%add3A_20, %dma_start3A] : memref<10240x64xf32, #tpu.memory_space<vmem_shared>> -> memref<128x64xf32, #tpu.memory_space<vmem_shared>>
      %dma_start3A_52 = arith.constant 0 : i32
      %dma_start3A_53 = tpu.memref_slice %arg11[%add3A_20, %dma_start3A_52] : memref<10240x64xf32, #tpu.memory_space<vmem_shared>> -> memref<128x64xf32, #tpu.memory_space<vmem_shared>>
      tpu.enqueue_dma source(%arg10 : memref<128x64xf32, #tpu.memory_space<vmem>>) target(%dma_start3A_53 : memref<128x64xf32, #tpu.memory_space<vmem_shared>>) target_semaphore(%run_scoped3A : memref<!tpu.dma_semaphore, #tpu.memory_space<semaphore_mem>>)
      %dma_wait3A = arith.constant 0 : i32
      %dma_wait3A_54 = tpu.memref_slice %arg11[%add3A_20, %dma_wait3A] : memref<10240x64xf32, #tpu.memory_space<vmem_shared>> -> memref<128x64xf32, #tpu.memory_space<vmem_shared>>
      %dma_wait3A_55 = arith.constant 0 : i32
      %dma_wait3A_56 = tpu.memref_slice %arg11[%add3A_20, %dma_wait3A_55] : memref<10240x64xf32, #tpu.memory_space<vmem_shared>> -> memref<128x64xf32, #tpu.memory_space<vmem_shared>>
      tpu.wait_dma2 semaphore(%run_scoped3A : memref<!tpu.dma_semaphore, #tpu.memory_space<semaphore_mem>>) src(%arg10 : memref<128x64xf32, #tpu.memory_space<vmem>>) dst(%dma_wait3A_56 : memref<128x64xf32, #tpu.memory_space<vmem_shared>>)
      tpu.yield
    }) : () -> ()
    %mul3A_21 = arith.constant 80 : i32
    %mul3A_22 = arith.muli %add3A, %mul3A_21 : i32
    "tpu.region"() ({
      %run_scoped3A = tpu.sem_alloc : memref<!tpu.dma_semaphore, #tpu.memory_space<semaphore_mem>>
      %dma_start3A = arith.constant 0 : i32
      %dma_start3A_51 = tpu.memref_slice %arg3[%mul3A_22, %dma_start3A] : memref<2560x128xi32, #tpu.memory_space<hbm>> -> memref<80x128xi32, #tpu.memory_space<hbm>>
      %dma_start3A_52 = arith.constant 0 : i32
      %dma_start3A_53 = tpu.memref_slice %arg3[%mul3A_22, %dma_start3A_52] : memref<2560x128xi32, #tpu.memory_space<hbm>> -> memref<80x128xi32, #tpu.memory_space<hbm>>
      tpu.enqueue_dma source(%dma_start3A_53 : memref<80x128xi32, #tpu.memory_space<hbm>>) target(%arg7 : memref<80x128xi32, #tpu.memory_space<vmem>>) target_semaphore(%run_scoped3A : memref<!tpu.dma_semaphore, #tpu.memory_space<semaphore_mem>>)
      %dma_wait3A = arith.constant 0 : i32
      %dma_wait3A_54 = tpu.memref_slice %arg3[%mul3A_22, %dma_wait3A] : memref<2560x128xi32, #tpu.memory_space<hbm>> -> memref<80x128xi32, #tpu.memory_space<hbm>>
      %dma_wait3A_55 = arith.constant 0 : i32
      %dma_wait3A_56 = tpu.memref_slice %arg3[%mul3A_22, %dma_wait3A_55] : memref<2560x128xi32, #tpu.memory_space<hbm>> -> memref<80x128xi32, #tpu.memory_space<hbm>>
      tpu.wait_dma2 semaphore(%run_scoped3A : memref<!tpu.dma_semaphore, #tpu.memory_space<semaphore_mem>>) src(%dma_wait3A_56 : memref<80x128xi32, #tpu.memory_space<hbm>>) dst(%arg7 : memref<80x128xi32, #tpu.memory_space<vmem>>)
      tpu.yield
    }) : () -> ()
    %mul3A_23 = arith.constant 80 : i32
    %mul3A_24 = arith.muli %add3A, %mul3A_23 : i32
    "tpu.region"() ({
      %run_scoped3A = tpu.sem_alloc : memref<!tpu.dma_semaphore, #tpu.memory_space<semaphore_mem>>
      %dma_start3A = arith.constant 0 : i32
      %dma_start3A_51 = tpu.memref_slice %arg4[%mul3A_24, %dma_start3A] : memref<2560x128xi32, #tpu.memory_space<hbm>> -> memref<80x128xi32, #tpu.memory_space<hbm>>
      %dma_start3A_52 = arith.constant 0 : i32
      %dma_start3A_53 = tpu.memref_slice %arg4[%mul3A_24, %dma_start3A_52] : memref<2560x128xi32, #tpu.memory_space<hbm>> -> memref<80x128xi32, #tpu.memory_space<hbm>>
      tpu.enqueue_dma source(%dma_start3A_53 : memref<80x128xi32, #tpu.memory_space<hbm>>) target(%arg8 : memref<80x128xi32, #tpu.memory_space<vmem>>) target_semaphore(%run_scoped3A : memref<!tpu.dma_semaphore, #tpu.memory_space<semaphore_mem>>)
      %dma_wait3A = arith.constant 0 : i32
      %dma_wait3A_54 = tpu.memref_slice %arg4[%mul3A_24, %dma_wait3A] : memref<2560x128xi32, #tpu.memory_space<hbm>> -> memref<80x128xi32, #tpu.memory_space<hbm>>
      %dma_wait3A_55 = arith.constant 0 : i32
      %dma_wait3A_56 = tpu.memref_slice %arg4[%mul3A_24, %dma_wait3A_55] : memref<2560x128xi32, #tpu.memory_space<hbm>> -> memref<80x128xi32, #tpu.memory_space<hbm>>
      tpu.wait_dma2 semaphore(%run_scoped3A : memref<!tpu.dma_semaphore, #tpu.memory_space<semaphore_mem>>) src(%dma_wait3A_56 : memref<80x128xi32, #tpu.memory_space<hbm>>) dst(%arg8 : memref<80x128xi32, #tpu.memory_space<vmem>>)
      tpu.yield
    }) : () -> ()
    %barrier3A = arith.constant 0 : index
    tpu.barrier barrier_id(%barrier3A)
    %scan3A = arith.constant 0 : i32
    %scan3A_25 = arith.constant 0 : i32
    %scan3A_26 = arith.constant 80 : i32
    %scan3A_27 = arith.addi %scan3A_25, %scan3A_26 : i32
    %scan3A_28 = arith.constant 1 : i32
    scf.for %scan3A_51 = %scan3A_25 to %scan3A_27 step %scan3A_28  : i32 {
      %dma_start3A = arith.constant 0 : i32
      %dma_start3A_52 = tpu.memref_slice %arg7[%scan3A_51, %dma_start3A] : memref<80x128xi32, #tpu.memory_space<vmem>> -> memref<1x128xi32, #tpu.memory_space<vmem>>
      %dma_start3A_53 = tpu.memref_squeeze %dma_start3A_52 : memref<1x128xi32, #tpu.memory_space<vmem>> -> memref<128xi32, #tpu.memory_space<vmem>>
      %dma_start3A_54 = arith.constant 0 : i32
      %dma_start3A_55 = arith.constant 0 : i32
      %dma_start3A_56 = tpu.memref_slice %arg2[%dma_start3A_54, %dma_start3A_55] : memref<10000x64xf32, #tpu.memory_space<hbm>> -> memref<10000x64xf32, #tpu.memory_space<hbm>>
      tpu.enqueue_indirect_dma source(%dma_start3A_56 : memref<10000x64xf32, #tpu.memory_space<hbm>>) target(%arg9 : memref<128x64xf32, #tpu.memory_space<vmem>>) offsets(%dma_start3A_53 : memref<128xi32, #tpu.memory_space<vmem>>) semaphore(%arg12 : memref<!tpu.dma_semaphore, #tpu.memory_space<semaphore_mem>>)
      %dma_wait3A = arith.constant 0 : i32
      %dma_wait3A_57 = tpu.memref_slice %arg7[%scan3A_51, %dma_wait3A] : memref<80x128xi32, #tpu.memory_space<vmem>> -> memref<1x128xi32, #tpu.memory_space<vmem>>
      %dma_wait3A_58 = tpu.memref_squeeze %dma_wait3A_57 : memref<1x128xi32, #tpu.memory_space<vmem>> -> memref<128xi32, #tpu.memory_space<vmem>>
      %dma_wait3A_59 = arith.constant 0 : i32
      %dma_wait3A_60 = arith.constant 0 : i32
      %dma_wait3A_61 = tpu.memref_slice %arg2[%dma_wait3A_59, %dma_wait3A_60] : memref<10000x64xf32, #tpu.memory_space<hbm>> -> memref<10000x64xf32, #tpu.memory_space<hbm>>
      tpu.wait_indirect_dma semaphore(%arg12 : memref<!tpu.dma_semaphore, #tpu.memory_space<semaphore_mem>>) src(%dma_wait3A_61 : memref<10000x64xf32, #tpu.memory_space<hbm>>) dst(%arg9 : memref<128x64xf32, #tpu.memory_space<vmem>>)
      "tpu.region"() ({
        %run_scoped3A = tpu.sem_alloc : memref<!tpu.dma_semaphore, #tpu.memory_space<semaphore_mem>>
        %dma_start3A_62 = arith.constant 0 : i32
        %dma_start3A_63 = tpu.memref_slice %arg8[%scan3A_51, %dma_start3A_62] : memref<80x128xi32, #tpu.memory_space<vmem>> -> memref<1x128xi32, #tpu.memory_space<vmem>>
        %dma_start3A_64 = tpu.memref_squeeze %dma_start3A_63 : memref<1x128xi32, #tpu.memory_space<vmem>> -> memref<128xi32, #tpu.memory_space<vmem>>
        %dma_start3A_65 = arith.constant 0 : i32
        %dma_start3A_66 = arith.constant 0 : i32
        %dma_start3A_67 = tpu.memref_slice %arg11[%dma_start3A_65, %dma_start3A_66] : memref<10240x64xf32, #tpu.memory_space<vmem_shared>> -> memref<10240x64xf32, #tpu.memory_space<vmem_shared>>
        tpu.enqueue_indirect_dma source(%arg9 : memref<128x64xf32, #tpu.memory_space<vmem>>) target(%dma_start3A_67 : memref<10240x64xf32, #tpu.memory_space<vmem_shared>>) offsets(%dma_start3A_64 : memref<128xi32, #tpu.memory_space<vmem>>) semaphore(%run_scoped3A : memref<!tpu.dma_semaphore, #tpu.memory_space<semaphore_mem>>) {add = true}
        %dma_wait3A_68 = arith.constant 0 : i32
        %dma_wait3A_69 = tpu.memref_slice %arg8[%scan3A_51, %dma_wait3A_68] : memref<80x128xi32, #tpu.memory_space<vmem>> -> memref<1x128xi32, #tpu.memory_space<vmem>>
        %dma_wait3A_70 = tpu.memref_squeeze %dma_wait3A_69 : memref<1x128xi32, #tpu.memory_space<vmem>> -> memref<128xi32, #tpu.memory_space<vmem>>
        %dma_wait3A_71 = arith.constant 0 : i32
        %dma_wait3A_72 = arith.constant 0 : i32
        %dma_wait3A_73 = tpu.memref_slice %arg11[%dma_wait3A_71, %dma_wait3A_72] : memref<10240x64xf32, #tpu.memory_space<vmem_shared>> -> memref<10240x64xf32, #tpu.memory_space<vmem_shared>>
        tpu.wait_indirect_dma semaphore(%run_scoped3A : memref<!tpu.dma_semaphore, #tpu.memory_space<semaphore_mem>>) src(%arg9 : memref<128x64xf32, #tpu.memory_space<vmem>>) dst(%dma_wait3A_73 : memref<10240x64xf32, #tpu.memory_space<vmem_shared>>)
        tpu.yield
      }) : () -> ()
    }
    %scan3A_29 = arith.constant 80 : i32
    %barrier3A_30 = arith.constant 0 : index
    tpu.barrier barrier_id(%barrier3A_30)
    %mul3A_31 = arith.constant 640 : i32
    %mul3A_32 = arith.muli %arg1, %mul3A_31 : i32
    %add3A_33 = arith.constant 0 : i32
    %add3A_34 = arith.addi %mul3A_32, %add3A_33 : i32
    "tpu.region"() ({
      %run_scoped3A = tpu.sem_alloc : memref<!tpu.dma_semaphore, #tpu.memory_space<semaphore_mem>>
      %dma_start3A = arith.constant 0 : i32
      %dma_start3A_51 = tpu.memref_slice %arg11[%add3A_34, %dma_start3A] : memref<10240x64xf32, #tpu.memory_space<vmem_shared>> -> memref<128x64xf32, #tpu.memory_space<vmem_shared>>
      %dma_start3A_52 = arith.constant 0 : i32
      %dma_start3A_53 = tpu.memref_slice %arg11[%add3A_34, %dma_start3A_52] : memref<10240x64xf32, #tpu.memory_space<vmem_shared>> -> memref<128x64xf32, #tpu.memory_space<vmem_shared>>
      tpu.enqueue_dma source(%dma_start3A_53 : memref<128x64xf32, #tpu.memory_space<vmem_shared>>) target(%arg10 : memref<128x64xf32, #tpu.memory_space<vmem>>) target_semaphore(%run_scoped3A : memref<!tpu.dma_semaphore, #tpu.memory_space<semaphore_mem>>)
      %dma_wait3A = arith.constant 0 : i32
      %dma_wait3A_54 = tpu.memref_slice %arg11[%add3A_34, %dma_wait3A] : memref<10240x64xf32, #tpu.memory_space<vmem_shared>> -> memref<128x64xf32, #tpu.memory_space<vmem_shared>>
      %dma_wait3A_55 = arith.constant 0 : i32
      %dma_wait3A_56 = tpu.memref_slice %arg11[%add3A_34, %dma_wait3A_55] : memref<10240x64xf32, #tpu.memory_space<vmem_shared>> -> memref<128x64xf32, #tpu.memory_space<vmem_shared>>
      tpu.wait_dma2 semaphore(%run_scoped3A : memref<!tpu.dma_semaphore, #tpu.memory_space<semaphore_mem>>) src(%dma_wait3A_56 : memref<128x64xf32, #tpu.memory_space<vmem_shared>>) dst(%arg10 : memref<128x64xf32, #tpu.memory_space<vmem>>)
      tpu.yield
    }) : () -> ()
    "tpu.region"() ({
      %run_scoped3A = tpu.sem_alloc : memref<!tpu.dma_semaphore, #tpu.memory_space<semaphore_mem>>
      %dma_start3A = arith.constant 0 : i32
      %dma_start3A_51 = tpu.memref_slice %arg6[%arg0, %add3A_34, %dma_start3A] : memref<2x10240x64xf32, #tpu.memory_space<hbm>> -> memref<1x128x64xf32, #tpu.memory_space<hbm>>
      %dma_start3A_52 = tpu.memref_squeeze %dma_start3A_51 : memref<1x128x64xf32, #tpu.memory_space<hbm>> -> memref<128x64xf32, #tpu.memory_space<hbm>>
      %dma_start3A_53 = arith.constant 0 : i32
      %dma_start3A_54 = tpu.memref_slice %arg6[%arg0, %add3A_34, %dma_start3A_53] : memref<2x10240x64xf32, #tpu.memory_space<hbm>> -> memref<1x128x64xf32, #tpu.memory_space<hbm>>
      %dma_start3A_55 = tpu.memref_squeeze %dma_start3A_54 : memref<1x128x64xf32, #tpu.memory_space<hbm>> -> memref<128x64xf32, #tpu.memory_space<hbm>>
      tpu.enqueue_dma source(%arg10 : memref<128x64xf32, #tpu.memory_space<vmem>>) target(%dma_start3A_55 : memref<128x64xf32, #tpu.memory_space<hbm>>) target_semaphore(%run_scoped3A : memref<!tpu.dma_semaphore, #tpu.memory_space<semaphore_mem>>)
      %dma_wait3A = arith.constant 0 : i32
      %dma_wait3A_56 = tpu.memref_slice %arg6[%arg0, %add3A_34, %dma_wait3A] : memref<2x10240x64xf32, #tpu.memory_space<hbm>> -> memref<1x128x64xf32, #tpu.memory_space<hbm>>
      %dma_wait3A_57 = tpu.memref_squeeze %dma_wait3A_56 : memref<1x128x64xf32, #tpu.memory_space<hbm>> -> memref<128x64xf32, #tpu.memory_space<hbm>>
      %dma_wait3A_58 = arith.constant 0 : i32
      %dma_wait3A_59 = tpu.memref_slice %arg6[%arg0, %add3A_34, %dma_wait3A_58] : memref<2x10240x64xf32, #tpu.memory_space<hbm>> -> memref<1x128x64xf32, #tpu.memory_space<hbm>>
      %dma_wait3A_60 = tpu.memref_squeeze %dma_wait3A_59 : memref<1x128x64xf32, #tpu.memory_space<hbm>> -> memref<128x64xf32, #tpu.memory_space<hbm>>
      tpu.wait_dma2 semaphore(%run_scoped3A : memref<!tpu.dma_semaphore, #tpu.memory_space<semaphore_mem>>) src(%arg10 : memref<128x64xf32, #tpu.memory_space<vmem>>) dst(%dma_wait3A_60 : memref<128x64xf32, #tpu.memory_space<hbm>>)
      tpu.yield
    }) : () -> ()
    %mul3A_35 = arith.constant 640 : i32
    %mul3A_36 = arith.muli %arg1, %mul3A_35 : i32
    %add3A_37 = arith.constant 128 : i32
    %add3A_38 = arith.addi %mul3A_36, %add3A_37 : i32
    "tpu.region"() ({
      %run_scoped3A = tpu.sem_alloc : memref<!tpu.dma_semaphore, #tpu.memory_space<semaphore_mem>>
      %dma_start3A = arith.constant 0 : i32
      %dma_start3A_51 = tpu.memref_slice %arg11[%add3A_38, %dma_start3A] : memref<10240x64xf32, #tpu.memory_space<vmem_shared>> -> memref<128x64xf32, #tpu.memory_space<vmem_shared>>
      %dma_start3A_52 = arith.constant 0 : i32
      %dma_start3A_53 = tpu.memref_slice %arg11[%add3A_38, %dma_start3A_52] : memref<10240x64xf32, #tpu.memory_space<vmem_shared>> -> memref<128x64xf32, #tpu.memory_space<vmem_shared>>
      tpu.enqueue_dma source(%dma_start3A_53 : memref<128x64xf32, #tpu.memory_space<vmem_shared>>) target(%arg10 : memref<128x64xf32, #tpu.memory_space<vmem>>) target_semaphore(%run_scoped3A : memref<!tpu.dma_semaphore, #tpu.memory_space<semaphore_mem>>)
      %dma_wait3A = arith.constant 0 : i32
      %dma_wait3A_54 = tpu.memref_slice %arg11[%add3A_38, %dma_wait3A] : memref<10240x64xf32, #tpu.memory_space<vmem_shared>> -> memref<128x64xf32, #tpu.memory_space<vmem_shared>>
      %dma_wait3A_55 = arith.constant 0 : i32
      %dma_wait3A_56 = tpu.memref_slice %arg11[%add3A_38, %dma_wait3A_55] : memref<10240x64xf32, #tpu.memory_space<vmem_shared>> -> memref<128x64xf32, #tpu.memory_space<vmem_shared>>
      tpu.wait_dma2 semaphore(%run_scoped3A : memref<!tpu.dma_semaphore, #tpu.memory_space<semaphore_mem>>) src(%dma_wait3A_56 : memref<128x64xf32, #tpu.memory_space<vmem_shared>>) dst(%arg10 : memref<128x64xf32, #tpu.memory_space<vmem>>)
      tpu.yield
    }) : () -> ()
    "tpu.region"() ({
      %run_scoped3A = tpu.sem_alloc : memref<!tpu.dma_semaphore, #tpu.memory_space<semaphore_mem>>
      %dma_start3A = arith.constant 0 : i32
      %dma_start3A_51 = tpu.memref_slice %arg6[%arg0, %add3A_38, %dma_start3A] : memref<2x10240x64xf32, #tpu.memory_space<hbm>> -> memref<1x128x64xf32, #tpu.memory_space<hbm>>
      %dma_start3A_52 = tpu.memref_squeeze %dma_start3A_51 : memref<1x128x64xf32, #tpu.memory_space<hbm>> -> memref<128x64xf32, #tpu.memory_space<hbm>>
      %dma_start3A_53 = arith.constant 0 : i32
      %dma_start3A_54 = tpu.memref_slice %arg6[%arg0, %add3A_38, %dma_start3A_53] : memref<2x10240x64xf32, #tpu.memory_space<hbm>> -> memref<1x128x64xf32, #tpu.memory_space<hbm>>
      %dma_start3A_55 = tpu.memref_squeeze %dma_start3A_54 : memref<1x128x64xf32, #tpu.memory_space<hbm>> -> memref<128x64xf32, #tpu.memory_space<hbm>>
      tpu.enqueue_dma source(%arg10 : memref<128x64xf32, #tpu.memory_space<vmem>>) target(%dma_start3A_55 : memref<128x64xf32, #tpu.memory_space<hbm>>) target_semaphore(%run_scoped3A : memref<!tpu.dma_semaphore, #tpu.memory_space<semaphore_mem>>)
      %dma_wait3A = arith.constant 0 : i32
      %dma_wait3A_56 = tpu.memref_slice %arg6[%arg0, %add3A_38, %dma_wait3A] : memref<2x10240x64xf32, #tpu.memory_space<hbm>> -> memref<1x128x64xf32, #tpu.memory_space<hbm>>
      %dma_wait3A_57 = tpu.memref_squeeze %dma_wait3A_56 : memref<1x128x64xf32, #tpu.memory_space<hbm>> -> memref<128x64xf32, #tpu.memory_space<hbm>>
      %dma_wait3A_58 = arith.constant 0 : i32
      %dma_wait3A_59 = tpu.memref_slice %arg6[%arg0, %add3A_38, %dma_wait3A_58] : memref<2x10240x64xf32, #tpu.memory_space<hbm>> -> memref<1x128x64xf32, #tpu.memory_space<hbm>>
      %dma_wait3A_60 = tpu.memref_squeeze %dma_wait3A_59 : memref<1x128x64xf32, #tpu.memory_space<hbm>> -> memref<128x64xf32, #tpu.memory_space<hbm>>
      tpu.wait_dma2 semaphore(%run_scoped3A : memref<!tpu.dma_semaphore, #tpu.memory_space<semaphore_mem>>) src(%arg10 : memref<128x64xf32, #tpu.memory_space<vmem>>) dst(%dma_wait3A_60 : memref<128x64xf32, #tpu.memory_space<hbm>>)
      tpu.yield
    }) : () -> ()
    %mul3A_39 = arith.constant 640 : i32
    %mul3A_40 = arith.muli %arg1, %mul3A_39 : i32
    %add3A_41 = arith.constant 256 : i32
    %add3A_42 = arith.addi %mul3A_40, %add3A_41 : i32
    "tpu.region"() ({
      %run_scoped3A = tpu.sem_alloc : memref<!tpu.dma_semaphore, #tpu.memory_space<semaphore_mem>>
      %dma_start3A = arith.constant 0 : i32
      %dma_start3A_51 = tpu.memref_slice %arg11[%add3A_42, %dma_start3A] : memref<10240x64xf32, #tpu.memory_space<vmem_shared>> -> memref<128x64xf32, #tpu.memory_space<vmem_shared>>
      %dma_start3A_52 = arith.constant 0 : i32
      %dma_start3A_53 = tpu.memref_slice %arg11[%add3A_42, %dma_start3A_52] : memref<10240x64xf32, #tpu.memory_space<vmem_shared>> -> memref<128x64xf32, #tpu.memory_space<vmem_shared>>
      tpu.enqueue_dma source(%dma_start3A_53 : memref<128x64xf32, #tpu.memory_space<vmem_shared>>) target(%arg10 : memref<128x64xf32, #tpu.memory_space<vmem>>) target_semaphore(%run_scoped3A : memref<!tpu.dma_semaphore, #tpu.memory_space<semaphore_mem>>)
      %dma_wait3A = arith.constant 0 : i32
      %dma_wait3A_54 = tpu.memref_slice %arg11[%add3A_42, %dma_wait3A] : memref<10240x64xf32, #tpu.memory_space<vmem_shared>> -> memref<128x64xf32, #tpu.memory_space<vmem_shared>>
      %dma_wait3A_55 = arith.constant 0 : i32
      %dma_wait3A_56 = tpu.memref_slice %arg11[%add3A_42, %dma_wait3A_55] : memref<10240x64xf32, #tpu.memory_space<vmem_shared>> -> memref<128x64xf32, #tpu.memory_space<vmem_shared>>
      tpu.wait_dma2 semaphore(%run_scoped3A : memref<!tpu.dma_semaphore, #tpu.memory_space<semaphore_mem>>) src(%dma_wait3A_56 : memref<128x64xf32, #tpu.memory_space<vmem_shared>>) dst(%arg10 : memref<128x64xf32, #tpu.memory_space<vmem>>)
      tpu.yield
    }) : () -> ()
    "tpu.region"() ({
      %run_scoped3A = tpu.sem_alloc : memref<!tpu.dma_semaphore, #tpu.memory_space<semaphore_mem>>
      %dma_start3A = arith.constant 0 : i32
      %dma_start3A_51 = tpu.memref_slice %arg6[%arg0, %add3A_42, %dma_start3A] : memref<2x10240x64xf32, #tpu.memory_space<hbm>> -> memref<1x128x64xf32, #tpu.memory_space<hbm>>
      %dma_start3A_52 = tpu.memref_squeeze %dma_start3A_51 : memref<1x128x64xf32, #tpu.memory_space<hbm>> -> memref<128x64xf32, #tpu.memory_space<hbm>>
      %dma_start3A_53 = arith.constant 0 : i32
      %dma_start3A_54 = tpu.memref_slice %arg6[%arg0, %add3A_42, %dma_start3A_53] : memref<2x10240x64xf32, #tpu.memory_space<hbm>> -> memref<1x128x64xf32, #tpu.memory_space<hbm>>
      %dma_start3A_55 = tpu.memref_squeeze %dma_start3A_54 : memref<1x128x64xf32, #tpu.memory_space<hbm>> -> memref<128x64xf32, #tpu.memory_space<hbm>>
      tpu.enqueue_dma source(%arg10 : memref<128x64xf32, #tpu.memory_space<vmem>>) target(%dma_start3A_55 : memref<128x64xf32, #tpu.memory_space<hbm>>) target_semaphore(%run_scoped3A : memref<!tpu.dma_semaphore, #tpu.memory_space<semaphore_mem>>)
      %dma_wait3A = arith.constant 0 : i32
      %dma_wait3A_56 = tpu.memref_slice %arg6[%arg0, %add3A_42, %dma_wait3A] : memref<2x10240x64xf32, #tpu.memory_space<hbm>> -> memref<1x128x64xf32, #tpu.memory_space<hbm>>
      %dma_wait3A_57 = tpu.memref_squeeze %dma_wait3A_56 : memref<1x128x64xf32, #tpu.memory_space<hbm>> -> memref<128x64xf32, #tpu.memory_space<hbm>>
      %dma_wait3A_58 = arith.constant 0 : i32
      %dma_wait3A_59 = tpu.memref_slice %arg6[%arg0, %add3A_42, %dma_wait3A_58] : memref<2x10240x64xf32, #tpu.memory_space<hbm>> -> memref<1x128x64xf32, #tpu.memory_space<hbm>>
      %dma_wait3A_60 = tpu.memref_squeeze %dma_wait3A_59 : memref<1x128x64xf32, #tpu.memory_space<hbm>> -> memref<128x64xf32, #tpu.memory_space<hbm>>
      tpu.wait_dma2 semaphore(%run_scoped3A : memref<!tpu.dma_semaphore, #tpu.memory_space<semaphore_mem>>) src(%arg10 : memref<128x64xf32, #tpu.memory_space<vmem>>) dst(%dma_wait3A_60 : memref<128x64xf32, #tpu.memory_space<hbm>>)
      tpu.yield
    }) : () -> ()
    %mul3A_43 = arith.constant 640 : i32
    %mul3A_44 = arith.muli %arg1, %mul3A_43 : i32
    %add3A_45 = arith.constant 384 : i32
    %add3A_46 = arith.addi %mul3A_44, %add3A_45 : i32
    "tpu.region"() ({
      %run_scoped3A = tpu.sem_alloc : memref<!tpu.dma_semaphore, #tpu.memory_space<semaphore_mem>>
      %dma_start3A = arith.constant 0 : i32
      %dma_start3A_51 = tpu.memref_slice %arg11[%add3A_46, %dma_start3A] : memref<10240x64xf32, #tpu.memory_space<vmem_shared>> -> memref<128x64xf32, #tpu.memory_space<vmem_shared>>
      %dma_start3A_52 = arith.constant 0 : i32
      %dma_start3A_53 = tpu.memref_slice %arg11[%add3A_46, %dma_start3A_52] : memref<10240x64xf32, #tpu.memory_space<vmem_shared>> -> memref<128x64xf32, #tpu.memory_space<vmem_shared>>
      tpu.enqueue_dma source(%dma_start3A_53 : memref<128x64xf32, #tpu.memory_space<vmem_shared>>) target(%arg10 : memref<128x64xf32, #tpu.memory_space<vmem>>) target_semaphore(%run_scoped3A : memref<!tpu.dma_semaphore, #tpu.memory_space<semaphore_mem>>)
      %dma_wait3A = arith.constant 0 : i32
      %dma_wait3A_54 = tpu.memref_slice %arg11[%add3A_46, %dma_wait3A] : memref<10240x64xf32, #tpu.memory_space<vmem_shared>> -> memref<128x64xf32, #tpu.memory_space<vmem_shared>>
      %dma_wait3A_55 = arith.constant 0 : i32
      %dma_wait3A_56 = tpu.memref_slice %arg11[%add3A_46, %dma_wait3A_55] : memref<10240x64xf32, #tpu.memory_space<vmem_shared>> -> memref<128x64xf32, #tpu.memory_space<vmem_shared>>
      tpu.wait_dma2 semaphore(%run_scoped3A : memref<!tpu.dma_semaphore, #tpu.memory_space<semaphore_mem>>) src(%dma_wait3A_56 : memref<128x64xf32, #tpu.memory_space<vmem_shared>>) dst(%arg10 : memref<128x64xf32, #tpu.memory_space<vmem>>)
      tpu.yield
    }) : () -> ()
    "tpu.region"() ({
      %run_scoped3A = tpu.sem_alloc : memref<!tpu.dma_semaphore, #tpu.memory_space<semaphore_mem>>
      %dma_start3A = arith.constant 0 : i32
      %dma_start3A_51 = tpu.memref_slice %arg6[%arg0, %add3A_46, %dma_start3A] : memref<2x10240x64xf32, #tpu.memory_space<hbm>> -> memref<1x128x64xf32, #tpu.memory_space<hbm>>
      %dma_start3A_52 = tpu.memref_squeeze %dma_start3A_51 : memref<1x128x64xf32, #tpu.memory_space<hbm>> -> memref<128x64xf32, #tpu.memory_space<hbm>>
      %dma_start3A_53 = arith.constant 0 : i32
      %dma_start3A_54 = tpu.memref_slice %arg6[%arg0, %add3A_46, %dma_start3A_53] : memref<2x10240x64xf32, #tpu.memory_space<hbm>> -> memref<1x128x64xf32, #tpu.memory_space<hbm>>
      %dma_start3A_55 = tpu.memref_squeeze %dma_start3A_54 : memref<1x128x64xf32, #tpu.memory_space<hbm>> -> memref<128x64xf32, #tpu.memory_space<hbm>>
      tpu.enqueue_dma source(%arg10 : memref<128x64xf32, #tpu.memory_space<vmem>>) target(%dma_start3A_55 : memref<128x64xf32, #tpu.memory_space<hbm>>) target_semaphore(%run_scoped3A : memref<!tpu.dma_semaphore, #tpu.memory_space<semaphore_mem>>)
      %dma_wait3A = arith.constant 0 : i32
      %dma_wait3A_56 = tpu.memref_slice %arg6[%arg0, %add3A_46, %dma_wait3A] : memref<2x10240x64xf32, #tpu.memory_space<hbm>> -> memref<1x128x64xf32, #tpu.memory_space<hbm>>
      %dma_wait3A_57 = tpu.memref_squeeze %dma_wait3A_56 : memref<1x128x64xf32, #tpu.memory_space<hbm>> -> memref<128x64xf32, #tpu.memory_space<hbm>>
      %dma_wait3A_58 = arith.constant 0 : i32
      %dma_wait3A_59 = tpu.memref_slice %arg6[%arg0, %add3A_46, %dma_wait3A_58] : memref<2x10240x64xf32, #tpu.memory_space<hbm>> -> memref<1x128x64xf32, #tpu.memory_space<hbm>>
      %dma_wait3A_60 = tpu.memref_squeeze %dma_wait3A_59 : memref<1x128x64xf32, #tpu.memory_space<hbm>> -> memref<128x64xf32, #tpu.memory_space<hbm>>
      tpu.wait_dma2 semaphore(%run_scoped3A : memref<!tpu.dma_semaphore, #tpu.memory_space<semaphore_mem>>) src(%arg10 : memref<128x64xf32, #tpu.memory_space<vmem>>) dst(%dma_wait3A_60 : memref<128x64xf32, #tpu.memory_space<hbm>>)
      tpu.yield
    }) : () -> ()
    %mul3A_47 = arith.constant 640 : i32
    %mul3A_48 = arith.muli %arg1, %mul3A_47 : i32
    %add3A_49 = arith.constant 512 : i32
    %add3A_50 = arith.addi %mul3A_48, %add3A_49 : i32
    "tpu.region"() ({
      %run_scoped3A = tpu.sem_alloc : memref<!tpu.dma_semaphore, #tpu.memory_space<semaphore_mem>>
      %dma_start3A = arith.constant 0 : i32
      %dma_start3A_51 = tpu.memref_slice %arg11[%add3A_50, %dma_start3A] : memref<10240x64xf32, #tpu.memory_space<vmem_shared>> -> memref<128x64xf32, #tpu.memory_space<vmem_shared>>
      %dma_start3A_52 = arith.constant 0 : i32
      %dma_start3A_53 = tpu.memref_slice %arg11[%add3A_50, %dma_start3A_52] : memref<10240x64xf32, #tpu.memory_space<vmem_shared>> -> memref<128x64xf32, #tpu.memory_space<vmem_shared>>
      tpu.enqueue_dma source(%dma_start3A_53 : memref<128x64xf32, #tpu.memory_space<vmem_shared>>) target(%arg10 : memref<128x64xf32, #tpu.memory_space<vmem>>) target_semaphore(%run_scoped3A : memref<!tpu.dma_semaphore, #tpu.memory_space<semaphore_mem>>)
      %dma_wait3A = arith.constant 0 : i32
      %dma_wait3A_54 = tpu.memref_slice %arg11[%add3A_50, %dma_wait3A] : memref<10240x64xf32, #tpu.memory_space<vmem_shared>> -> memref<128x64xf32, #tpu.memory_space<vmem_shared>>
      %dma_wait3A_55 = arith.constant 0 : i32
      %dma_wait3A_56 = tpu.memref_slice %arg11[%add3A_50, %dma_wait3A_55] : memref<10240x64xf32, #tpu.memory_space<vmem_shared>> -> memref<128x64xf32, #tpu.memory_space<vmem_shared>>
      tpu.wait_dma2 semaphore(%run_scoped3A : memref<!tpu.dma_semaphore, #tpu.memory_space<semaphore_mem>>) src(%dma_wait3A_56 : memref<128x64xf32, #tpu.memory_space<vmem_shared>>) dst(%arg10 : memref<128x64xf32, #tpu.memory_space<vmem>>)
      tpu.yield
    }) : () -> ()
    "tpu.region"() ({
      %run_scoped3A = tpu.sem_alloc : memref<!tpu.dma_semaphore, #tpu.memory_space<semaphore_mem>>
      %dma_start3A = arith.constant 0 : i32
      %dma_start3A_51 = tpu.memref_slice %arg6[%arg0, %add3A_50, %dma_start3A] : memref<2x10240x64xf32, #tpu.memory_space<hbm>> -> memref<1x128x64xf32, #tpu.memory_space<hbm>>
      %dma_start3A_52 = tpu.memref_squeeze %dma_start3A_51 : memref<1x128x64xf32, #tpu.memory_space<hbm>> -> memref<128x64xf32, #tpu.memory_space<hbm>>
      %dma_start3A_53 = arith.constant 0 : i32
      %dma_start3A_54 = tpu.memref_slice %arg6[%arg0, %add3A_50, %dma_start3A_53] : memref<2x10240x64xf32, #tpu.memory_space<hbm>> -> memref<1x128x64xf32, #tpu.memory_space<hbm>>
      %dma_start3A_55 = tpu.memref_squeeze %dma_start3A_54 : memref<1x128x64xf32, #tpu.memory_space<hbm>> -> memref<128x64xf32, #tpu.memory_space<hbm>>
      tpu.enqueue_dma source(%arg10 : memref<128x64xf32, #tpu.memory_space<vmem>>) target(%dma_start3A_55 : memref<128x64xf32, #tpu.memory_space<hbm>>) target_semaphore(%run_scoped3A : memref<!tpu.dma_semaphore, #tpu.memory_space<semaphore_mem>>)
      %dma_wait3A = arith.constant 0 : i32
      %dma_wait3A_56 = tpu.memref_slice %arg6[%arg0, %add3A_50, %dma_wait3A] : memref<2x10240x64xf32, #tpu.memory_space<hbm>> -> memref<1x128x64xf32, #tpu.memory_space<hbm>>
      %dma_wait3A_57 = tpu.memref_squeeze %dma_wait3A_56 : memref<1x128x64xf32, #tpu.memory_space<hbm>> -> memref<128x64xf32, #tpu.memory_space<hbm>>
      %dma_wait3A_58 = arith.constant 0 : i32
      %dma_wait3A_59 = tpu.memref_slice %arg6[%arg0, %add3A_50, %dma_wait3A_58] : memref<2x10240x64xf32, #tpu.memory_space<hbm>> -> memref<1x128x64xf32, #tpu.memory_space<hbm>>
      %dma_wait3A_60 = tpu.memref_squeeze %dma_wait3A_59 : memref<1x128x64xf32, #tpu.memory_space<hbm>> -> memref<128x64xf32, #tpu.memory_space<hbm>>
      tpu.wait_dma2 semaphore(%run_scoped3A : memref<!tpu.dma_semaphore, #tpu.memory_space<semaphore_mem>>) src(%arg10 : memref<128x64xf32, #tpu.memory_space<vmem>>) dst(%dma_wait3A_60 : memref<128x64xf32, #tpu.memory_space<hbm>>)
      tpu.yield
    }) : () -> ()
    return
  }
}

#map = affine_map<(d0, d1) -> (0, 0)>
#map1 = affine_map<(d0, d1) -> (0, 0, 0)>
module attributes {stable_mosaic.version = 14 : i64} {
  func.func @agg(%arg0: i32, %arg1: i32, %arg2: memref<10000x64xf32, #tpu.memory_space<hbm>>, %arg3: memref<2560x128xi32, #tpu.memory_space<hbm>>, %arg4: memref<2560x128xi32, #tpu.memory_space<hbm>>, %arg5: memref<128x64xf32, #tpu.memory_space<hbm>>, %arg6: memref<2x10240x64xf32, #tpu.memory_space<hbm>>, %arg7: memref<80x128xi32, #tpu.memory_space<vmem>>, %arg8: memref<80x128xi32, #tpu.memory_space<vmem>>, %arg9: memref<128x64xf32, #tpu.memory_space<vmem>>, %arg10: memref<128x64xf32, #tpu.memory_space<vmem>>, %arg11: memref<10240x64xf32, #tpu.memory_space<vmem_shared>>, %arg12: memref<!tpu.dma_semaphore, #tpu.memory_space<semaphore_mem>>) attributes {dimension_semantics = [#tpu.dimension_semantics<core_parallel>, #tpu.dimension_semantics<subcore_parallel>], iteration_bounds = array<i64: 2, 16>, scalar_prefetch = 0 : i64, scratch_operands = 6 : i64, tpu.core_type = #tpu.core_type<sc_vector_subcore>, window_params = [{transform_indices = #map}, {transform_indices = #map}, {transform_indices = #map}, {transform_indices = #map}, {transform_indices = #map1}]} {
    %mul3A = arith.constant 16 : i32
    %mul3A_0 = arith.muli %arg0, %mul3A : i32
    %add3A = arith.addi %mul3A_0, %arg1 : i32
    "tpu.region"() ({
      %run_scoped3A = tpu.sem_alloc : memref<!tpu.dma_semaphore, #tpu.memory_space<semaphore_mem>>
      tpu.enqueue_dma source(%arg5 : memref<128x64xf32, #tpu.memory_space<hbm>>) target(%arg10 : memref<128x64xf32, #tpu.memory_space<vmem>>) target_semaphore(%run_scoped3A : memref<!tpu.dma_semaphore, #tpu.memory_space<semaphore_mem>>)
      tpu.wait_dma2 semaphore(%run_scoped3A : memref<!tpu.dma_semaphore, #tpu.memory_space<semaphore_mem>>) src(%arg5 : memref<128x64xf32, #tpu.memory_space<hbm>>) dst(%arg10 : memref<128x64xf32, #tpu.memory_space<vmem>>)
      tpu.yield
    }) : () -> ()
    %mul3A_1 = arith.constant 640 : i32
    %mul3A_2 = arith.muli %arg1, %mul3A_1 : i32
    %add3A_3 = arith.constant 0 : i32
    %add3A_4 = arith.addi %mul3A_2, %add3A_3 : i32
    "tpu.region"() ({
      %run_scoped3A = tpu.sem_alloc : memref<!tpu.dma_semaphore, #tpu.memory_space<semaphore_mem>>
      %dma_start3A = arith.constant 0 : i32
      %dma_start3A_51 = tpu.memref_slice %arg11[%add3A_4, %dma_start3A] : memref<10240x64xf32, #tpu.memory_space<vmem_shared>> -> memref<128x64xf32, #tpu.memory_space<vmem_shared>>
      %dma_start3A_52 = arith.constant 0 : i32
      %dma_start3A_53 = tpu.memref_slice %arg11[%add3A_4, %dma_start3A_52] : memref<10240x64xf32, #tpu.memory_space<vmem_shared>> -> memref<128x64xf32, #tpu.memory_space<vmem_shared>>
      tpu.enqueue_dma source(%arg10 : memref<128x64xf32, #tpu.memory_space<vmem>>) target(%dma_start3A_53 : memref<128x64xf32, #tpu.memory_space<vmem_shared>>) target_semaphore(%run_scoped3A : memref<!tpu.dma_semaphore, #tpu.memory_space<semaphore_mem>>)
      %dma_wait3A = arith.constant 0 : i32
      %dma_wait3A_54 = tpu.memref_slice %arg11[%add3A_4, %dma_wait3A] : memref<10240x64xf32, #tpu.memory_space<vmem_shared>> -> memref<128x64xf32, #tpu.memory_space<vmem_shared>>
      %dma_wait3A_55 = arith.constant 0 : i32
      %dma_wait3A_56 = tpu.memref_slice %arg11[%add3A_4, %dma_wait3A_55] : memref<10240x64xf32, #tpu.memory_space<vmem_shared>> -> memref<128x64xf32, #tpu.memory_space<vmem_shared>>
      tpu.wait_dma2 semaphore(%run_scoped3A : memref<!tpu.dma_semaphore, #tpu.memory_space<semaphore_mem>>) src(%arg10 : memref<128x64xf32, #tpu.memory_space<vmem>>) dst(%dma_wait3A_56 : memref<128x64xf32, #tpu.memory_space<vmem_shared>>)
      tpu.yield
    }) : () -> ()
    %mul3A_5 = arith.constant 640 : i32
    %mul3A_6 = arith.muli %arg1, %mul3A_5 : i32
    %add3A_7 = arith.constant 128 : i32
    %add3A_8 = arith.addi %mul3A_6, %add3A_7 : i32
    "tpu.region"() ({
      %run_scoped3A = tpu.sem_alloc : memref<!tpu.dma_semaphore, #tpu.memory_space<semaphore_mem>>
      %dma_start3A = arith.constant 0 : i32
      %dma_start3A_51 = tpu.memref_slice %arg11[%add3A_8, %dma_start3A] : memref<10240x64xf32, #tpu.memory_space<vmem_shared>> -> memref<128x64xf32, #tpu.memory_space<vmem_shared>>
      %dma_start3A_52 = arith.constant 0 : i32
      %dma_start3A_53 = tpu.memref_slice %arg11[%add3A_8, %dma_start3A_52] : memref<10240x64xf32, #tpu.memory_space<vmem_shared>> -> memref<128x64xf32, #tpu.memory_space<vmem_shared>>
      tpu.enqueue_dma source(%arg10 : memref<128x64xf32, #tpu.memory_space<vmem>>) target(%dma_start3A_53 : memref<128x64xf32, #tpu.memory_space<vmem_shared>>) target_semaphore(%run_scoped3A : memref<!tpu.dma_semaphore, #tpu.memory_space<semaphore_mem>>)
      %dma_wait3A = arith.constant 0 : i32
      %dma_wait3A_54 = tpu.memref_slice %arg11[%add3A_8, %dma_wait3A] : memref<10240x64xf32, #tpu.memory_space<vmem_shared>> -> memref<128x64xf32, #tpu.memory_space<vmem_shared>>
      %dma_wait3A_55 = arith.constant 0 : i32
      %dma_wait3A_56 = tpu.memref_slice %arg11[%add3A_8, %dma_wait3A_55] : memref<10240x64xf32, #tpu.memory_space<vmem_shared>> -> memref<128x64xf32, #tpu.memory_space<vmem_shared>>
      tpu.wait_dma2 semaphore(%run_scoped3A : memref<!tpu.dma_semaphore, #tpu.memory_space<semaphore_mem>>) src(%arg10 : memref<128x64xf32, #tpu.memory_space<vmem>>) dst(%dma_wait3A_56 : memref<128x64xf32, #tpu.memory_space<vmem_shared>>)
      tpu.yield
    }) : () -> ()
    %mul3A_9 = arith.constant 640 : i32
    %mul3A_10 = arith.muli %arg1, %mul3A_9 : i32
    %add3A_11 = arith.constant 256 : i32
    %add3A_12 = arith.addi %mul3A_10, %add3A_11 : i32
    "tpu.region"() ({
      %run_scoped3A = tpu.sem_alloc : memref<!tpu.dma_semaphore, #tpu.memory_space<semaphore_mem>>
      %dma_start3A = arith.constant 0 : i32
      %dma_start3A_51 = tpu.memref_slice %arg11[%add3A_12, %dma_start3A] : memref<10240x64xf32, #tpu.memory_space<vmem_shared>> -> memref<128x64xf32, #tpu.memory_space<vmem_shared>>
      %dma_start3A_52 = arith.constant 0 : i32
      %dma_start3A_53 = tpu.memref_slice %arg11[%add3A_12, %dma_start3A_52] : memref<10240x64xf32, #tpu.memory_space<vmem_shared>> -> memref<128x64xf32, #tpu.memory_space<vmem_shared>>
      tpu.enqueue_dma source(%arg10 : memref<128x64xf32, #tpu.memory_space<vmem>>) target(%dma_start3A_53 : memref<128x64xf32, #tpu.memory_space<vmem_shared>>) target_semaphore(%run_scoped3A : memref<!tpu.dma_semaphore, #tpu.memory_space<semaphore_mem>>)
      %dma_wait3A = arith.constant 0 : i32
      %dma_wait3A_54 = tpu.memref_slice %arg11[%add3A_12, %dma_wait3A] : memref<10240x64xf32, #tpu.memory_space<vmem_shared>> -> memref<128x64xf32, #tpu.memory_space<vmem_shared>>
      %dma_wait3A_55 = arith.constant 0 : i32
      %dma_wait3A_56 = tpu.memref_slice %arg11[%add3A_12, %dma_wait3A_55] : memref<10240x64xf32, #tpu.memory_space<vmem_shared>> -> memref<128x64xf32, #tpu.memory_space<vmem_shared>>
      tpu.wait_dma2 semaphore(%run_scoped3A : memref<!tpu.dma_semaphore, #tpu.memory_space<semaphore_mem>>) src(%arg10 : memref<128x64xf32, #tpu.memory_space<vmem>>) dst(%dma_wait3A_56 : memref<128x64xf32, #tpu.memory_space<vmem_shared>>)
      tpu.yield
    }) : () -> ()
    %mul3A_13 = arith.constant 640 : i32
    %mul3A_14 = arith.muli %arg1, %mul3A_13 : i32
    %add3A_15 = arith.constant 384 : i32
    %add3A_16 = arith.addi %mul3A_14, %add3A_15 : i32
    "tpu.region"() ({
      %run_scoped3A = tpu.sem_alloc : memref<!tpu.dma_semaphore, #tpu.memory_space<semaphore_mem>>
      %dma_start3A = arith.constant 0 : i32
      %dma_start3A_51 = tpu.memref_slice %arg11[%add3A_16, %dma_start3A] : memref<10240x64xf32, #tpu.memory_space<vmem_shared>> -> memref<128x64xf32, #tpu.memory_space<vmem_shared>>
      %dma_start3A_52 = arith.constant 0 : i32
      %dma_start3A_53 = tpu.memref_slice %arg11[%add3A_16, %dma_start3A_52] : memref<10240x64xf32, #tpu.memory_space<vmem_shared>> -> memref<128x64xf32, #tpu.memory_space<vmem_shared>>
      tpu.enqueue_dma source(%arg10 : memref<128x64xf32, #tpu.memory_space<vmem>>) target(%dma_start3A_53 : memref<128x64xf32, #tpu.memory_space<vmem_shared>>) target_semaphore(%run_scoped3A : memref<!tpu.dma_semaphore, #tpu.memory_space<semaphore_mem>>)
      %dma_wait3A = arith.constant 0 : i32
      %dma_wait3A_54 = tpu.memref_slice %arg11[%add3A_16, %dma_wait3A] : memref<10240x64xf32, #tpu.memory_space<vmem_shared>> -> memref<128x64xf32, #tpu.memory_space<vmem_shared>>
      %dma_wait3A_55 = arith.constant 0 : i32
      %dma_wait3A_56 = tpu.memref_slice %arg11[%add3A_16, %dma_wait3A_55] : memref<10240x64xf32, #tpu.memory_space<vmem_shared>> -> memref<128x64xf32, #tpu.memory_space<vmem_shared>>
      tpu.wait_dma2 semaphore(%run_scoped3A : memref<!tpu.dma_semaphore, #tpu.memory_space<semaphore_mem>>) src(%arg10 : memref<128x64xf32, #tpu.memory_space<vmem>>) dst(%dma_wait3A_56 : memref<128x64xf32, #tpu.memory_space<vmem_shared>>)
      tpu.yield
    }) : () -> ()
    %mul3A_17 = arith.constant 640 : i32
    %mul3A_18 = arith.muli %arg1, %mul3A_17 : i32
    %add3A_19 = arith.constant 512 : i32
    %add3A_20 = arith.addi %mul3A_18, %add3A_19 : i32
    "tpu.region"() ({
      %run_scoped3A = tpu.sem_alloc : memref<!tpu.dma_semaphore, #tpu.memory_space<semaphore_mem>>
      %dma_start3A = arith.constant 0 : i32
      %dma_start3A_51 = tpu.memref_slice %arg11[%add3A_20, %dma_start3A] : memref<10240x64xf32, #tpu.memory_space<vmem_shared>> -> memref<128x64xf32, #tpu.memory_space<vmem_shared>>
      %dma_start3A_52 = arith.constant 0 : i32
      %dma_start3A_53 = tpu.memref_slice %arg11[%add3A_20, %dma_start3A_52] : memref<10240x64xf32, #tpu.memory_space<vmem_shared>> -> memref<128x64xf32, #tpu.memory_space<vmem_shared>>
      tpu.enqueue_dma source(%arg10 : memref<128x64xf32, #tpu.memory_space<vmem>>) target(%dma_start3A_53 : memref<128x64xf32, #tpu.memory_space<vmem_shared>>) target_semaphore(%run_scoped3A : memref<!tpu.dma_semaphore, #tpu.memory_space<semaphore_mem>>)
      %dma_wait3A = arith.constant 0 : i32
      %dma_wait3A_54 = tpu.memref_slice %arg11[%add3A_20, %dma_wait3A] : memref<10240x64xf32, #tpu.memory_space<vmem_shared>> -> memref<128x64xf32, #tpu.memory_space<vmem_shared>>
      %dma_wait3A_55 = arith.constant 0 : i32
      %dma_wait3A_56 = tpu.memref_slice %arg11[%add3A_20, %dma_wait3A_55] : memref<10240x64xf32, #tpu.memory_space<vmem_shared>> -> memref<128x64xf32, #tpu.memory_space<vmem_shared>>
      tpu.wait_dma2 semaphore(%run_scoped3A : memref<!tpu.dma_semaphore, #tpu.memory_space<semaphore_mem>>) src(%arg10 : memref<128x64xf32, #tpu.memory_space<vmem>>) dst(%dma_wait3A_56 : memref<128x64xf32, #tpu.memory_space<vmem_shared>>)
      tpu.yield
    }) : () -> ()
    %mul3A_21 = arith.constant 80 : i32
    %mul3A_22 = arith.muli %add3A, %mul3A_21 : i32
    "tpu.region"() ({
      %run_scoped3A = tpu.sem_alloc : memref<!tpu.dma_semaphore, #tpu.memory_space<semaphore_mem>>
      %dma_start3A = arith.constant 0 : i32
      %dma_start3A_51 = tpu.memref_slice %arg3[%mul3A_22, %dma_start3A] : memref<2560x128xi32, #tpu.memory_space<hbm>> -> memref<80x128xi32, #tpu.memory_space<hbm>>
      %dma_start3A_52 = arith.constant 0 : i32
      %dma_start3A_53 = tpu.memref_slice %arg3[%mul3A_22, %dma_start3A_52] : memref<2560x128xi32, #tpu.memory_space<hbm>> -> memref<80x128xi32, #tpu.memory_space<hbm>>
      tpu.enqueue_dma source(%dma_start3A_53 : memref<80x128xi32, #tpu.memory_space<hbm>>) target(%arg7 : memref<80x128xi32, #tpu.memory_space<vmem>>) target_semaphore(%run_scoped3A : memref<!tpu.dma_semaphore, #tpu.memory_space<semaphore_mem>>)
      %dma_wait3A = arith.constant 0 : i32
      %dma_wait3A_54 = tpu.memref_slice %arg3[%mul3A_22, %dma_wait3A] : memref<2560x128xi32, #tpu.memory_space<hbm>> -> memref<80x128xi32, #tpu.memory_space<hbm>>
      %dma_wait3A_55 = arith.constant 0 : i32
      %dma_wait3A_56 = tpu.memref_slice %arg3[%mul3A_22, %dma_wait3A_55] : memref<2560x128xi32, #tpu.memory_space<hbm>> -> memref<80x128xi32, #tpu.memory_space<hbm>>
      tpu.wait_dma2 semaphore(%run_scoped3A : memref<!tpu.dma_semaphore, #tpu.memory_space<semaphore_mem>>) src(%dma_wait3A_56 : memref<80x128xi32, #tpu.memory_space<hbm>>) dst(%arg7 : memref<80x128xi32, #tpu.memory_space<vmem>>)
      tpu.yield
    }) : () -> ()
    %mul3A_23 = arith.constant 80 : i32
    %mul3A_24 = arith.muli %add3A, %mul3A_23 : i32
    "tpu.region"() ({
      %run_scoped3A = tpu.sem_alloc : memref<!tpu.dma_semaphore, #tpu.memory_space<semaphore_mem>>
      %dma_start3A = arith.constant 0 : i32
      %dma_start3A_51 = tpu.memref_slice %arg4[%mul3A_24, %dma_start3A] : memref<2560x128xi32, #tpu.memory_space<hbm>> -> memref<80x128xi32, #tpu.memory_space<hbm>>
      %dma_start3A_52 = arith.constant 0 : i32
      %dma_start3A_53 = tpu.memref_slice %arg4[%mul3A_24, %dma_start3A_52] : memref<2560x128xi32, #tpu.memory_space<hbm>> -> memref<80x128xi32, #tpu.memory_space<hbm>>
      tpu.enqueue_dma source(%dma_start3A_53 : memref<80x128xi32, #tpu.memory_space<hbm>>) target(%arg8 : memref<80x128xi32, #tpu.memory_space<vmem>>) target_semaphore(%run_scoped3A : memref<!tpu.dma_semaphore, #tpu.memory_space<semaphore_mem>>)
      %dma_wait3A = arith.constant 0 : i32
      %dma_wait3A_54 = tpu.memref_slice %arg4[%mul3A_24, %dma_wait3A] : memref<2560x128xi32, #tpu.memory_space<hbm>> -> memref<80x128xi32, #tpu.memory_space<hbm>>
      %dma_wait3A_55 = arith.constant 0 : i32
      %dma_wait3A_56 = tpu.memref_slice %arg4[%mul3A_24, %dma_wait3A_55] : memref<2560x128xi32, #tpu.memory_space<hbm>> -> memref<80x128xi32, #tpu.memory_space<hbm>>
      tpu.wait_dma2 semaphore(%run_scoped3A : memref<!tpu.dma_semaphore, #tpu.memory_space<semaphore_mem>>) src(%dma_wait3A_56 : memref<80x128xi32, #tpu.memory_space<hbm>>) dst(%arg8 : memref<80x128xi32, #tpu.memory_space<vmem>>)
      tpu.yield
    }) : () -> ()
    %barrier3A = arith.constant 0 : index
    tpu.barrier barrier_id(%barrier3A)
    %scan3A = arith.constant 0 : i32
    %scan3A_25 = arith.constant 0 : i32
    %scan3A_26 = arith.constant 80 : i32
    %scan3A_27 = arith.addi %scan3A_25, %scan3A_26 : i32
    %scan3A_28 = arith.constant 1 : i32
    scf.for %scan3A_51 = %scan3A_25 to %scan3A_27 step %scan3A_28  : i32 {
      %dma_start3A = arith.constant 0 : i32
      %dma_start3A_52 = tpu.memref_slice %arg7[%scan3A_51, %dma_start3A] : memref<80x128xi32, #tpu.memory_space<vmem>> -> memref<1x128xi32, #tpu.memory_space<vmem>>
      %dma_start3A_53 = tpu.memref_squeeze %dma_start3A_52 : memref<1x128xi32, #tpu.memory_space<vmem>> -> memref<128xi32, #tpu.memory_space<vmem>>
      %dma_start3A_54 = arith.constant 0 : i32
      %dma_start3A_55 = arith.constant 0 : i32
      %dma_start3A_56 = tpu.memref_slice %arg2[%dma_start3A_54, %dma_start3A_55] : memref<10000x64xf32, #tpu.memory_space<hbm>> -> memref<10000x64xf32, #tpu.memory_space<hbm>>
      tpu.enqueue_indirect_dma source(%dma_start3A_56 : memref<10000x64xf32, #tpu.memory_space<hbm>>) target(%arg9 : memref<128x64xf32, #tpu.memory_space<vmem>>) offsets(%dma_start3A_53 : memref<128xi32, #tpu.memory_space<vmem>>) semaphore(%arg12 : memref<!tpu.dma_semaphore, #tpu.memory_space<semaphore_mem>>)
      %dma_wait3A = arith.constant 0 : i32
      %dma_wait3A_57 = tpu.memref_slice %arg7[%scan3A_51, %dma_wait3A] : memref<80x128xi32, #tpu.memory_space<vmem>> -> memref<1x128xi32, #tpu.memory_space<vmem>>
      %dma_wait3A_58 = tpu.memref_squeeze %dma_wait3A_57 : memref<1x128xi32, #tpu.memory_space<vmem>> -> memref<128xi32, #tpu.memory_space<vmem>>
      %dma_wait3A_59 = arith.constant 0 : i32
      %dma_wait3A_60 = arith.constant 0 : i32
      %dma_wait3A_61 = tpu.memref_slice %arg2[%dma_wait3A_59, %dma_wait3A_60] : memref<10000x64xf32, #tpu.memory_space<hbm>> -> memref<10000x64xf32, #tpu.memory_space<hbm>>
      tpu.wait_indirect_dma semaphore(%arg12 : memref<!tpu.dma_semaphore, #tpu.memory_space<semaphore_mem>>) src(%dma_wait3A_61 : memref<10000x64xf32, #tpu.memory_space<hbm>>) dst(%arg9 : memref<128x64xf32, #tpu.memory_space<vmem>>)
      "tpu.region"() ({
        %run_scoped3A = tpu.sem_alloc : memref<!tpu.dma_semaphore, #tpu.memory_space<semaphore_mem>>
        %dma_start3A_62 = arith.constant 0 : i32
        %dma_start3A_63 = tpu.memref_slice %arg8[%scan3A_51, %dma_start3A_62] : memref<80x128xi32, #tpu.memory_space<vmem>> -> memref<1x128xi32, #tpu.memory_space<vmem>>
        %dma_start3A_64 = tpu.memref_squeeze %dma_start3A_63 : memref<1x128xi32, #tpu.memory_space<vmem>> -> memref<128xi32, #tpu.memory_space<vmem>>
        %dma_start3A_65 = arith.constant 0 : i32
        %dma_start3A_66 = arith.constant 0 : i32
        %dma_start3A_67 = tpu.memref_slice %arg11[%dma_start3A_65, %dma_start3A_66] : memref<10240x64xf32, #tpu.memory_space<vmem_shared>> -> memref<10240x64xf32, #tpu.memory_space<vmem_shared>>
        tpu.enqueue_indirect_dma source(%arg9 : memref<128x64xf32, #tpu.memory_space<vmem>>) target(%dma_start3A_67 : memref<10240x64xf32, #tpu.memory_space<vmem_shared>>) offsets(%dma_start3A_64 : memref<128xi32, #tpu.memory_space<vmem>>) semaphore(%run_scoped3A : memref<!tpu.dma_semaphore, #tpu.memory_space<semaphore_mem>>) {add = true}
        %dma_wait3A_68 = arith.constant 0 : i32
        %dma_wait3A_69 = tpu.memref_slice %arg8[%scan3A_51, %dma_wait3A_68] : memref<80x128xi32, #tpu.memory_space<vmem>> -> memref<1x128xi32, #tpu.memory_space<vmem>>
        %dma_wait3A_70 = tpu.memref_squeeze %dma_wait3A_69 : memref<1x128xi32, #tpu.memory_space<vmem>> -> memref<128xi32, #tpu.memory_space<vmem>>
        %dma_wait3A_71 = arith.constant 0 : i32
        %dma_wait3A_72 = arith.constant 0 : i32
        %dma_wait3A_73 = tpu.memref_slice %arg11[%dma_wait3A_71, %dma_wait3A_72] : memref<10240x64xf32, #tpu.memory_space<vmem_shared>> -> memref<10240x64xf32, #tpu.memory_space<vmem_shared>>
        tpu.wait_indirect_dma semaphore(%run_scoped3A : memref<!tpu.dma_semaphore, #tpu.memory_space<semaphore_mem>>) src(%arg9 : memref<128x64xf32, #tpu.memory_space<vmem>>) dst(%dma_wait3A_73 : memref<10240x64xf32, #tpu.memory_space<vmem_shared>>)
        tpu.yield
      }) : () -> ()
    }
    %scan3A_29 = arith.constant 80 : i32
    %barrier3A_30 = arith.constant 0 : index
    tpu.barrier barrier_id(%barrier3A_30)
    %mul3A_31 = arith.constant 640 : i32
    %mul3A_32 = arith.muli %arg1, %mul3A_31 : i32
    %add3A_33 = arith.constant 0 : i32
    %add3A_34 = arith.addi %mul3A_32, %add3A_33 : i32
    "tpu.region"() ({
      %run_scoped3A = tpu.sem_alloc : memref<!tpu.dma_semaphore, #tpu.memory_space<semaphore_mem>>
      %dma_start3A = arith.constant 0 : i32
      %dma_start3A_51 = tpu.memref_slice %arg11[%add3A_34, %dma_start3A] : memref<10240x64xf32, #tpu.memory_space<vmem_shared>> -> memref<128x64xf32, #tpu.memory_space<vmem_shared>>
      %dma_start3A_52 = arith.constant 0 : i32
      %dma_start3A_53 = tpu.memref_slice %arg11[%add3A_34, %dma_start3A_52] : memref<10240x64xf32, #tpu.memory_space<vmem_shared>> -> memref<128x64xf32, #tpu.memory_space<vmem_shared>>
      tpu.enqueue_dma source(%dma_start3A_53 : memref<128x64xf32, #tpu.memory_space<vmem_shared>>) target(%arg10 : memref<128x64xf32, #tpu.memory_space<vmem>>) target_semaphore(%run_scoped3A : memref<!tpu.dma_semaphore, #tpu.memory_space<semaphore_mem>>)
      %dma_wait3A = arith.constant 0 : i32
      %dma_wait3A_54 = tpu.memref_slice %arg11[%add3A_34, %dma_wait3A] : memref<10240x64xf32, #tpu.memory_space<vmem_shared>> -> memref<128x64xf32, #tpu.memory_space<vmem_shared>>
      %dma_wait3A_55 = arith.constant 0 : i32
      %dma_wait3A_56 = tpu.memref_slice %arg11[%add3A_34, %dma_wait3A_55] : memref<10240x64xf32, #tpu.memory_space<vmem_shared>> -> memref<128x64xf32, #tpu.memory_space<vmem_shared>>
      tpu.wait_dma2 semaphore(%run_scoped3A : memref<!tpu.dma_semaphore, #tpu.memory_space<semaphore_mem>>) src(%dma_wait3A_56 : memref<128x64xf32, #tpu.memory_space<vmem_shared>>) dst(%arg10 : memref<128x64xf32, #tpu.memory_space<vmem>>)
      tpu.yield
    }) : () -> ()
    "tpu.region"() ({
      %run_scoped3A = tpu.sem_alloc : memref<!tpu.dma_semaphore, #tpu.memory_space<semaphore_mem>>
      %dma_start3A = arith.constant 0 : i32
      %dma_start3A_51 = tpu.memref_slice %arg6[%arg0, %add3A_34, %dma_start3A] : memref<2x10240x64xf32, #tpu.memory_space<hbm>> -> memref<1x128x64xf32, #tpu.memory_space<hbm>>
      %dma_start3A_52 = tpu.memref_squeeze %dma_start3A_51 : memref<1x128x64xf32, #tpu.memory_space<hbm>> -> memref<128x64xf32, #tpu.memory_space<hbm>>
      %dma_start3A_53 = arith.constant 0 : i32
      %dma_start3A_54 = tpu.memref_slice %arg6[%arg0, %add3A_34, %dma_start3A_53] : memref<2x10240x64xf32, #tpu.memory_space<hbm>> -> memref<1x128x64xf32, #tpu.memory_space<hbm>>
      %dma_start3A_55 = tpu.memref_squeeze %dma_start3A_54 : memref<1x128x64xf32, #tpu.memory_space<hbm>> -> memref<128x64xf32, #tpu.memory_space<hbm>>
      tpu.enqueue_dma source(%arg10 : memref<128x64xf32, #tpu.memory_space<vmem>>) target(%dma_start3A_55 : memref<128x64xf32, #tpu.memory_space<hbm>>) target_semaphore(%run_scoped3A : memref<!tpu.dma_semaphore, #tpu.memory_space<semaphore_mem>>)
      %dma_wait3A = arith.constant 0 : i32
      %dma_wait3A_56 = tpu.memref_slice %arg6[%arg0, %add3A_34, %dma_wait3A] : memref<2x10240x64xf32, #tpu.memory_space<hbm>> -> memref<1x128x64xf32, #tpu.memory_space<hbm>>
      %dma_wait3A_57 = tpu.memref_squeeze %dma_wait3A_56 : memref<1x128x64xf32, #tpu.memory_space<hbm>> -> memref<128x64xf32, #tpu.memory_space<hbm>>
      %dma_wait3A_58 = arith.constant 0 : i32
      %dma_wait3A_59 = tpu.memref_slice %arg6[%arg0, %add3A_34, %dma_wait3A_58] : memref<2x10240x64xf32, #tpu.memory_space<hbm>> -> memref<1x128x64xf32, #tpu.memory_space<hbm>>
      %dma_wait3A_60 = tpu.memref_squeeze %dma_wait3A_59 : memref<1x128x64xf32, #tpu.memory_space<hbm>> -> memref<128x64xf32, #tpu.memory_space<hbm>>
      tpu.wait_dma2 semaphore(%run_scoped3A : memref<!tpu.dma_semaphore, #tpu.memory_space<semaphore_mem>>) src(%arg10 : memref<128x64xf32, #tpu.memory_space<vmem>>) dst(%dma_wait3A_60 : memref<128x64xf32, #tpu.memory_space<hbm>>)
      tpu.yield
    }) : () -> ()
    %mul3A_35 = arith.constant 640 : i32
    %mul3A_36 = arith.muli %arg1, %mul3A_35 : i32
    %add3A_37 = arith.constant 128 : i32
    %add3A_38 = arith.addi %mul3A_36, %add3A_37 : i32
    "tpu.region"() ({
      %run_scoped3A = tpu.sem_alloc : memref<!tpu.dma_semaphore, #tpu.memory_space<semaphore_mem>>
      %dma_start3A = arith.constant 0 : i32
      %dma_start3A_51 = tpu.memref_slice %arg11[%add3A_38, %dma_start3A] : memref<10240x64xf32, #tpu.memory_space<vmem_shared>> -> memref<128x64xf32, #tpu.memory_space<vmem_shared>>
      %dma_start3A_52 = arith.constant 0 : i32
      %dma_start3A_53 = tpu.memref_slice %arg11[%add3A_38, %dma_start3A_52] : memref<10240x64xf32, #tpu.memory_space<vmem_shared>> -> memref<128x64xf32, #tpu.memory_space<vmem_shared>>
      tpu.enqueue_dma source(%dma_start3A_53 : memref<128x64xf32, #tpu.memory_space<vmem_shared>>) target(%arg10 : memref<128x64xf32, #tpu.memory_space<vmem>>) target_semaphore(%run_scoped3A : memref<!tpu.dma_semaphore, #tpu.memory_space<semaphore_mem>>)
      %dma_wait3A = arith.constant 0 : i32
      %dma_wait3A_54 = tpu.memref_slice %arg11[%add3A_38, %dma_wait3A] : memref<10240x64xf32, #tpu.memory_space<vmem_shared>> -> memref<128x64xf32, #tpu.memory_space<vmem_shared>>
      %dma_wait3A_55 = arith.constant 0 : i32
      %dma_wait3A_56 = tpu.memref_slice %arg11[%add3A_38, %dma_wait3A_55] : memref<10240x64xf32, #tpu.memory_space<vmem_shared>> -> memref<128x64xf32, #tpu.memory_space<vmem_shared>>
      tpu.wait_dma2 semaphore(%run_scoped3A : memref<!tpu.dma_semaphore, #tpu.memory_space<semaphore_mem>>) src(%dma_wait3A_56 : memref<128x64xf32, #tpu.memory_space<vmem_shared>>) dst(%arg10 : memref<128x64xf32, #tpu.memory_space<vmem>>)
      tpu.yield
    }) : () -> ()
    "tpu.region"() ({
      %run_scoped3A = tpu.sem_alloc : memref<!tpu.dma_semaphore, #tpu.memory_space<semaphore_mem>>
      %dma_start3A = arith.constant 0 : i32
      %dma_start3A_51 = tpu.memref_slice %arg6[%arg0, %add3A_38, %dma_start3A] : memref<2x10240x64xf32, #tpu.memory_space<hbm>> -> memref<1x128x64xf32, #tpu.memory_space<hbm>>
      %dma_start3A_52 = tpu.memref_squeeze %dma_start3A_51 : memref<1x128x64xf32, #tpu.memory_space<hbm>> -> memref<128x64xf32, #tpu.memory_space<hbm>>
      %dma_start3A_53 = arith.constant 0 : i32
      %dma_start3A_54 = tpu.memref_slice %arg6[%arg0, %add3A_38, %dma_start3A_53] : memref<2x10240x64xf32, #tpu.memory_space<hbm>> -> memref<1x128x64xf32, #tpu.memory_space<hbm>>
      %dma_start3A_55 = tpu.memref_squeeze %dma_start3A_54 : memref<1x128x64xf32, #tpu.memory_space<hbm>> -> memref<128x64xf32, #tpu.memory_space<hbm>>
      tpu.enqueue_dma source(%arg10 : memref<128x64xf32, #tpu.memory_space<vmem>>) target(%dma_start3A_55 : memref<128x64xf32, #tpu.memory_space<hbm>>) target_semaphore(%run_scoped3A : memref<!tpu.dma_semaphore, #tpu.memory_space<semaphore_mem>>)
      %dma_wait3A = arith.constant 0 : i32
      %dma_wait3A_56 = tpu.memref_slice %arg6[%arg0, %add3A_38, %dma_wait3A] : memref<2x10240x64xf32, #tpu.memory_space<hbm>> -> memref<1x128x64xf32, #tpu.memory_space<hbm>>
      %dma_wait3A_57 = tpu.memref_squeeze %dma_wait3A_56 : memref<1x128x64xf32, #tpu.memory_space<hbm>> -> memref<128x64xf32, #tpu.memory_space<hbm>>
      %dma_wait3A_58 = arith.constant 0 : i32
      %dma_wait3A_59 = tpu.memref_slice %arg6[%arg0, %add3A_38, %dma_wait3A_58] : memref<2x10240x64xf32, #tpu.memory_space<hbm>> -> memref<1x128x64xf32, #tpu.memory_space<hbm>>
      %dma_wait3A_60 = tpu.memref_squeeze %dma_wait3A_59 : memref<1x128x64xf32, #tpu.memory_space<hbm>> -> memref<128x64xf32, #tpu.memory_space<hbm>>
      tpu.wait_dma2 semaphore(%run_scoped3A : memref<!tpu.dma_semaphore, #tpu.memory_space<semaphore_mem>>) src(%arg10 : memref<128x64xf32, #tpu.memory_space<vmem>>) dst(%dma_wait3A_60 : memref<128x64xf32, #tpu.memory_space<hbm>>)
      tpu.yield
    }) : () -> ()
    %mul3A_39 = arith.constant 640 : i32
    %mul3A_40 = arith.muli %arg1, %mul3A_39 : i32
    %add3A_41 = arith.constant 256 : i32
    %add3A_42 = arith.addi %mul3A_40, %add3A_41 : i32
    "tpu.region"() ({
      %run_scoped3A = tpu.sem_alloc : memref<!tpu.dma_semaphore, #tpu.memory_space<semaphore_mem>>
      %dma_start3A = arith.constant 0 : i32
      %dma_start3A_51 = tpu.memref_slice %arg11[%add3A_42, %dma_start3A] : memref<10240x64xf32, #tpu.memory_space<vmem_shared>> -> memref<128x64xf32, #tpu.memory_space<vmem_shared>>
      %dma_start3A_52 = arith.constant 0 : i32
      %dma_start3A_53 = tpu.memref_slice %arg11[%add3A_42, %dma_start3A_52] : memref<10240x64xf32, #tpu.memory_space<vmem_shared>> -> memref<128x64xf32, #tpu.memory_space<vmem_shared>>
      tpu.enqueue_dma source(%dma_start3A_53 : memref<128x64xf32, #tpu.memory_space<vmem_shared>>) target(%arg10 : memref<128x64xf32, #tpu.memory_space<vmem>>) target_semaphore(%run_scoped3A : memref<!tpu.dma_semaphore, #tpu.memory_space<semaphore_mem>>)
      %dma_wait3A = arith.constant 0 : i32
      %dma_wait3A_54 = tpu.memref_slice %arg11[%add3A_42, %dma_wait3A] : memref<10240x64xf32, #tpu.memory_space<vmem_shared>> -> memref<128x64xf32, #tpu.memory_space<vmem_shared>>
      %dma_wait3A_55 = arith.constant 0 : i32
      %dma_wait3A_56 = tpu.memref_slice %arg11[%add3A_42, %dma_wait3A_55] : memref<10240x64xf32, #tpu.memory_space<vmem_shared>> -> memref<128x64xf32, #tpu.memory_space<vmem_shared>>
      tpu.wait_dma2 semaphore(%run_scoped3A : memref<!tpu.dma_semaphore, #tpu.memory_space<semaphore_mem>>) src(%dma_wait3A_56 : memref<128x64xf32, #tpu.memory_space<vmem_shared>>) dst(%arg10 : memref<128x64xf32, #tpu.memory_space<vmem>>)
      tpu.yield
    }) : () -> ()
    "tpu.region"() ({
      %run_scoped3A = tpu.sem_alloc : memref<!tpu.dma_semaphore, #tpu.memory_space<semaphore_mem>>
      %dma_start3A = arith.constant 0 : i32
      %dma_start3A_51 = tpu.memref_slice %arg6[%arg0, %add3A_42, %dma_start3A] : memref<2x10240x64xf32, #tpu.memory_space<hbm>> -> memref<1x128x64xf32, #tpu.memory_space<hbm>>
      %dma_start3A_52 = tpu.memref_squeeze %dma_start3A_51 : memref<1x128x64xf32, #tpu.memory_space<hbm>> -> memref<128x64xf32, #tpu.memory_space<hbm>>
      %dma_start3A_53 = arith.constant 0 : i32
      %dma_start3A_54 = tpu.memref_slice %arg6[%arg0, %add3A_42, %dma_start3A_53] : memref<2x10240x64xf32, #tpu.memory_space<hbm>> -> memref<1x128x64xf32, #tpu.memory_space<hbm>>
      %dma_start3A_55 = tpu.memref_squeeze %dma_start3A_54 : memref<1x128x64xf32, #tpu.memory_space<hbm>> -> memref<128x64xf32, #tpu.memory_space<hbm>>
      tpu.enqueue_dma source(%arg10 : memref<128x64xf32, #tpu.memory_space<vmem>>) target(%dma_start3A_55 : memref<128x64xf32, #tpu.memory_space<hbm>>) target_semaphore(%run_scoped3A : memref<!tpu.dma_semaphore, #tpu.memory_space<semaphore_mem>>)
      %dma_wait3A = arith.constant 0 : i32
      %dma_wait3A_56 = tpu.memref_slice %arg6[%arg0, %add3A_42, %dma_wait3A] : memref<2x10240x64xf32, #tpu.memory_space<hbm>> -> memref<1x128x64xf32, #tpu.memory_space<hbm>>
      %dma_wait3A_57 = tpu.memref_squeeze %dma_wait3A_56 : memref<1x128x64xf32, #tpu.memory_space<hbm>> -> memref<128x64xf32, #tpu.memory_space<hbm>>
      %dma_wait3A_58 = arith.constant 0 : i32
      %dma_wait3A_59 = tpu.memref_slice %arg6[%arg0, %add3A_42, %dma_wait3A_58] : memref<2x10240x64xf32, #tpu.memory_space<hbm>> -> memref<1x128x64xf32, #tpu.memory_space<hbm>>
      %dma_wait3A_60 = tpu.memref_squeeze %dma_wait3A_59 : memref<1x128x64xf32, #tpu.memory_space<hbm>> -> memref<128x64xf32, #tpu.memory_space<hbm>>
      tpu.wait_dma2 semaphore(%run_scoped3A : memref<!tpu.dma_semaphore, #tpu.memory_space<semaphore_mem>>) src(%arg10 : memref<128x64xf32, #tpu.memory_space<vmem>>) dst(%dma_wait3A_60 : memref<128x64xf32, #tpu.memory_space<hbm>>)
      tpu.yield
    }) : () -> ()
    %mul3A_43 = arith.constant 640 : i32
    %mul3A_44 = arith.muli %arg1, %mul3A_43 : i32
    %add3A_45 = arith.constant 384 : i32
    %add3A_46 = arith.addi %mul3A_44, %add3A_45 : i32
    "tpu.region"() ({
      %run_scoped3A = tpu.sem_alloc : memref<!tpu.dma_semaphore, #tpu.memory_space<semaphore_mem>>
      %dma_start3A = arith.constant 0 : i32
      %dma_start3A_51 = tpu.memref_slice %arg11[%add3A_46, %dma_start3A] : memref<10240x64xf32, #tpu.memory_space<vmem_shared>> -> memref<128x64xf32, #tpu.memory_space<vmem_shared>>
      %dma_start3A_52 = arith.constant 0 : i32
      %dma_start3A_53 = tpu.memref_slice %arg11[%add3A_46, %dma_start3A_52] : memref<10240x64xf32, #tpu.memory_space<vmem_shared>> -> memref<128x64xf32, #tpu.memory_space<vmem_shared>>
      tpu.enqueue_dma source(%dma_start3A_53 : memref<128x64xf32, #tpu.memory_space<vmem_shared>>) target(%arg10 : memref<128x64xf32, #tpu.memory_space<vmem>>) target_semaphore(%run_scoped3A : memref<!tpu.dma_semaphore, #tpu.memory_space<semaphore_mem>>)
      %dma_wait3A = arith.constant 0 : i32
      %dma_wait3A_54 = tpu.memref_slice %arg11[%add3A_46, %dma_wait3A] : memref<10240x64xf32, #tpu.memory_space<vmem_shared>> -> memref<128x64xf32, #tpu.memory_space<vmem_shared>>
      %dma_wait3A_55 = arith.constant 0 : i32
      %dma_wait3A_56 = tpu.memref_slice %arg11[%add3A_46, %dma_wait3A_55] : memref<10240x64xf32, #tpu.memory_space<vmem_shared>> -> memref<128x64xf32, #tpu.memory_space<vmem_shared>>
      tpu.wait_dma2 semaphore(%run_scoped3A : memref<!tpu.dma_semaphore, #tpu.memory_space<semaphore_mem>>) src(%dma_wait3A_56 : memref<128x64xf32, #tpu.memory_space<vmem_shared>>) dst(%arg10 : memref<128x64xf32, #tpu.memory_space<vmem>>)
      tpu.yield
    }) : () -> ()
    "tpu.region"() ({
      %run_scoped3A = tpu.sem_alloc : memref<!tpu.dma_semaphore, #tpu.memory_space<semaphore_mem>>
      %dma_start3A = arith.constant 0 : i32
      %dma_start3A_51 = tpu.memref_slice %arg6[%arg0, %add3A_46, %dma_start3A] : memref<2x10240x64xf32, #tpu.memory_space<hbm>> -> memref<1x128x64xf32, #tpu.memory_space<hbm>>
      %dma_start3A_52 = tpu.memref_squeeze %dma_start3A_51 : memref<1x128x64xf32, #tpu.memory_space<hbm>> -> memref<128x64xf32, #tpu.memory_space<hbm>>
      %dma_start3A_53 = arith.constant 0 : i32
      %dma_start3A_54 = tpu.memref_slice %arg6[%arg0, %add3A_46, %dma_start3A_53] : memref<2x10240x64xf32, #tpu.memory_space<hbm>> -> memref<1x128x64xf32, #tpu.memory_space<hbm>>
      %dma_start3A_55 = tpu.memref_squeeze %dma_start3A_54 : memref<1x128x64xf32, #tpu.memory_space<hbm>> -> memref<128x64xf32, #tpu.memory_space<hbm>>
      tpu.enqueue_dma source(%arg10 : memref<128x64xf32, #tpu.memory_space<vmem>>) target(%dma_start3A_55 : memref<128x64xf32, #tpu.memory_space<hbm>>) target_semaphore(%run_scoped3A : memref<!tpu.dma_semaphore, #tpu.memory_space<semaphore_mem>>)
      %dma_wait3A = arith.constant 0 : i32
      %dma_wait3A_56 = tpu.memref_slice %arg6[%arg0, %add3A_46, %dma_wait3A] : memref<2x10240x64xf32, #tpu.memory_space<hbm>> -> memref<1x128x64xf32, #tpu.memory_space<hbm>>
      %dma_wait3A_57 = tpu.memref_squeeze %dma_wait3A_56 : memref<1x128x64xf32, #tpu.memory_space<hbm>> -> memref<128x64xf32, #tpu.memory_space<hbm>>
      %dma_wait3A_58 = arith.constant 0 : i32
      %dma_wait3A_59 = tpu.memref_slice %arg6[%arg0, %add3A_46, %dma_wait3A_58] : memref<2x10240x64xf32, #tpu.memory_space<hbm>> -> memref<1x128x64xf32, #tpu.memory_space<hbm>>
      %dma_wait3A_60 = tpu.memref_squeeze %dma_wait3A_59 : memref<1x128x64xf32, #tpu.memory_space<hbm>> -> memref<128x64xf32, #tpu.memory_space<hbm>>
      tpu.wait_dma2 semaphore(%run_scoped3A : memref<!tpu.dma_semaphore, #tpu.memory_space<semaphore_mem>>) src(%arg10 : memref<128x64xf32, #tpu.memory_space<vmem>>) dst(%dma_wait3A_60 : memref<128x64xf32, #tpu.memory_space<hbm>>)
      tpu.yield
    }) : () -> ()
    %mul3A_47 = arith.constant 640 : i32
    %mul3A_48 = arith.muli %arg1, %mul3A_47 : i32
    %add3A_49 = arith.constant 512 : i32
    %add3A_50 = arith.addi %mul3A_48, %add3A_49 : i32
    "tpu.region"() ({
      %run_scoped3A = tpu.sem_alloc : memref<!tpu.dma_semaphore, #tpu.memory_space<semaphore_mem>>
      %dma_start3A = arith.constant 0 : i32
      %dma_start3A_51 = tpu.memref_slice %arg11[%add3A_50, %dma_start3A] : memref<10240x64xf32, #tpu.memory_space<vmem_shared>> -> memref<128x64xf32, #tpu.memory_space<vmem_shared>>
      %dma_start3A_52 = arith.constant 0 : i32
      %dma_start3A_53 = tpu.memref_slice %arg11[%add3A_50, %dma_start3A_52] : memref<10240x64xf32, #tpu.memory_space<vmem_shared>> -> memref<128x64xf32, #tpu.memory_space<vmem_shared>>
      tpu.enqueue_dma source(%dma_start3A_53 : memref<128x64xf32, #tpu.memory_space<vmem_shared>>) target(%arg10 : memref<128x64xf32, #tpu.memory_space<vmem>>) target_semaphore(%run_scoped3A : memref<!tpu.dma_semaphore, #tpu.memory_space<semaphore_mem>>)
      %dma_wait3A = arith.constant 0 : i32
      %dma_wait3A_54 = tpu.memref_slice %arg11[%add3A_50, %dma_wait3A] : memref<10240x64xf32, #tpu.memory_space<vmem_shared>> -> memref<128x64xf32, #tpu.memory_space<vmem_shared>>
      %dma_wait3A_55 = arith.constant 0 : i32
      %dma_wait3A_56 = tpu.memref_slice %arg11[%add3A_50, %dma_wait3A_55] : memref<10240x64xf32, #tpu.memory_space<vmem_shared>> -> memref<128x64xf32, #tpu.memory_space<vmem_shared>>
      tpu.wait_dma2 semaphore(%run_scoped3A : memref<!tpu.dma_semaphore, #tpu.memory_space<semaphore_mem>>) src(%dma_wait3A_56 : memref<128x64xf32, #tpu.memory_space<vmem_shared>>) dst(%arg10 : memref<128x64xf32, #tpu.memory_space<vmem>>)
      tpu.yield
    }) : () -> ()
    "tpu.region"() ({
      %run_scoped3A = tpu.sem_alloc : memref<!tpu.dma_semaphore, #tpu.memory_space<semaphore_mem>>
      %dma_start3A = arith.constant 0 : i32
      %dma_start3A_51 = tpu.memref_slice %arg6[%arg0, %add3A_50, %dma_start3A] : memref<2x10240x64xf32, #tpu.memory_space<hbm>> -> memref<1x128x64xf32, #tpu.memory_space<hbm>>
      %dma_start3A_52 = tpu.memref_squeeze %dma_start3A_51 : memref<1x128x64xf32, #tpu.memory_space<hbm>> -> memref<128x64xf32, #tpu.memory_space<hbm>>
      %dma_start3A_53 = arith.constant 0 : i32
      %dma_start3A_54 = tpu.memref_slice %arg6[%arg0, %add3A_50, %dma_start3A_53] : memref<2x10240x64xf32, #tpu.memory_space<hbm>> -> memref<1x128x64xf32, #tpu.memory_space<hbm>>
      %dma_start3A_55 = tpu.memref_squeeze %dma_start3A_54 : memref<1x128x64xf32, #tpu.memory_space<hbm>> -> memref<128x64xf32, #tpu.memory_space<hbm>>
      tpu.enqueue_dma source(%arg10 : memref<128x64xf32, #tpu.memory_space<vmem>>) target(%dma_start3A_55 : memref<128x64xf32, #tpu.memory_space<hbm>>) target_semaphore(%run_scoped3A : memref<!tpu.dma_semaphore, #tpu.memory_space<semaphore_mem>>)
      %dma_wait3A = arith.constant 0 : i32
      %dma_wait3A_56 = tpu.memref_slice %arg6[%arg0, %add3A_50, %dma_wait3A] : memref<2x10240x64xf32, #tpu.memory_space<hbm>> -> memref<1x128x64xf32, #tpu.memory_space<hbm>>
      %dma_wait3A_57 = tpu.memref_squeeze %dma_wait3A_56 : memref<1x128x64xf32, #tpu.memory_space<hbm>> -> memref<128x64xf32, #tpu.memory_space<hbm>>
      %dma_wait3A_58 = arith.constant 0 : i32
      %dma_wait3A_59 = tpu.memref_slice %arg6[%arg0, %add3A_50, %dma_wait3A_58] : memref<2x10240x64xf32, #tpu.memory_space<hbm>> -> memref<1x128x64xf32, #tpu.memory_space<hbm>>
      %dma_wait3A_60 = tpu.memref_squeeze %dma_wait3A_59 : memref<1x128x64xf32, #tpu.memory_space<hbm>> -> memref<128x64xf32, #tpu.memory_space<hbm>>
      tpu.wait_dma2 semaphore(%run_scoped3A : memref<!tpu.dma_semaphore, #tpu.memory_space<semaphore_mem>>) src(%arg10 : memref<128x64xf32, #tpu.memory_space<vmem>>) dst(%dma_wait3A_60 : memref<128x64xf32, #tpu.memory_space<hbm>>)
      tpu.yield
    }) : () -> ()
    return
  }
}

#map = affine_map<(d0, d1) -> (0, 0)>
#map1 = affine_map<(d0, d1) -> (0, 0, 0)>
module attributes {stable_mosaic.version = 14 : i64} {
  func.func @agg(%arg0: i32, %arg1: i32, %arg2: memref<10000x64xf32, #tpu.memory_space<hbm>>, %arg3: memref<2560x128xi32, #tpu.memory_space<hbm>>, %arg4: memref<2560x128xi32, #tpu.memory_space<hbm>>, %arg5: memref<128x64xf32, #tpu.memory_space<hbm>>, %arg6: memref<2x10240x64xf32, #tpu.memory_space<hbm>>, %arg7: memref<80x128xi32, #tpu.memory_space<vmem>>, %arg8: memref<80x128xi32, #tpu.memory_space<vmem>>, %arg9: memref<128x64xf32, #tpu.memory_space<vmem>>, %arg10: memref<128x64xf32, #tpu.memory_space<vmem>>, %arg11: memref<10240x64xf32, #tpu.memory_space<vmem_shared>>, %arg12: memref<!tpu.dma_semaphore, #tpu.memory_space<semaphore_mem>>) attributes {dimension_semantics = [#tpu.dimension_semantics<core_parallel>, #tpu.dimension_semantics<subcore_parallel>], iteration_bounds = array<i64: 2, 16>, scalar_prefetch = 0 : i64, scratch_operands = 6 : i64, tpu.core_type = #tpu.core_type<sc_vector_subcore>, window_params = [{transform_indices = #map}, {transform_indices = #map}, {transform_indices = #map}, {transform_indices = #map}, {transform_indices = #map1}]} {
    %mul3A = arith.constant 16 : i32
    %mul3A_0 = arith.muli %arg0, %mul3A : i32
    %add3A = arith.addi %mul3A_0, %arg1 : i32
    "tpu.region"() ({
      %run_scoped3A = tpu.sem_alloc : memref<!tpu.dma_semaphore, #tpu.memory_space<semaphore_mem>>
      tpu.enqueue_dma source(%arg5 : memref<128x64xf32, #tpu.memory_space<hbm>>) target(%arg10 : memref<128x64xf32, #tpu.memory_space<vmem>>) target_semaphore(%run_scoped3A : memref<!tpu.dma_semaphore, #tpu.memory_space<semaphore_mem>>)
      tpu.wait_dma2 semaphore(%run_scoped3A : memref<!tpu.dma_semaphore, #tpu.memory_space<semaphore_mem>>) src(%arg5 : memref<128x64xf32, #tpu.memory_space<hbm>>) dst(%arg10 : memref<128x64xf32, #tpu.memory_space<vmem>>)
      tpu.yield
    }) : () -> ()
    %mul3A_1 = arith.constant 640 : i32
    %mul3A_2 = arith.muli %arg1, %mul3A_1 : i32
    %add3A_3 = arith.constant 0 : i32
    %add3A_4 = arith.addi %mul3A_2, %add3A_3 : i32
    "tpu.region"() ({
      %run_scoped3A = tpu.sem_alloc : memref<!tpu.dma_semaphore, #tpu.memory_space<semaphore_mem>>
      %dma_start3A = arith.constant 0 : i32
      %dma_start3A_51 = tpu.memref_slice %arg11[%add3A_4, %dma_start3A] : memref<10240x64xf32, #tpu.memory_space<vmem_shared>> -> memref<128x64xf32, #tpu.memory_space<vmem_shared>>
      %dma_start3A_52 = arith.constant 0 : i32
      %dma_start3A_53 = tpu.memref_slice %arg11[%add3A_4, %dma_start3A_52] : memref<10240x64xf32, #tpu.memory_space<vmem_shared>> -> memref<128x64xf32, #tpu.memory_space<vmem_shared>>
      tpu.enqueue_dma source(%arg10 : memref<128x64xf32, #tpu.memory_space<vmem>>) target(%dma_start3A_53 : memref<128x64xf32, #tpu.memory_space<vmem_shared>>) target_semaphore(%run_scoped3A : memref<!tpu.dma_semaphore, #tpu.memory_space<semaphore_mem>>)
      %dma_wait3A = arith.constant 0 : i32
      %dma_wait3A_54 = tpu.memref_slice %arg11[%add3A_4, %dma_wait3A] : memref<10240x64xf32, #tpu.memory_space<vmem_shared>> -> memref<128x64xf32, #tpu.memory_space<vmem_shared>>
      %dma_wait3A_55 = arith.constant 0 : i32
      %dma_wait3A_56 = tpu.memref_slice %arg11[%add3A_4, %dma_wait3A_55] : memref<10240x64xf32, #tpu.memory_space<vmem_shared>> -> memref<128x64xf32, #tpu.memory_space<vmem_shared>>
      tpu.wait_dma2 semaphore(%run_scoped3A : memref<!tpu.dma_semaphore, #tpu.memory_space<semaphore_mem>>) src(%arg10 : memref<128x64xf32, #tpu.memory_space<vmem>>) dst(%dma_wait3A_56 : memref<128x64xf32, #tpu.memory_space<vmem_shared>>)
      tpu.yield
    }) : () -> ()
    %mul3A_5 = arith.constant 640 : i32
    %mul3A_6 = arith.muli %arg1, %mul3A_5 : i32
    %add3A_7 = arith.constant 128 : i32
    %add3A_8 = arith.addi %mul3A_6, %add3A_7 : i32
    "tpu.region"() ({
      %run_scoped3A = tpu.sem_alloc : memref<!tpu.dma_semaphore, #tpu.memory_space<semaphore_mem>>
      %dma_start3A = arith.constant 0 : i32
      %dma_start3A_51 = tpu.memref_slice %arg11[%add3A_8, %dma_start3A] : memref<10240x64xf32, #tpu.memory_space<vmem_shared>> -> memref<128x64xf32, #tpu.memory_space<vmem_shared>>
      %dma_start3A_52 = arith.constant 0 : i32
      %dma_start3A_53 = tpu.memref_slice %arg11[%add3A_8, %dma_start3A_52] : memref<10240x64xf32, #tpu.memory_space<vmem_shared>> -> memref<128x64xf32, #tpu.memory_space<vmem_shared>>
      tpu.enqueue_dma source(%arg10 : memref<128x64xf32, #tpu.memory_space<vmem>>) target(%dma_start3A_53 : memref<128x64xf32, #tpu.memory_space<vmem_shared>>) target_semaphore(%run_scoped3A : memref<!tpu.dma_semaphore, #tpu.memory_space<semaphore_mem>>)
      %dma_wait3A = arith.constant 0 : i32
      %dma_wait3A_54 = tpu.memref_slice %arg11[%add3A_8, %dma_wait3A] : memref<10240x64xf32, #tpu.memory_space<vmem_shared>> -> memref<128x64xf32, #tpu.memory_space<vmem_shared>>
      %dma_wait3A_55 = arith.constant 0 : i32
      %dma_wait3A_56 = tpu.memref_slice %arg11[%add3A_8, %dma_wait3A_55] : memref<10240x64xf32, #tpu.memory_space<vmem_shared>> -> memref<128x64xf32, #tpu.memory_space<vmem_shared>>
      tpu.wait_dma2 semaphore(%run_scoped3A : memref<!tpu.dma_semaphore, #tpu.memory_space<semaphore_mem>>) src(%arg10 : memref<128x64xf32, #tpu.memory_space<vmem>>) dst(%dma_wait3A_56 : memref<128x64xf32, #tpu.memory_space<vmem_shared>>)
      tpu.yield
    }) : () -> ()
    %mul3A_9 = arith.constant 640 : i32
    %mul3A_10 = arith.muli %arg1, %mul3A_9 : i32
    %add3A_11 = arith.constant 256 : i32
    %add3A_12 = arith.addi %mul3A_10, %add3A_11 : i32
    "tpu.region"() ({
      %run_scoped3A = tpu.sem_alloc : memref<!tpu.dma_semaphore, #tpu.memory_space<semaphore_mem>>
      %dma_start3A = arith.constant 0 : i32
      %dma_start3A_51 = tpu.memref_slice %arg11[%add3A_12, %dma_start3A] : memref<10240x64xf32, #tpu.memory_space<vmem_shared>> -> memref<128x64xf32, #tpu.memory_space<vmem_shared>>
      %dma_start3A_52 = arith.constant 0 : i32
      %dma_start3A_53 = tpu.memref_slice %arg11[%add3A_12, %dma_start3A_52] : memref<10240x64xf32, #tpu.memory_space<vmem_shared>> -> memref<128x64xf32, #tpu.memory_space<vmem_shared>>
      tpu.enqueue_dma source(%arg10 : memref<128x64xf32, #tpu.memory_space<vmem>>) target(%dma_start3A_53 : memref<128x64xf32, #tpu.memory_space<vmem_shared>>) target_semaphore(%run_scoped3A : memref<!tpu.dma_semaphore, #tpu.memory_space<semaphore_mem>>)
      %dma_wait3A = arith.constant 0 : i32
      %dma_wait3A_54 = tpu.memref_slice %arg11[%add3A_12, %dma_wait3A] : memref<10240x64xf32, #tpu.memory_space<vmem_shared>> -> memref<128x64xf32, #tpu.memory_space<vmem_shared>>
      %dma_wait3A_55 = arith.constant 0 : i32
      %dma_wait3A_56 = tpu.memref_slice %arg11[%add3A_12, %dma_wait3A_55] : memref<10240x64xf32, #tpu.memory_space<vmem_shared>> -> memref<128x64xf32, #tpu.memory_space<vmem_shared>>
      tpu.wait_dma2 semaphore(%run_scoped3A : memref<!tpu.dma_semaphore, #tpu.memory_space<semaphore_mem>>) src(%arg10 : memref<128x64xf32, #tpu.memory_space<vmem>>) dst(%dma_wait3A_56 : memref<128x64xf32, #tpu.memory_space<vmem_shared>>)
      tpu.yield
    }) : () -> ()
    %mul3A_13 = arith.constant 640 : i32
    %mul3A_14 = arith.muli %arg1, %mul3A_13 : i32
    %add3A_15 = arith.constant 384 : i32
    %add3A_16 = arith.addi %mul3A_14, %add3A_15 : i32
    "tpu.region"() ({
      %run_scoped3A = tpu.sem_alloc : memref<!tpu.dma_semaphore, #tpu.memory_space<semaphore_mem>>
      %dma_start3A = arith.constant 0 : i32
      %dma_start3A_51 = tpu.memref_slice %arg11[%add3A_16, %dma_start3A] : memref<10240x64xf32, #tpu.memory_space<vmem_shared>> -> memref<128x64xf32, #tpu.memory_space<vmem_shared>>
      %dma_start3A_52 = arith.constant 0 : i32
      %dma_start3A_53 = tpu.memref_slice %arg11[%add3A_16, %dma_start3A_52] : memref<10240x64xf32, #tpu.memory_space<vmem_shared>> -> memref<128x64xf32, #tpu.memory_space<vmem_shared>>
      tpu.enqueue_dma source(%arg10 : memref<128x64xf32, #tpu.memory_space<vmem>>) target(%dma_start3A_53 : memref<128x64xf32, #tpu.memory_space<vmem_shared>>) target_semaphore(%run_scoped3A : memref<!tpu.dma_semaphore, #tpu.memory_space<semaphore_mem>>)
      %dma_wait3A = arith.constant 0 : i32
      %dma_wait3A_54 = tpu.memref_slice %arg11[%add3A_16, %dma_wait3A] : memref<10240x64xf32, #tpu.memory_space<vmem_shared>> -> memref<128x64xf32, #tpu.memory_space<vmem_shared>>
      %dma_wait3A_55 = arith.constant 0 : i32
      %dma_wait3A_56 = tpu.memref_slice %arg11[%add3A_16, %dma_wait3A_55] : memref<10240x64xf32, #tpu.memory_space<vmem_shared>> -> memref<128x64xf32, #tpu.memory_space<vmem_shared>>
      tpu.wait_dma2 semaphore(%run_scoped3A : memref<!tpu.dma_semaphore, #tpu.memory_space<semaphore_mem>>) src(%arg10 : memref<128x64xf32, #tpu.memory_space<vmem>>) dst(%dma_wait3A_56 : memref<128x64xf32, #tpu.memory_space<vmem_shared>>)
      tpu.yield
    }) : () -> ()
    %mul3A_17 = arith.constant 640 : i32
    %mul3A_18 = arith.muli %arg1, %mul3A_17 : i32
    %add3A_19 = arith.constant 512 : i32
    %add3A_20 = arith.addi %mul3A_18, %add3A_19 : i32
    "tpu.region"() ({
      %run_scoped3A = tpu.sem_alloc : memref<!tpu.dma_semaphore, #tpu.memory_space<semaphore_mem>>
      %dma_start3A = arith.constant 0 : i32
      %dma_start3A_51 = tpu.memref_slice %arg11[%add3A_20, %dma_start3A] : memref<10240x64xf32, #tpu.memory_space<vmem_shared>> -> memref<128x64xf32, #tpu.memory_space<vmem_shared>>
      %dma_start3A_52 = arith.constant 0 : i32
      %dma_start3A_53 = tpu.memref_slice %arg11[%add3A_20, %dma_start3A_52] : memref<10240x64xf32, #tpu.memory_space<vmem_shared>> -> memref<128x64xf32, #tpu.memory_space<vmem_shared>>
      tpu.enqueue_dma source(%arg10 : memref<128x64xf32, #tpu.memory_space<vmem>>) target(%dma_start3A_53 : memref<128x64xf32, #tpu.memory_space<vmem_shared>>) target_semaphore(%run_scoped3A : memref<!tpu.dma_semaphore, #tpu.memory_space<semaphore_mem>>)
      %dma_wait3A = arith.constant 0 : i32
      %dma_wait3A_54 = tpu.memref_slice %arg11[%add3A_20, %dma_wait3A] : memref<10240x64xf32, #tpu.memory_space<vmem_shared>> -> memref<128x64xf32, #tpu.memory_space<vmem_shared>>
      %dma_wait3A_55 = arith.constant 0 : i32
      %dma_wait3A_56 = tpu.memref_slice %arg11[%add3A_20, %dma_wait3A_55] : memref<10240x64xf32, #tpu.memory_space<vmem_shared>> -> memref<128x64xf32, #tpu.memory_space<vmem_shared>>
      tpu.wait_dma2 semaphore(%run_scoped3A : memref<!tpu.dma_semaphore, #tpu.memory_space<semaphore_mem>>) src(%arg10 : memref<128x64xf32, #tpu.memory_space<vmem>>) dst(%dma_wait3A_56 : memref<128x64xf32, #tpu.memory_space<vmem_shared>>)
      tpu.yield
    }) : () -> ()
    %mul3A_21 = arith.constant 80 : i32
    %mul3A_22 = arith.muli %add3A, %mul3A_21 : i32
    "tpu.region"() ({
      %run_scoped3A = tpu.sem_alloc : memref<!tpu.dma_semaphore, #tpu.memory_space<semaphore_mem>>
      %dma_start3A = arith.constant 0 : i32
      %dma_start3A_51 = tpu.memref_slice %arg3[%mul3A_22, %dma_start3A] : memref<2560x128xi32, #tpu.memory_space<hbm>> -> memref<80x128xi32, #tpu.memory_space<hbm>>
      %dma_start3A_52 = arith.constant 0 : i32
      %dma_start3A_53 = tpu.memref_slice %arg3[%mul3A_22, %dma_start3A_52] : memref<2560x128xi32, #tpu.memory_space<hbm>> -> memref<80x128xi32, #tpu.memory_space<hbm>>
      tpu.enqueue_dma source(%dma_start3A_53 : memref<80x128xi32, #tpu.memory_space<hbm>>) target(%arg7 : memref<80x128xi32, #tpu.memory_space<vmem>>) target_semaphore(%run_scoped3A : memref<!tpu.dma_semaphore, #tpu.memory_space<semaphore_mem>>)
      %dma_wait3A = arith.constant 0 : i32
      %dma_wait3A_54 = tpu.memref_slice %arg3[%mul3A_22, %dma_wait3A] : memref<2560x128xi32, #tpu.memory_space<hbm>> -> memref<80x128xi32, #tpu.memory_space<hbm>>
      %dma_wait3A_55 = arith.constant 0 : i32
      %dma_wait3A_56 = tpu.memref_slice %arg3[%mul3A_22, %dma_wait3A_55] : memref<2560x128xi32, #tpu.memory_space<hbm>> -> memref<80x128xi32, #tpu.memory_space<hbm>>
      tpu.wait_dma2 semaphore(%run_scoped3A : memref<!tpu.dma_semaphore, #tpu.memory_space<semaphore_mem>>) src(%dma_wait3A_56 : memref<80x128xi32, #tpu.memory_space<hbm>>) dst(%arg7 : memref<80x128xi32, #tpu.memory_space<vmem>>)
      tpu.yield
    }) : () -> ()
    %mul3A_23 = arith.constant 80 : i32
    %mul3A_24 = arith.muli %add3A, %mul3A_23 : i32
    "tpu.region"() ({
      %run_scoped3A = tpu.sem_alloc : memref<!tpu.dma_semaphore, #tpu.memory_space<semaphore_mem>>
      %dma_start3A = arith.constant 0 : i32
      %dma_start3A_51 = tpu.memref_slice %arg4[%mul3A_24, %dma_start3A] : memref<2560x128xi32, #tpu.memory_space<hbm>> -> memref<80x128xi32, #tpu.memory_space<hbm>>
      %dma_start3A_52 = arith.constant 0 : i32
      %dma_start3A_53 = tpu.memref_slice %arg4[%mul3A_24, %dma_start3A_52] : memref<2560x128xi32, #tpu.memory_space<hbm>> -> memref<80x128xi32, #tpu.memory_space<hbm>>
      tpu.enqueue_dma source(%dma_start3A_53 : memref<80x128xi32, #tpu.memory_space<hbm>>) target(%arg8 : memref<80x128xi32, #tpu.memory_space<vmem>>) target_semaphore(%run_scoped3A : memref<!tpu.dma_semaphore, #tpu.memory_space<semaphore_mem>>)
      %dma_wait3A = arith.constant 0 : i32
      %dma_wait3A_54 = tpu.memref_slice %arg4[%mul3A_24, %dma_wait3A] : memref<2560x128xi32, #tpu.memory_space<hbm>> -> memref<80x128xi32, #tpu.memory_space<hbm>>
      %dma_wait3A_55 = arith.constant 0 : i32
      %dma_wait3A_56 = tpu.memref_slice %arg4[%mul3A_24, %dma_wait3A_55] : memref<2560x128xi32, #tpu.memory_space<hbm>> -> memref<80x128xi32, #tpu.memory_space<hbm>>
      tpu.wait_dma2 semaphore(%run_scoped3A : memref<!tpu.dma_semaphore, #tpu.memory_space<semaphore_mem>>) src(%dma_wait3A_56 : memref<80x128xi32, #tpu.memory_space<hbm>>) dst(%arg8 : memref<80x128xi32, #tpu.memory_space<vmem>>)
      tpu.yield
    }) : () -> ()
    %barrier3A = arith.constant 0 : index
    tpu.barrier barrier_id(%barrier3A)
    %scan3A = arith.constant 0 : i32
    %scan3A_25 = arith.constant 0 : i32
    %scan3A_26 = arith.constant 80 : i32
    %scan3A_27 = arith.addi %scan3A_25, %scan3A_26 : i32
    %scan3A_28 = arith.constant 1 : i32
    scf.for %scan3A_51 = %scan3A_25 to %scan3A_27 step %scan3A_28  : i32 {
      %dma_start3A = arith.constant 0 : i32
      %dma_start3A_52 = tpu.memref_slice %arg7[%scan3A_51, %dma_start3A] : memref<80x128xi32, #tpu.memory_space<vmem>> -> memref<1x128xi32, #tpu.memory_space<vmem>>
      %dma_start3A_53 = tpu.memref_squeeze %dma_start3A_52 : memref<1x128xi32, #tpu.memory_space<vmem>> -> memref<128xi32, #tpu.memory_space<vmem>>
      %dma_start3A_54 = arith.constant 0 : i32
      %dma_start3A_55 = arith.constant 0 : i32
      %dma_start3A_56 = tpu.memref_slice %arg2[%dma_start3A_54, %dma_start3A_55] : memref<10000x64xf32, #tpu.memory_space<hbm>> -> memref<10000x64xf32, #tpu.memory_space<hbm>>
      tpu.enqueue_indirect_dma source(%dma_start3A_56 : memref<10000x64xf32, #tpu.memory_space<hbm>>) target(%arg9 : memref<128x64xf32, #tpu.memory_space<vmem>>) offsets(%dma_start3A_53 : memref<128xi32, #tpu.memory_space<vmem>>) semaphore(%arg12 : memref<!tpu.dma_semaphore, #tpu.memory_space<semaphore_mem>>)
      %dma_wait3A = arith.constant 0 : i32
      %dma_wait3A_57 = tpu.memref_slice %arg7[%scan3A_51, %dma_wait3A] : memref<80x128xi32, #tpu.memory_space<vmem>> -> memref<1x128xi32, #tpu.memory_space<vmem>>
      %dma_wait3A_58 = tpu.memref_squeeze %dma_wait3A_57 : memref<1x128xi32, #tpu.memory_space<vmem>> -> memref<128xi32, #tpu.memory_space<vmem>>
      %dma_wait3A_59 = arith.constant 0 : i32
      %dma_wait3A_60 = arith.constant 0 : i32
      %dma_wait3A_61 = tpu.memref_slice %arg2[%dma_wait3A_59, %dma_wait3A_60] : memref<10000x64xf32, #tpu.memory_space<hbm>> -> memref<10000x64xf32, #tpu.memory_space<hbm>>
      tpu.wait_indirect_dma semaphore(%arg12 : memref<!tpu.dma_semaphore, #tpu.memory_space<semaphore_mem>>) src(%dma_wait3A_61 : memref<10000x64xf32, #tpu.memory_space<hbm>>) dst(%arg9 : memref<128x64xf32, #tpu.memory_space<vmem>>)
      "tpu.region"() ({
        %run_scoped3A = tpu.sem_alloc : memref<!tpu.dma_semaphore, #tpu.memory_space<semaphore_mem>>
        %dma_start3A_62 = arith.constant 0 : i32
        %dma_start3A_63 = tpu.memref_slice %arg8[%scan3A_51, %dma_start3A_62] : memref<80x128xi32, #tpu.memory_space<vmem>> -> memref<1x128xi32, #tpu.memory_space<vmem>>
        %dma_start3A_64 = tpu.memref_squeeze %dma_start3A_63 : memref<1x128xi32, #tpu.memory_space<vmem>> -> memref<128xi32, #tpu.memory_space<vmem>>
        %dma_start3A_65 = arith.constant 0 : i32
        %dma_start3A_66 = arith.constant 0 : i32
        %dma_start3A_67 = tpu.memref_slice %arg11[%dma_start3A_65, %dma_start3A_66] : memref<10240x64xf32, #tpu.memory_space<vmem_shared>> -> memref<10240x64xf32, #tpu.memory_space<vmem_shared>>
        tpu.enqueue_indirect_dma source(%arg9 : memref<128x64xf32, #tpu.memory_space<vmem>>) target(%dma_start3A_67 : memref<10240x64xf32, #tpu.memory_space<vmem_shared>>) offsets(%dma_start3A_64 : memref<128xi32, #tpu.memory_space<vmem>>) semaphore(%run_scoped3A : memref<!tpu.dma_semaphore, #tpu.memory_space<semaphore_mem>>) {add = true}
        %dma_wait3A_68 = arith.constant 0 : i32
        %dma_wait3A_69 = tpu.memref_slice %arg8[%scan3A_51, %dma_wait3A_68] : memref<80x128xi32, #tpu.memory_space<vmem>> -> memref<1x128xi32, #tpu.memory_space<vmem>>
        %dma_wait3A_70 = tpu.memref_squeeze %dma_wait3A_69 : memref<1x128xi32, #tpu.memory_space<vmem>> -> memref<128xi32, #tpu.memory_space<vmem>>
        %dma_wait3A_71 = arith.constant 0 : i32
        %dma_wait3A_72 = arith.constant 0 : i32
        %dma_wait3A_73 = tpu.memref_slice %arg11[%dma_wait3A_71, %dma_wait3A_72] : memref<10240x64xf32, #tpu.memory_space<vmem_shared>> -> memref<10240x64xf32, #tpu.memory_space<vmem_shared>>
        tpu.wait_indirect_dma semaphore(%run_scoped3A : memref<!tpu.dma_semaphore, #tpu.memory_space<semaphore_mem>>) src(%arg9 : memref<128x64xf32, #tpu.memory_space<vmem>>) dst(%dma_wait3A_73 : memref<10240x64xf32, #tpu.memory_space<vmem_shared>>)
        tpu.yield
      }) : () -> ()
    }
    %scan3A_29 = arith.constant 80 : i32
    %barrier3A_30 = arith.constant 0 : index
    tpu.barrier barrier_id(%barrier3A_30)
    %mul3A_31 = arith.constant 640 : i32
    %mul3A_32 = arith.muli %arg1, %mul3A_31 : i32
    %add3A_33 = arith.constant 0 : i32
    %add3A_34 = arith.addi %mul3A_32, %add3A_33 : i32
    "tpu.region"() ({
      %run_scoped3A = tpu.sem_alloc : memref<!tpu.dma_semaphore, #tpu.memory_space<semaphore_mem>>
      %dma_start3A = arith.constant 0 : i32
      %dma_start3A_51 = tpu.memref_slice %arg11[%add3A_34, %dma_start3A] : memref<10240x64xf32, #tpu.memory_space<vmem_shared>> -> memref<128x64xf32, #tpu.memory_space<vmem_shared>>
      %dma_start3A_52 = arith.constant 0 : i32
      %dma_start3A_53 = tpu.memref_slice %arg11[%add3A_34, %dma_start3A_52] : memref<10240x64xf32, #tpu.memory_space<vmem_shared>> -> memref<128x64xf32, #tpu.memory_space<vmem_shared>>
      tpu.enqueue_dma source(%dma_start3A_53 : memref<128x64xf32, #tpu.memory_space<vmem_shared>>) target(%arg10 : memref<128x64xf32, #tpu.memory_space<vmem>>) target_semaphore(%run_scoped3A : memref<!tpu.dma_semaphore, #tpu.memory_space<semaphore_mem>>)
      %dma_wait3A = arith.constant 0 : i32
      %dma_wait3A_54 = tpu.memref_slice %arg11[%add3A_34, %dma_wait3A] : memref<10240x64xf32, #tpu.memory_space<vmem_shared>> -> memref<128x64xf32, #tpu.memory_space<vmem_shared>>
      %dma_wait3A_55 = arith.constant 0 : i32
      %dma_wait3A_56 = tpu.memref_slice %arg11[%add3A_34, %dma_wait3A_55] : memref<10240x64xf32, #tpu.memory_space<vmem_shared>> -> memref<128x64xf32, #tpu.memory_space<vmem_shared>>
      tpu.wait_dma2 semaphore(%run_scoped3A : memref<!tpu.dma_semaphore, #tpu.memory_space<semaphore_mem>>) src(%dma_wait3A_56 : memref<128x64xf32, #tpu.memory_space<vmem_shared>>) dst(%arg10 : memref<128x64xf32, #tpu.memory_space<vmem>>)
      tpu.yield
    }) : () -> ()
    "tpu.region"() ({
      %run_scoped3A = tpu.sem_alloc : memref<!tpu.dma_semaphore, #tpu.memory_space<semaphore_mem>>
      %dma_start3A = arith.constant 0 : i32
      %dma_start3A_51 = tpu.memref_slice %arg6[%arg0, %add3A_34, %dma_start3A] : memref<2x10240x64xf32, #tpu.memory_space<hbm>> -> memref<1x128x64xf32, #tpu.memory_space<hbm>>
      %dma_start3A_52 = tpu.memref_squeeze %dma_start3A_51 : memref<1x128x64xf32, #tpu.memory_space<hbm>> -> memref<128x64xf32, #tpu.memory_space<hbm>>
      %dma_start3A_53 = arith.constant 0 : i32
      %dma_start3A_54 = tpu.memref_slice %arg6[%arg0, %add3A_34, %dma_start3A_53] : memref<2x10240x64xf32, #tpu.memory_space<hbm>> -> memref<1x128x64xf32, #tpu.memory_space<hbm>>
      %dma_start3A_55 = tpu.memref_squeeze %dma_start3A_54 : memref<1x128x64xf32, #tpu.memory_space<hbm>> -> memref<128x64xf32, #tpu.memory_space<hbm>>
      tpu.enqueue_dma source(%arg10 : memref<128x64xf32, #tpu.memory_space<vmem>>) target(%dma_start3A_55 : memref<128x64xf32, #tpu.memory_space<hbm>>) target_semaphore(%run_scoped3A : memref<!tpu.dma_semaphore, #tpu.memory_space<semaphore_mem>>)
      %dma_wait3A = arith.constant 0 : i32
      %dma_wait3A_56 = tpu.memref_slice %arg6[%arg0, %add3A_34, %dma_wait3A] : memref<2x10240x64xf32, #tpu.memory_space<hbm>> -> memref<1x128x64xf32, #tpu.memory_space<hbm>>
      %dma_wait3A_57 = tpu.memref_squeeze %dma_wait3A_56 : memref<1x128x64xf32, #tpu.memory_space<hbm>> -> memref<128x64xf32, #tpu.memory_space<hbm>>
      %dma_wait3A_58 = arith.constant 0 : i32
      %dma_wait3A_59 = tpu.memref_slice %arg6[%arg0, %add3A_34, %dma_wait3A_58] : memref<2x10240x64xf32, #tpu.memory_space<hbm>> -> memref<1x128x64xf32, #tpu.memory_space<hbm>>
      %dma_wait3A_60 = tpu.memref_squeeze %dma_wait3A_59 : memref<1x128x64xf32, #tpu.memory_space<hbm>> -> memref<128x64xf32, #tpu.memory_space<hbm>>
      tpu.wait_dma2 semaphore(%run_scoped3A : memref<!tpu.dma_semaphore, #tpu.memory_space<semaphore_mem>>) src(%arg10 : memref<128x64xf32, #tpu.memory_space<vmem>>) dst(%dma_wait3A_60 : memref<128x64xf32, #tpu.memory_space<hbm>>)
      tpu.yield
    }) : () -> ()
    %mul3A_35 = arith.constant 640 : i32
    %mul3A_36 = arith.muli %arg1, %mul3A_35 : i32
    %add3A_37 = arith.constant 128 : i32
    %add3A_38 = arith.addi %mul3A_36, %add3A_37 : i32
    "tpu.region"() ({
      %run_scoped3A = tpu.sem_alloc : memref<!tpu.dma_semaphore, #tpu.memory_space<semaphore_mem>>
      %dma_start3A = arith.constant 0 : i32
      %dma_start3A_51 = tpu.memref_slice %arg11[%add3A_38, %dma_start3A] : memref<10240x64xf32, #tpu.memory_space<vmem_shared>> -> memref<128x64xf32, #tpu.memory_space<vmem_shared>>
      %dma_start3A_52 = arith.constant 0 : i32
      %dma_start3A_53 = tpu.memref_slice %arg11[%add3A_38, %dma_start3A_52] : memref<10240x64xf32, #tpu.memory_space<vmem_shared>> -> memref<128x64xf32, #tpu.memory_space<vmem_shared>>
      tpu.enqueue_dma source(%dma_start3A_53 : memref<128x64xf32, #tpu.memory_space<vmem_shared>>) target(%arg10 : memref<128x64xf32, #tpu.memory_space<vmem>>) target_semaphore(%run_scoped3A : memref<!tpu.dma_semaphore, #tpu.memory_space<semaphore_mem>>)
      %dma_wait3A = arith.constant 0 : i32
      %dma_wait3A_54 = tpu.memref_slice %arg11[%add3A_38, %dma_wait3A] : memref<10240x64xf32, #tpu.memory_space<vmem_shared>> -> memref<128x64xf32, #tpu.memory_space<vmem_shared>>
      %dma_wait3A_55 = arith.constant 0 : i32
      %dma_wait3A_56 = tpu.memref_slice %arg11[%add3A_38, %dma_wait3A_55] : memref<10240x64xf32, #tpu.memory_space<vmem_shared>> -> memref<128x64xf32, #tpu.memory_space<vmem_shared>>
      tpu.wait_dma2 semaphore(%run_scoped3A : memref<!tpu.dma_semaphore, #tpu.memory_space<semaphore_mem>>) src(%dma_wait3A_56 : memref<128x64xf32, #tpu.memory_space<vmem_shared>>) dst(%arg10 : memref<128x64xf32, #tpu.memory_space<vmem>>)
      tpu.yield
    }) : () -> ()
    "tpu.region"() ({
      %run_scoped3A = tpu.sem_alloc : memref<!tpu.dma_semaphore, #tpu.memory_space<semaphore_mem>>
      %dma_start3A = arith.constant 0 : i32
      %dma_start3A_51 = tpu.memref_slice %arg6[%arg0, %add3A_38, %dma_start3A] : memref<2x10240x64xf32, #tpu.memory_space<hbm>> -> memref<1x128x64xf32, #tpu.memory_space<hbm>>
      %dma_start3A_52 = tpu.memref_squeeze %dma_start3A_51 : memref<1x128x64xf32, #tpu.memory_space<hbm>> -> memref<128x64xf32, #tpu.memory_space<hbm>>
      %dma_start3A_53 = arith.constant 0 : i32
      %dma_start3A_54 = tpu.memref_slice %arg6[%arg0, %add3A_38, %dma_start3A_53] : memref<2x10240x64xf32, #tpu.memory_space<hbm>> -> memref<1x128x64xf32, #tpu.memory_space<hbm>>
      %dma_start3A_55 = tpu.memref_squeeze %dma_start3A_54 : memref<1x128x64xf32, #tpu.memory_space<hbm>> -> memref<128x64xf32, #tpu.memory_space<hbm>>
      tpu.enqueue_dma source(%arg10 : memref<128x64xf32, #tpu.memory_space<vmem>>) target(%dma_start3A_55 : memref<128x64xf32, #tpu.memory_space<hbm>>) target_semaphore(%run_scoped3A : memref<!tpu.dma_semaphore, #tpu.memory_space<semaphore_mem>>)
      %dma_wait3A = arith.constant 0 : i32
      %dma_wait3A_56 = tpu.memref_slice %arg6[%arg0, %add3A_38, %dma_wait3A] : memref<2x10240x64xf32, #tpu.memory_space<hbm>> -> memref<1x128x64xf32, #tpu.memory_space<hbm>>
      %dma_wait3A_57 = tpu.memref_squeeze %dma_wait3A_56 : memref<1x128x64xf32, #tpu.memory_space<hbm>> -> memref<128x64xf32, #tpu.memory_space<hbm>>
      %dma_wait3A_58 = arith.constant 0 : i32
      %dma_wait3A_59 = tpu.memref_slice %arg6[%arg0, %add3A_38, %dma_wait3A_58] : memref<2x10240x64xf32, #tpu.memory_space<hbm>> -> memref<1x128x64xf32, #tpu.memory_space<hbm>>
      %dma_wait3A_60 = tpu.memref_squeeze %dma_wait3A_59 : memref<1x128x64xf32, #tpu.memory_space<hbm>> -> memref<128x64xf32, #tpu.memory_space<hbm>>
      tpu.wait_dma2 semaphore(%run_scoped3A : memref<!tpu.dma_semaphore, #tpu.memory_space<semaphore_mem>>) src(%arg10 : memref<128x64xf32, #tpu.memory_space<vmem>>) dst(%dma_wait3A_60 : memref<128x64xf32, #tpu.memory_space<hbm>>)
      tpu.yield
    }) : () -> ()
    %mul3A_39 = arith.constant 640 : i32
    %mul3A_40 = arith.muli %arg1, %mul3A_39 : i32
    %add3A_41 = arith.constant 256 : i32
    %add3A_42 = arith.addi %mul3A_40, %add3A_41 : i32
    "tpu.region"() ({
      %run_scoped3A = tpu.sem_alloc : memref<!tpu.dma_semaphore, #tpu.memory_space<semaphore_mem>>
      %dma_start3A = arith.constant 0 : i32
      %dma_start3A_51 = tpu.memref_slice %arg11[%add3A_42, %dma_start3A] : memref<10240x64xf32, #tpu.memory_space<vmem_shared>> -> memref<128x64xf32, #tpu.memory_space<vmem_shared>>
      %dma_start3A_52 = arith.constant 0 : i32
      %dma_start3A_53 = tpu.memref_slice %arg11[%add3A_42, %dma_start3A_52] : memref<10240x64xf32, #tpu.memory_space<vmem_shared>> -> memref<128x64xf32, #tpu.memory_space<vmem_shared>>
      tpu.enqueue_dma source(%dma_start3A_53 : memref<128x64xf32, #tpu.memory_space<vmem_shared>>) target(%arg10 : memref<128x64xf32, #tpu.memory_space<vmem>>) target_semaphore(%run_scoped3A : memref<!tpu.dma_semaphore, #tpu.memory_space<semaphore_mem>>)
      %dma_wait3A = arith.constant 0 : i32
      %dma_wait3A_54 = tpu.memref_slice %arg11[%add3A_42, %dma_wait3A] : memref<10240x64xf32, #tpu.memory_space<vmem_shared>> -> memref<128x64xf32, #tpu.memory_space<vmem_shared>>
      %dma_wait3A_55 = arith.constant 0 : i32
      %dma_wait3A_56 = tpu.memref_slice %arg11[%add3A_42, %dma_wait3A_55] : memref<10240x64xf32, #tpu.memory_space<vmem_shared>> -> memref<128x64xf32, #tpu.memory_space<vmem_shared>>
      tpu.wait_dma2 semaphore(%run_scoped3A : memref<!tpu.dma_semaphore, #tpu.memory_space<semaphore_mem>>) src(%dma_wait3A_56 : memref<128x64xf32, #tpu.memory_space<vmem_shared>>) dst(%arg10 : memref<128x64xf32, #tpu.memory_space<vmem>>)
      tpu.yield
    }) : () -> ()
    "tpu.region"() ({
      %run_scoped3A = tpu.sem_alloc : memref<!tpu.dma_semaphore, #tpu.memory_space<semaphore_mem>>
      %dma_start3A = arith.constant 0 : i32
      %dma_start3A_51 = tpu.memref_slice %arg6[%arg0, %add3A_42, %dma_start3A] : memref<2x10240x64xf32, #tpu.memory_space<hbm>> -> memref<1x128x64xf32, #tpu.memory_space<hbm>>
      %dma_start3A_52 = tpu.memref_squeeze %dma_start3A_51 : memref<1x128x64xf32, #tpu.memory_space<hbm>> -> memref<128x64xf32, #tpu.memory_space<hbm>>
      %dma_start3A_53 = arith.constant 0 : i32
      %dma_start3A_54 = tpu.memref_slice %arg6[%arg0, %add3A_42, %dma_start3A_53] : memref<2x10240x64xf32, #tpu.memory_space<hbm>> -> memref<1x128x64xf32, #tpu.memory_space<hbm>>
      %dma_start3A_55 = tpu.memref_squeeze %dma_start3A_54 : memref<1x128x64xf32, #tpu.memory_space<hbm>> -> memref<128x64xf32, #tpu.memory_space<hbm>>
      tpu.enqueue_dma source(%arg10 : memref<128x64xf32, #tpu.memory_space<vmem>>) target(%dma_start3A_55 : memref<128x64xf32, #tpu.memory_space<hbm>>) target_semaphore(%run_scoped3A : memref<!tpu.dma_semaphore, #tpu.memory_space<semaphore_mem>>)
      %dma_wait3A = arith.constant 0 : i32
      %dma_wait3A_56 = tpu.memref_slice %arg6[%arg0, %add3A_42, %dma_wait3A] : memref<2x10240x64xf32, #tpu.memory_space<hbm>> -> memref<1x128x64xf32, #tpu.memory_space<hbm>>
      %dma_wait3A_57 = tpu.memref_squeeze %dma_wait3A_56 : memref<1x128x64xf32, #tpu.memory_space<hbm>> -> memref<128x64xf32, #tpu.memory_space<hbm>>
      %dma_wait3A_58 = arith.constant 0 : i32
      %dma_wait3A_59 = tpu.memref_slice %arg6[%arg0, %add3A_42, %dma_wait3A_58] : memref<2x10240x64xf32, #tpu.memory_space<hbm>> -> memref<1x128x64xf32, #tpu.memory_space<hbm>>
      %dma_wait3A_60 = tpu.memref_squeeze %dma_wait3A_59 : memref<1x128x64xf32, #tpu.memory_space<hbm>> -> memref<128x64xf32, #tpu.memory_space<hbm>>
      tpu.wait_dma2 semaphore(%run_scoped3A : memref<!tpu.dma_semaphore, #tpu.memory_space<semaphore_mem>>) src(%arg10 : memref<128x64xf32, #tpu.memory_space<vmem>>) dst(%dma_wait3A_60 : memref<128x64xf32, #tpu.memory_space<hbm>>)
      tpu.yield
    }) : () -> ()
    %mul3A_43 = arith.constant 640 : i32
    %mul3A_44 = arith.muli %arg1, %mul3A_43 : i32
    %add3A_45 = arith.constant 384 : i32
    %add3A_46 = arith.addi %mul3A_44, %add3A_45 : i32
    "tpu.region"() ({
      %run_scoped3A = tpu.sem_alloc : memref<!tpu.dma_semaphore, #tpu.memory_space<semaphore_mem>>
      %dma_start3A = arith.constant 0 : i32
      %dma_start3A_51 = tpu.memref_slice %arg11[%add3A_46, %dma_start3A] : memref<10240x64xf32, #tpu.memory_space<vmem_shared>> -> memref<128x64xf32, #tpu.memory_space<vmem_shared>>
      %dma_start3A_52 = arith.constant 0 : i32
      %dma_start3A_53 = tpu.memref_slice %arg11[%add3A_46, %dma_start3A_52] : memref<10240x64xf32, #tpu.memory_space<vmem_shared>> -> memref<128x64xf32, #tpu.memory_space<vmem_shared>>
      tpu.enqueue_dma source(%dma_start3A_53 : memref<128x64xf32, #tpu.memory_space<vmem_shared>>) target(%arg10 : memref<128x64xf32, #tpu.memory_space<vmem>>) target_semaphore(%run_scoped3A : memref<!tpu.dma_semaphore, #tpu.memory_space<semaphore_mem>>)
      %dma_wait3A = arith.constant 0 : i32
      %dma_wait3A_54 = tpu.memref_slice %arg11[%add3A_46, %dma_wait3A] : memref<10240x64xf32, #tpu.memory_space<vmem_shared>> -> memref<128x64xf32, #tpu.memory_space<vmem_shared>>
      %dma_wait3A_55 = arith.constant 0 : i32
      %dma_wait3A_56 = tpu.memref_slice %arg11[%add3A_46, %dma_wait3A_55] : memref<10240x64xf32, #tpu.memory_space<vmem_shared>> -> memref<128x64xf32, #tpu.memory_space<vmem_shared>>
      tpu.wait_dma2 semaphore(%run_scoped3A : memref<!tpu.dma_semaphore, #tpu.memory_space<semaphore_mem>>) src(%dma_wait3A_56 : memref<128x64xf32, #tpu.memory_space<vmem_shared>>) dst(%arg10 : memref<128x64xf32, #tpu.memory_space<vmem>>)
      tpu.yield
    }) : () -> ()
    "tpu.region"() ({
      %run_scoped3A = tpu.sem_alloc : memref<!tpu.dma_semaphore, #tpu.memory_space<semaphore_mem>>
      %dma_start3A = arith.constant 0 : i32
      %dma_start3A_51 = tpu.memref_slice %arg6[%arg0, %add3A_46, %dma_start3A] : memref<2x10240x64xf32, #tpu.memory_space<hbm>> -> memref<1x128x64xf32, #tpu.memory_space<hbm>>
      %dma_start3A_52 = tpu.memref_squeeze %dma_start3A_51 : memref<1x128x64xf32, #tpu.memory_space<hbm>> -> memref<128x64xf32, #tpu.memory_space<hbm>>
      %dma_start3A_53 = arith.constant 0 : i32
      %dma_start3A_54 = tpu.memref_slice %arg6[%arg0, %add3A_46, %dma_start3A_53] : memref<2x10240x64xf32, #tpu.memory_space<hbm>> -> memref<1x128x64xf32, #tpu.memory_space<hbm>>
      %dma_start3A_55 = tpu.memref_squeeze %dma_start3A_54 : memref<1x128x64xf32, #tpu.memory_space<hbm>> -> memref<128x64xf32, #tpu.memory_space<hbm>>
      tpu.enqueue_dma source(%arg10 : memref<128x64xf32, #tpu.memory_space<vmem>>) target(%dma_start3A_55 : memref<128x64xf32, #tpu.memory_space<hbm>>) target_semaphore(%run_scoped3A : memref<!tpu.dma_semaphore, #tpu.memory_space<semaphore_mem>>)
      %dma_wait3A = arith.constant 0 : i32
      %dma_wait3A_56 = tpu.memref_slice %arg6[%arg0, %add3A_46, %dma_wait3A] : memref<2x10240x64xf32, #tpu.memory_space<hbm>> -> memref<1x128x64xf32, #tpu.memory_space<hbm>>
      %dma_wait3A_57 = tpu.memref_squeeze %dma_wait3A_56 : memref<1x128x64xf32, #tpu.memory_space<hbm>> -> memref<128x64xf32, #tpu.memory_space<hbm>>
      %dma_wait3A_58 = arith.constant 0 : i32
      %dma_wait3A_59 = tpu.memref_slice %arg6[%arg0, %add3A_46, %dma_wait3A_58] : memref<2x10240x64xf32, #tpu.memory_space<hbm>> -> memref<1x128x64xf32, #tpu.memory_space<hbm>>
      %dma_wait3A_60 = tpu.memref_squeeze %dma_wait3A_59 : memref<1x128x64xf32, #tpu.memory_space<hbm>> -> memref<128x64xf32, #tpu.memory_space<hbm>>
      tpu.wait_dma2 semaphore(%run_scoped3A : memref<!tpu.dma_semaphore, #tpu.memory_space<semaphore_mem>>) src(%arg10 : memref<128x64xf32, #tpu.memory_space<vmem>>) dst(%dma_wait3A_60 : memref<128x64xf32, #tpu.memory_space<hbm>>)
      tpu.yield
    }) : () -> ()
    %mul3A_47 = arith.constant 640 : i32
    %mul3A_48 = arith.muli %arg1, %mul3A_47 : i32
    %add3A_49 = arith.constant 512 : i32
    %add3A_50 = arith.addi %mul3A_48, %add3A_49 : i32
    "tpu.region"() ({
      %run_scoped3A = tpu.sem_alloc : memref<!tpu.dma_semaphore, #tpu.memory_space<semaphore_mem>>
      %dma_start3A = arith.constant 0 : i32
      %dma_start3A_51 = tpu.memref_slice %arg11[%add3A_50, %dma_start3A] : memref<10240x64xf32, #tpu.memory_space<vmem_shared>> -> memref<128x64xf32, #tpu.memory_space<vmem_shared>>
      %dma_start3A_52 = arith.constant 0 : i32
      %dma_start3A_53 = tpu.memref_slice %arg11[%add3A_50, %dma_start3A_52] : memref<10240x64xf32, #tpu.memory_space<vmem_shared>> -> memref<128x64xf32, #tpu.memory_space<vmem_shared>>
      tpu.enqueue_dma source(%dma_start3A_53 : memref<128x64xf32, #tpu.memory_space<vmem_shared>>) target(%arg10 : memref<128x64xf32, #tpu.memory_space<vmem>>) target_semaphore(%run_scoped3A : memref<!tpu.dma_semaphore, #tpu.memory_space<semaphore_mem>>)
      %dma_wait3A = arith.constant 0 : i32
      %dma_wait3A_54 = tpu.memref_slice %arg11[%add3A_50, %dma_wait3A] : memref<10240x64xf32, #tpu.memory_space<vmem_shared>> -> memref<128x64xf32, #tpu.memory_space<vmem_shared>>
      %dma_wait3A_55 = arith.constant 0 : i32
      %dma_wait3A_56 = tpu.memref_slice %arg11[%add3A_50, %dma_wait3A_55] : memref<10240x64xf32, #tpu.memory_space<vmem_shared>> -> memref<128x64xf32, #tpu.memory_space<vmem_shared>>
      tpu.wait_dma2 semaphore(%run_scoped3A : memref<!tpu.dma_semaphore, #tpu.memory_space<semaphore_mem>>) src(%dma_wait3A_56 : memref<128x64xf32, #tpu.memory_space<vmem_shared>>) dst(%arg10 : memref<128x64xf32, #tpu.memory_space<vmem>>)
      tpu.yield
    }) : () -> ()
    "tpu.region"() ({
      %run_scoped3A = tpu.sem_alloc : memref<!tpu.dma_semaphore, #tpu.memory_space<semaphore_mem>>
      %dma_start3A = arith.constant 0 : i32
      %dma_start3A_51 = tpu.memref_slice %arg6[%arg0, %add3A_50, %dma_start3A] : memref<2x10240x64xf32, #tpu.memory_space<hbm>> -> memref<1x128x64xf32, #tpu.memory_space<hbm>>
      %dma_start3A_52 = tpu.memref_squeeze %dma_start3A_51 : memref<1x128x64xf32, #tpu.memory_space<hbm>> -> memref<128x64xf32, #tpu.memory_space<hbm>>
      %dma_start3A_53 = arith.constant 0 : i32
      %dma_start3A_54 = tpu.memref_slice %arg6[%arg0, %add3A_50, %dma_start3A_53] : memref<2x10240x64xf32, #tpu.memory_space<hbm>> -> memref<1x128x64xf32, #tpu.memory_space<hbm>>
      %dma_start3A_55 = tpu.memref_squeeze %dma_start3A_54 : memref<1x128x64xf32, #tpu.memory_space<hbm>> -> memref<128x64xf32, #tpu.memory_space<hbm>>
      tpu.enqueue_dma source(%arg10 : memref<128x64xf32, #tpu.memory_space<vmem>>) target(%dma_start3A_55 : memref<128x64xf32, #tpu.memory_space<hbm>>) target_semaphore(%run_scoped3A : memref<!tpu.dma_semaphore, #tpu.memory_space<semaphore_mem>>)
      %dma_wait3A = arith.constant 0 : i32
      %dma_wait3A_56 = tpu.memref_slice %arg6[%arg0, %add3A_50, %dma_wait3A] : memref<2x10240x64xf32, #tpu.memory_space<hbm>> -> memref<1x128x64xf32, #tpu.memory_space<hbm>>
      %dma_wait3A_57 = tpu.memref_squeeze %dma_wait3A_56 : memref<1x128x64xf32, #tpu.memory_space<hbm>> -> memref<128x64xf32, #tpu.memory_space<hbm>>
      %dma_wait3A_58 = arith.constant 0 : i32
      %dma_wait3A_59 = tpu.memref_slice %arg6[%arg0, %add3A_50, %dma_wait3A_58] : memref<2x10240x64xf32, #tpu.memory_space<hbm>> -> memref<1x128x64xf32, #tpu.memory_space<hbm>>
      %dma_wait3A_60 = tpu.memref_squeeze %dma_wait3A_59 : memref<1x128x64xf32, #tpu.memory_space<hbm>> -> memref<128x64xf32, #tpu.memory_space<hbm>>
      tpu.wait_dma2 semaphore(%run_scoped3A : memref<!tpu.dma_semaphore, #tpu.memory_space<semaphore_mem>>) src(%arg10 : memref<128x64xf32, #tpu.memory_space<vmem>>) dst(%dma_wait3A_60 : memref<128x64xf32, #tpu.memory_space<hbm>>)
      tpu.yield
    }) : () -> ()
    return
  }
}

module attributes {stable_mosaic.version = 14 : i64} {
  func.func @body(%arg0: i32, %arg1: memref<2x1000x64xf32, #tpu.memory_space<vmem>>, %arg2: memref<2x1000x64xf32, #tpu.memory_space<vmem>>, %arg3: memref<64x128xf32, #tpu.memory_space<vmem>>, %arg4: memref<64x128xf32, #tpu.memory_space<vmem>>, %arg5: memref<1x128xf32, #tpu.memory_space<vmem>>, %arg6: memref<1000x64xf32, #tpu.memory_space<vmem>>, %arg7: memref<1000x64xf32, #tpu.memory_space<vmem>>) attributes {dimension_semantics = [#tpu.dimension_semantics<arbitrary>], iteration_bounds = array<i64: 10>, scalar_prefetch = 0 : i64, scratch_operands = 0 : i64, tpu.core_type = #tpu.core_type<tc>, window_params = [{transform_indices = @transform_0, window_bounds = array<i64: 2, 1000, 64>}, {transform_indices = @transform_1, window_bounds = array<i64: 2, 1000, 64>}, {pipeline_mode = #tpu.pipeline_mode<synchronous>, transform_indices = @transform_2, window_bounds = array<i64: 64, 128>}, {pipeline_mode = #tpu.pipeline_mode<synchronous>, transform_indices = @transform_3, window_bounds = array<i64: 64, 128>}, {pipeline_mode = #tpu.pipeline_mode<synchronous>, transform_indices = @transform_4, window_bounds = array<i64: 1, 128>}, {transform_indices = @transform_5, window_bounds = array<i64: 1000, 64>}, {transform_indices = @transform_6, window_bounds = array<i64: 1000, 64>}]} {
    %get3A = arith.constant 0 : index
    %get3A_0 = arith.constant 0 : index
    %get3A_1 = arith.constant 0 : index
    %get3A_2 = vector.load %arg1[%get3A, %get3A_0, %get3A_1] : memref<2x1000x64xf32, #tpu.memory_space<vmem>>, vector<1x1000x64xf32>
    %get3A_3 = vector.shape_cast %get3A_2 : vector<1x1000x64xf32> to vector<1000x64xf32>
    %get3A_4 = arith.constant 1 : index
    %get3A_5 = arith.constant 0 : index
    %get3A_6 = arith.constant 0 : index
    %get3A_7 = vector.load %arg1[%get3A_4, %get3A_5, %get3A_6] : memref<2x1000x64xf32, #tpu.memory_space<vmem>>, vector<1x1000x64xf32>
    %get3A_8 = vector.shape_cast %get3A_7 : vector<1x1000x64xf32> to vector<1000x64xf32>
    %add3A = arith.addf %get3A_3, %get3A_8 : vector<1000x64xf32>
    %get3A_9 = arith.constant 0 : index
    %get3A_10 = arith.constant 0 : index
    %get3A_11 = arith.constant 0 : index
    %get3A_12 = vector.load %arg2[%get3A_9, %get3A_10, %get3A_11] : memref<2x1000x64xf32, #tpu.memory_space<vmem>>, vector<1x1000x64xf32>
    %get3A_13 = vector.shape_cast %get3A_12 : vector<1x1000x64xf32> to vector<1000x64xf32>
    %get3A_14 = arith.constant 1 : index
    %get3A_15 = arith.constant 0 : index
    %get3A_16 = arith.constant 0 : index
    %get3A_17 = vector.load %arg2[%get3A_14, %get3A_15, %get3A_16] : memref<2x1000x64xf32, #tpu.memory_space<vmem>>, vector<1x1000x64xf32>
    %get3A_18 = vector.shape_cast %get3A_17 : vector<1x1000x64xf32> to vector<1000x64xf32>
    %add3A_19 = arith.addf %get3A_13, %get3A_18 : vector<1000x64xf32>
    %get3A_20 = arith.constant 0 : index
    %get3A_21 = arith.constant 0 : index
    %get3A_22 = vector.load %arg3[%get3A_20, %get3A_21] : memref<64x128xf32, #tpu.memory_space<vmem>>, vector<64x128xf32>
    %dot_general3A = arith.constant dense<0.000000e+00> : vector<1000x128xf32>
    %dot_general3A_23 = tpu.matmul %add3A, %get3A_22, %dot_general3A {dimension_numbers = #tpu.dot_dimension_numbers<[1], [0], [0], [1], [0, 0, 1, 1], [], []>, transpose_lhs_hint = false} : vector<1000x64xf32>, vector<64x128xf32>, vector<1000x128xf32> -> vector<1000x128xf32>
    %get3A_24 = arith.constant 0 : index
    %get3A_25 = arith.constant 0 : index
    %get3A_26 = vector.load %arg4[%get3A_24, %get3A_25] : memref<64x128xf32, #tpu.memory_space<vmem>>, vector<64x128xf32>
    %dot_general3A_27 = arith.constant dense<0.000000e+00> : vector<1000x128xf32>
    %dot_general3A_28 = tpu.matmul %add3A_19, %get3A_26, %dot_general3A_27 {dimension_numbers = #tpu.dot_dimension_numbers<[1], [0], [0], [1], [0, 0, 1, 1], [], []>, transpose_lhs_hint = false} : vector<1000x64xf32>, vector<64x128xf32>, vector<1000x128xf32> -> vector<1000x128xf32>
    %add3A_29 = arith.addf %dot_general3A_23, %dot_general3A_28 : vector<1000x128xf32>
    %get3A_30 = arith.constant 0 : index
    %get3A_31 = arith.constant 0 : index
    %get3A_32 = vector.load %arg5[%get3A_30, %get3A_31] : memref<1x128xf32, #tpu.memory_space<vmem>>, vector<1x128xf32>
    %add3A_33 = vector.broadcast %get3A_32 : vector<1x128xf32> to vector<1000x128xf32>
    %add3A_34 = arith.addf %add3A_29, %add3A_33 : vector<1000x128xf32>
    %max3A = arith.constant 0.000000e+00 : f32
    %max3A_35 = vector.broadcast %max3A : f32 to vector<1000x128xf32>
    %max3A_36 = arith.maximumf %add3A_34, %max3A_35 : vector<1000x128xf32>
    %slice3A = vector.extract_strided_slice %max3A_36 {offsets = [0, 0], sizes = [1000, 64], strides = [1, 1]} : vector<1000x128xf32> to vector<1000x64xf32>
    %swap3A = arith.constant 0 : index
    %swap3A_37 = arith.constant 0 : index
    %swap3A_38 = vector.load %arg6[%swap3A, %swap3A_37] : memref<1000x64xf32, #tpu.memory_space<vmem>>, vector<1000x64xf32>
    tpu.vector_store %arg6[%swap3A, %swap3A_37], %slice3A {strides = array<i32>} : memref<1000x64xf32, #tpu.memory_space<vmem>>, vector<1000x64xf32>,
    %slice3A_39 = vector.extract_strided_slice %max3A_36 {offsets = [0, 64], sizes = [1000, 64], strides = [1, 1]} : vector<1000x128xf32> to vector<1000x64xf32>
    %swap3A_40 = arith.constant 0 : index
    %swap3A_41 = arith.constant 0 : index
    %swap3A_42 = vector.load %arg7[%swap3A_40, %swap3A_41] : memref<1000x64xf32, #tpu.memory_space<vmem>>, vector<1000x64xf32>
    tpu.vector_store %arg7[%swap3A_40, %swap3A_41], %slice3A_39 {strides = array<i32>} : memref<1000x64xf32, #tpu.memory_space<vmem>>, vector<1000x64xf32>,
    return
  }
  func.func @transform_0(%arg0: i32) -> (i32, i32, i32) {
    %c0_i32 = arith.constant 0 : i32
    %c0_i32_0 = arith.constant 0 : i32
    %c0_i32_1 = arith.constant 0 : i32
    return %c0_i32, %arg0, %c0_i32_0 : i32, i32, i32
  }
  func.func @transform_1(%arg0: i32) -> (i32, i32, i32) {
    %c0_i32 = arith.constant 0 : i32
    %c0_i32_0 = arith.constant 0 : i32
    %c0_i32_1 = arith.constant 0 : i32
    return %c0_i32, %arg0, %c0_i32_0 : i32, i32, i32
  }
  func.func @transform_2(%arg0: i32) -> (i32, i32) {
    %c0_i32 = arith.constant 0 : i32
    %c0_i32_0 = arith.constant 0 : i32
    %c0_i32_1 = arith.constant 0 : i32
    return %c0_i32, %c0_i32_0 : i32, i32
  }
  func.func @transform_3(%arg0: i32) -> (i32, i32) {
    %c0_i32 = arith.constant 0 : i32
    %c0_i32_0 = arith.constant 0 : i32
    %c0_i32_1 = arith.constant 0 : i32
    return %c0_i32, %c0_i32_0 : i32, i32
  }
  func.func @transform_4(%arg0: i32) -> (i32, i32) {
    %c0_i32 = arith.constant 0 : i32
    %c0_i32_0 = arith.constant 0 : i32
    %c0_i32_1 = arith.constant 0 : i32
    return %c0_i32, %c0_i32_0 : i32, i32
  }
  func.func @transform_5(%arg0: i32) -> (i32, i32) {
    %c0_i32 = arith.constant 0 : i32
    %c0_i32_0 = arith.constant 0 : i32
    return %arg0, %c0_i32 : i32, i32
  }
  func.func @transform_6(%arg0: i32) -> (i32, i32) {
    %c0_i32 = arith.constant 0 : i32
    %c0_i32_0 = arith.constant 0 : i32
    return %arg0, %c0_i32 : i32, i32
  }
}

module attributes {stable_mosaic.version = 14 : i64} {
  func.func @body(%arg0: i32, %arg1: memref<2x1000x64xf32, #tpu.memory_space<vmem>>, %arg2: memref<2x1000x64xf32, #tpu.memory_space<vmem>>, %arg3: memref<64x64xf32, #tpu.memory_space<vmem>>, %arg4: memref<64x64xf32, #tpu.memory_space<vmem>>, %arg5: memref<1x64xf32, #tpu.memory_space<vmem>>, %arg6: memref<64x64xf32, #tpu.memory_space<vmem>>, %arg7: memref<64x64xf32, #tpu.memory_space<vmem>>, %arg8: memref<1x64xf32, #tpu.memory_space<vmem>>, %arg9: memref<1000x64xf32, #tpu.memory_space<vmem>>, %arg10: memref<1000x64xf32, #tpu.memory_space<vmem>>) attributes {dimension_semantics = [#tpu.dimension_semantics<arbitrary>], iteration_bounds = array<i64: 10>, scalar_prefetch = 0 : i64, scratch_operands = 0 : i64, tpu.core_type = #tpu.core_type<tc>, window_params = [{transform_indices = @transform_0, window_bounds = array<i64: 2, 1000, 64>}, {transform_indices = @transform_1, window_bounds = array<i64: 2, 1000, 64>}, {pipeline_mode = #tpu.pipeline_mode<synchronous>, transform_indices = @transform_2, window_bounds = array<i64: 64, 64>}, {pipeline_mode = #tpu.pipeline_mode<synchronous>, transform_indices = @transform_3, window_bounds = array<i64: 64, 64>}, {pipeline_mode = #tpu.pipeline_mode<synchronous>, transform_indices = @transform_4, window_bounds = array<i64: 1, 64>}, {pipeline_mode = #tpu.pipeline_mode<synchronous>, transform_indices = @transform_5, window_bounds = array<i64: 64, 64>}, {pipeline_mode = #tpu.pipeline_mode<synchronous>, transform_indices = @transform_6, window_bounds = array<i64: 64, 64>}, {pipeline_mode = #tpu.pipeline_mode<synchronous>, transform_indices = @transform_7, window_bounds = array<i64: 1, 64>}, {transform_indices = @transform_8, window_bounds = array<i64: 1000, 64>}, {transform_indices = @transform_9, window_bounds = array<i64: 1000, 64>}]} {
    %get3A = arith.constant 0 : index
    %get3A_0 = arith.constant 0 : index
    %get3A_1 = arith.constant 0 : index
    %get3A_2 = vector.load %arg1[%get3A, %get3A_0, %get3A_1] : memref<2x1000x64xf32, #tpu.memory_space<vmem>>, vector<1x1000x64xf32>
    %get3A_3 = vector.shape_cast %get3A_2 : vector<1x1000x64xf32> to vector<1000x64xf32>
    %get3A_4 = arith.constant 1 : index
    %get3A_5 = arith.constant 0 : index
    %get3A_6 = arith.constant 0 : index
    %get3A_7 = vector.load %arg1[%get3A_4, %get3A_5, %get3A_6] : memref<2x1000x64xf32, #tpu.memory_space<vmem>>, vector<1x1000x64xf32>
    %get3A_8 = vector.shape_cast %get3A_7 : vector<1x1000x64xf32> to vector<1000x64xf32>
    %add3A = arith.addf %get3A_3, %get3A_8 : vector<1000x64xf32>
    %get3A_9 = arith.constant 0 : index
    %get3A_10 = arith.constant 0 : index
    %get3A_11 = arith.constant 0 : index
    %get3A_12 = vector.load %arg2[%get3A_9, %get3A_10, %get3A_11] : memref<2x1000x64xf32, #tpu.memory_space<vmem>>, vector<1x1000x64xf32>
    %get3A_13 = vector.shape_cast %get3A_12 : vector<1x1000x64xf32> to vector<1000x64xf32>
    %get3A_14 = arith.constant 1 : index
    %get3A_15 = arith.constant 0 : index
    %get3A_16 = arith.constant 0 : index
    %get3A_17 = vector.load %arg2[%get3A_14, %get3A_15, %get3A_16] : memref<2x1000x64xf32, #tpu.memory_space<vmem>>, vector<1x1000x64xf32>
    %get3A_18 = vector.shape_cast %get3A_17 : vector<1x1000x64xf32> to vector<1000x64xf32>
    %add3A_19 = arith.addf %get3A_13, %get3A_18 : vector<1000x64xf32>
    %get3A_20 = arith.constant 0 : index
    %get3A_21 = arith.constant 0 : index
    %get3A_22 = vector.load %arg3[%get3A_20, %get3A_21] : memref<64x64xf32, #tpu.memory_space<vmem>>, vector<64x64xf32>
    %dot_general3A = arith.constant dense<0.000000e+00> : vector<1000x64xf32>
    %dot_general3A_23 = tpu.matmul %add3A, %get3A_22, %dot_general3A {dimension_numbers = #tpu.dot_dimension_numbers<[1], [0], [0], [1], [0, 0, 1, 1], [], []>, transpose_lhs_hint = false} : vector<1000x64xf32>, vector<64x64xf32>, vector<1000x64xf32> -> vector<1000x64xf32>
    %get3A_24 = arith.constant 0 : index
    %get3A_25 = arith.constant 0 : index
    %get3A_26 = vector.load %arg4[%get3A_24, %get3A_25] : memref<64x64xf32, #tpu.memory_space<vmem>>, vector<64x64xf32>
    %dot_general3A_27 = arith.constant dense<0.000000e+00> : vector<1000x64xf32>
    %dot_general3A_28 = tpu.matmul %add3A_19, %get3A_26, %dot_general3A_27 {dimension_numbers = #tpu.dot_dimension_numbers<[1], [0], [0], [1], [0, 0, 1, 1], [], []>, transpose_lhs_hint = false} : vector<1000x64xf32>, vector<64x64xf32>, vector<1000x64xf32> -> vector<1000x64xf32>
    %add3A_29 = arith.addf %dot_general3A_23, %dot_general3A_28 : vector<1000x64xf32>
    %get3A_30 = arith.constant 0 : index
    %get3A_31 = arith.constant 0 : index
    %get3A_32 = vector.load %arg5[%get3A_30, %get3A_31] : memref<1x64xf32, #tpu.memory_space<vmem>>, vector<1x64xf32>
    %add3A_33 = vector.broadcast %get3A_32 : vector<1x64xf32> to vector<1000x64xf32>
    %add3A_34 = arith.addf %add3A_29, %add3A_33 : vector<1000x64xf32>
    %swap3A = arith.constant 0 : index
    %swap3A_35 = arith.constant 0 : index
    %swap3A_36 = vector.load %arg9[%swap3A, %swap3A_35] : memref<1000x64xf32, #tpu.memory_space<vmem>>, vector<1000x64xf32>
    tpu.vector_store %arg9[%swap3A, %swap3A_35], %add3A_34 {strides = array<i32>} : memref<1000x64xf32, #tpu.memory_space<vmem>>, vector<1000x64xf32>,
    %get3A_37 = arith.constant 0 : index
    %get3A_38 = arith.constant 0 : index
    %get3A_39 = vector.load %arg6[%get3A_37, %get3A_38] : memref<64x64xf32, #tpu.memory_space<vmem>>, vector<64x64xf32>
    %dot_general3A_40 = arith.constant dense<0.000000e+00> : vector<1000x64xf32>
    %dot_general3A_41 = tpu.matmul %add3A, %get3A_39, %dot_general3A_40 {dimension_numbers = #tpu.dot_dimension_numbers<[1], [0], [0], [1], [0, 0, 1, 1], [], []>, transpose_lhs_hint = false} : vector<1000x64xf32>, vector<64x64xf32>, vector<1000x64xf32> -> vector<1000x64xf32>
    %get3A_42 = arith.constant 0 : index
    %get3A_43 = arith.constant 0 : index
    %get3A_44 = vector.load %arg7[%get3A_42, %get3A_43] : memref<64x64xf32, #tpu.memory_space<vmem>>, vector<64x64xf32>
    %dot_general3A_45 = arith.constant dense<0.000000e+00> : vector<1000x64xf32>
    %dot_general3A_46 = tpu.matmul %add3A_19, %get3A_44, %dot_general3A_45 {dimension_numbers = #tpu.dot_dimension_numbers<[1], [0], [0], [1], [0, 0, 1, 1], [], []>, transpose_lhs_hint = false} : vector<1000x64xf32>, vector<64x64xf32>, vector<1000x64xf32> -> vector<1000x64xf32>
    %add3A_47 = arith.addf %dot_general3A_41, %dot_general3A_46 : vector<1000x64xf32>
    %get3A_48 = arith.constant 0 : index
    %get3A_49 = arith.constant 0 : index
    %get3A_50 = vector.load %arg8[%get3A_48, %get3A_49] : memref<1x64xf32, #tpu.memory_space<vmem>>, vector<1x64xf32>
    %add3A_51 = vector.broadcast %get3A_50 : vector<1x64xf32> to vector<1000x64xf32>
    %add3A_52 = arith.addf %add3A_47, %add3A_51 : vector<1000x64xf32>
    %swap3A_53 = arith.constant 0 : index
    %swap3A_54 = arith.constant 0 : index
    %swap3A_55 = vector.load %arg10[%swap3A_53, %swap3A_54] : memref<1000x64xf32, #tpu.memory_space<vmem>>, vector<1000x64xf32>
    tpu.vector_store %arg10[%swap3A_53, %swap3A_54], %add3A_52 {strides = array<i32>} : memref<1000x64xf32, #tpu.memory_space<vmem>>, vector<1000x64xf32>,
    return
  }
  func.func @transform_0(%arg0: i32) -> (i32, i32, i32) {
    %c0_i32 = arith.constant 0 : i32
    %c0_i32_0 = arith.constant 0 : i32
    %c0_i32_1 = arith.constant 0 : i32
    return %c0_i32, %arg0, %c0_i32_0 : i32, i32, i32
  }
  func.func @transform_1(%arg0: i32) -> (i32, i32, i32) {
    %c0_i32 = arith.constant 0 : i32
    %c0_i32_0 = arith.constant 0 : i32
    %c0_i32_1 = arith.constant 0 : i32
    return %c0_i32, %arg0, %c0_i32_0 : i32, i32, i32
  }
  func.func @transform_2(%arg0: i32) -> (i32, i32) {
    %c0_i32 = arith.constant 0 : i32
    %c0_i32_0 = arith.constant 0 : i32
    %c0_i32_1 = arith.constant 0 : i32
    return %c0_i32, %c0_i32_0 : i32, i32
  }
  func.func @transform_3(%arg0: i32) -> (i32, i32) {
    %c0_i32 = arith.constant 0 : i32
    %c0_i32_0 = arith.constant 0 : i32
    %c0_i32_1 = arith.constant 0 : i32
    return %c0_i32, %c0_i32_0 : i32, i32
  }
  func.func @transform_4(%arg0: i32) -> (i32, i32) {
    %c0_i32 = arith.constant 0 : i32
    %c0_i32_0 = arith.constant 0 : i32
    %c0_i32_1 = arith.constant 0 : i32
    return %c0_i32, %c0_i32_0 : i32, i32
  }
  func.func @transform_5(%arg0: i32) -> (i32, i32) {
    %c0_i32 = arith.constant 0 : i32
    %c0_i32_0 = arith.constant 0 : i32
    %c0_i32_1 = arith.constant 0 : i32
    return %c0_i32, %c0_i32_0 : i32, i32
  }
  func.func @transform_6(%arg0: i32) -> (i32, i32) {
    %c0_i32 = arith.constant 0 : i32
    %c0_i32_0 = arith.constant 0 : i32
    %c0_i32_1 = arith.constant 0 : i32
    return %c0_i32, %c0_i32_0 : i32, i32
  }
  func.func @transform_7(%arg0: i32) -> (i32, i32) {
    %c0_i32 = arith.constant 0 : i32
    %c0_i32_0 = arith.constant 0 : i32
    %c0_i32_1 = arith.constant 0 : i32
    return %c0_i32, %c0_i32_0 : i32, i32
  }
  func.func @transform_8(%arg0: i32) -> (i32, i32) {
    %c0_i32 = arith.constant 0 : i32
    %c0_i32_0 = arith.constant 0 : i32
    return %arg0, %c0_i32 : i32, i32
  }
  func.func @transform_9(%arg0: i32) -> (i32, i32) {
    %c0_i32 = arith.constant 0 : i32
    %c0_i32_0 = arith.constant 0 : i32
    return %arg0, %c0_i32 : i32, i32
  }
}

</mosaic_0001>

<sc_bundles>
// kernel: kernel.11.cloned.1.call-start
scs
__scs_entry_jumppad:
0x0: {  	(pc) =	sbr.rel $0x88, $3  }
0x1: {  	(tag) =	ssettag $0x0;
	lr =	simm.s32 $0x1  }
0x2: {  	[smem:$0x3F99] =	sst lr;
	_ =	strace $0xD0000000  }
0x3: {  	_ = 	snop  }
0x4: {  	_ = 	snop  }
0x5: {  	_ = 	snop  }
0x6: {  	_ = 	snop  }
0x7: {  	_ = 	snop  }
__scs_overlays_trampoline_lowered:
0x8: {  	[smem:$0x3FA8] =	sst s0  }
0x9: {  	[smem:$0x3FA9] =	sst s1  }
0xa: {  	[smem:$0x3FAA] =	sst s2  }
0xb: {  	[smem:$0x3FAB] =	sst s3  }
0xc: {  	[smem:$0x3FAC] =	sst s4  }
0xd: {  	[smem:$0x3FAD] =	sst s5  }
0xe: {  	[smem:$0x3FAE] =	sst s6  }
0xf: {  	[smem:$0x3FAF] =	sst s7  }
0x10: {  	[smem:$0x3FB0] =	sst s8  }
0x11: {  	[smem:$0x3FB1] =	sst s9;
	s0 =	simm.s32 @!p0 $0x0  }
0x12: {  	s1 =	sld [smem:$0x3F97];
	s0 =	simm.s32 @p0 $0x1  }
0x13: {  	[smem:$0x3FB2] =	sst s0;
	s0 =	simm.s32 @!p1 $0x0  }
0x14: {  	s2 =	sld [smem:$0x3F96];
	s0 =	simm.s32 @p1 $0x1  }
0x15: {  	[smem:$0x3FB3] =	sst s0;
	s0 =	simm.s32 @!p2 $0x0  }
0x16: {  	s3 =	sld [smem:$0x3FDB];
	s0 =	simm.s32 @p2 $0x1  }
0x17: {  	s4 =	simm.s32 $0x1BF5;
	[smem:$0x3FB5] =	sst s0  }
0x18: {  	s0 =	sld [smem:$0x3F98];
	_ =	swait.ge [sflag:s4], $0x0  }
0x19: {  	s7 =	sld [smem:$0x3F99]  }
0x1a: {  	s8 =	sadd.s32 $0xFFFFE003, lr  }
0x1b: {  	s9 =	sadd.s32 $0xFFFFFEF7, lr;
	s5 =	simm.s32 $0xFFFFFFFF;
	p2 =	slt.u32 s8, $0xFFFFF086  }
0x1c: {  	p1 =	slt.u32 s9, $0xF7A;
	s5 =	simm.s32 @!p2 $0x0  }
0x1d: {  	s5 =	simm.s32 @p1 $0x1;
	p0 =	seq.s32 s7, s2  }
0x1e: {  	s7 =	smul.u32 @!p0 $0xF7A, s2;
	p2 =	seq.s32 @!p0 s5, $0x0  }
0x1f: {  	s9 =	smul.u32 $0xF7A, s1;
	s8 =	simm.s32 @!p0 $0x1BF5;
	p2 =	por !p2, p0  }
0x20: {  	[sflag:s8] =	ssyncset.s32 @!p0 $0xFFFFF086;
	s6 =	sadd.s32 @!p0 s3, s7;
	s7 =	simm.s32 @!p0 $0x108  }
0x21: {  	s3 =	sadd.s32 s3, s9;
	s6 =	sadd.s32 @!p0 $0x88, s6;
	s7 =	simm.s32 @p2 $0x1082  }
0x22: {  	[simem:s7], [sflag:s8] =	dma.local @!p0 [hbm:s6], $0xF7A  }
0x23: {  	s9 =	sor.u32 $0xD0000000, s2;
	s6 =	simm.s32 $0x108;
	_ =	swait.ge @!p0 [sflag:s8], $0x0  }
0x24: {  	s3 =	sadd.s32 $0x88, s3;
	s6 =	simm.s32 @!p1 $0x1082;
	[sflag:s4] =	ssyncset.s32 $0xFFFFF086  }
0x25: {  	[simem:s6], [sflag:s4] =	dma.local [hbm:s3], $0xF7A  }
0x26: {  	[smem:$0x3F99] =	sst s1;
	(tag) =	ssettag s2;
	_ =	strace s9  }
0x27: {  	s1 =	sld [smem:$0x3FA9]  }
0x28: {  	s2 =	sld [smem:$0x3FAA]  }
0x29: {  	s4 =	sld [smem:$0x3FAC]  }
0x2a: {  	p0 =	seq.s32 s5, $0x0;
	s5 =	sld [smem:$0x3FAD]  }
0x2b: {  	s6 =	sld [smem:$0x3FAE]  }
0x2c: {  	s7 =	sld [smem:$0x3FAF]  }
0x2d: {  	s3 =	simm.s32 $0x108;
	s8 =	sld [smem:$0x3FB0]  }
0x2e: {  	s3 =	simm.s32 @!p0 $0x1082;
	s9 =	sld [smem:$0x3FB1]  }
0x2f: {  	lr =	sadd.s32 s0, s3;
	s0 =	sld [smem:$0x3FA8]  }
0x30: {  	s3 =	sld [smem:$0x3FAB]  }
0x31: {  	[smem:$0x3FB4] =	sst s10  }
0x32: {  	s10 =	sld [smem:$0x3FB2];
	_ =	sdelay $0x3  }
0x33: {  	p0 =	seq.s32 s10, $0x1;
	s10 =	sld [smem:$0x3FB4];
	_ =	sdelay $0x3  }
0x34: {  	[smem:$0x3FB4] =	sst s10  }
0x35: {  	s10 =	sld [smem:$0x3FB3];
	_ =	sdelay $0x3  }
0x36: {  	p1 =	seq.s32 s10, $0x1;
	s10 =	sld [smem:$0x3FB4];
	_ =	sdelay $0x3  }
0x37: {  	[smem:$0x3FB4] =	sst s10  }
0x38: {  	s10 =	sld [smem:$0x3FB5]  }
0x39: {  	_ = 	snop;
	(pc) =	sbr.ind lr, $3  }
0x3a: {  	_ = 	snop  }
0x3b: {  	_ = 	snop  }
0x3c: {  	p2 =	seq.s32 s10, $0x1;
	s10 =	sld [smem:$0x3FB4]  }
0x3d: {  	_ =	shalt  }
0x3e: {  	_ =	shalt  }
0x3f: {  	_ =	shalt  }
0x40: {  	_ =	shalt  }
0x41: {  	_ =	shalt  }
0x42: {  	_ =	shalt  }
0x43: {  	_ =	shalt  }
0x44: {  	_ =	shalt  }
0x45: {  	_ =	shalt  }
0x46: {  	_ =	shalt  }
0x47: {  	_ =	shalt  }
0x48: {  	_ =	shalt  }
0x49: {  	_ =	shalt  }
0x4a: {  	_ =	shalt  }
0x4b: {  	_ =	shalt  }
0x4c: {  	_ =	shalt  }
0x4d: {  	_ =	shalt  }
0x4e: {  	_ =	shalt  }
0x4f: {  	_ =	shalt  }
0x50: {  	_ =	shalt  }
0x51: {  	_ =	shalt  }
0x52: {  	_ =	shalt  }
0x53: {  	_ =	shalt  }
0x54: {  	_ =	shalt  }
0x55: {  	_ =	shalt  }
0x56: {  	_ =	shalt  }
0x57: {  	_ =	shalt  }
0x58: {  	_ =	shalt  }
0x59: {  	_ =	shalt  }
0x5a: {  	_ =	shalt  }
0x5b: {  	_ =	shalt  }
0x5c: {  	_ =	shalt  }
0x5d: {  	_ =	shalt  }
0x5e: {  	_ =	shalt  }
0x5f: {  	_ =	shalt  }
0x60: {  	_ =	shalt  }
0x61: {  	_ =	shalt  }
0x62: {  	_ =	shalt  }
0x63: {  	_ =	shalt  }
0x64: {  	_ =	shalt  }
0x65: {  	_ =	shalt  }
0x66: {  	_ =	shalt  }
0x67: {  	_ =	shalt  }
0x68: {  	_ =	shalt  }
0x69: {  	_ =	shalt  }
0x6a: {  	_ =	shalt  }
0x6b: {  	_ =	shalt  }
0x6c: {  	_ =	shalt  }
0x6d: {  	_ =	shalt  }
0x6e: {  	_ =	shalt  }
0x6f: {  	_ =	shalt  }
0x70: {  	_ =	shalt  }
0x71: {  	_ =	shalt  }
0x72: {  	_ =	shalt  }
0x73: {  	_ =	shalt  }
0x74: {  	_ =	shalt  }
0x75: {  	_ =	shalt  }
0x76: {  	_ =	shalt  }
0x77: {  	_ =	shalt  }
0x78: {  	_ =	shalt  }
0x79: {  	_ =	shalt  }
0x7a: {  	_ =	shalt  }
0x7b: {  	_ =	shalt  }
0x7c: {  	_ =	shalt  }
0x7d: {  	_ =	shalt  }
0x7e: {  	_ =	shalt  }
0x7f: {  	_ =	shalt  }
0x80: {  	_ =	shalt  }
0x81: {  	_ =	shalt  }
0x82: {  	_ =	shalt  }
0x83: {  	_ =	shalt  }
0x84: {  	_ =	shalt  }
0x85: {  	_ =	shalt  }
0x86: {  	_ =	shalt  }
0x87: {  	_ =	shalt  }
.Lfunc_end0:
.L_simem_size_0:
called_computation.1_lowered:
.L_overlay_start_0:
0x88: {  	s2 =	sld [smem:$0x3FD9]  }
0x89: {  	s3 =	sld [smem:$0x3FFE];
	_ =	sdelay $0x1  }
0x8a: {  	s1 =	srdreg.scid  }
0x8b: {  	s0 =	sand.u32 $0x1, s1  }
0x8c: {  	s14 =	sshll.u32 s0, $0xA;
	s2 =	sadd.s32 s3, s2  }
0x8d: {  	s2 =	sadd.s32 s2, s14  }
0x8e: {  	[smem:$0x3FC0] =	sst s2  }
0x8f: {  	_ = 	snop  }
0x90: {  	s2 =	sld [smem:$0x3FD0];
	_ =	sdelay $0x2  }
0x91: {  	s15 =	simm.s32 $0xB;
	s4 =	simm.s32 $0x10  }
0x92: {  	[smem:s4], [sflag:s15] =	dma.local [hbm:s2], $0x1  }
0x93: {  	_ =	swait.eq [sflag:s15], $0x1  }
0x94: {  	[sflag:s15] =	ssyncset.done $0x0  }
0x95: {  	[sflag:s15] =	ssyncadd.s32 $0xFFFFFFFF  }
0x96: {  	s16 =	sld [smem:$0x10];
	(tm) =	ssettm $0x1  }
0x97: {  	s17 =	sld [smem:$0x3FFB];
	_ =	sdelay $0x3  }
0x98: {  	_ =	strace s17  }
0x99: {  	s3 =	sld [smem:$0x3FFC];
	_ =	sdelay $0x3  }
0x9a: {  	_ =	strace s3  }
0x9b: {  	s3 =	sld [smem:$0x3FFD];
	_ =	sdelay $0x3  }
0x9c: {  	_ =	strace s3  }
0x9d: {  	_ =	strace $0x8FFFFFFF  }
0x9e: {  	s18 =	sld [smem:$0x3FDB];
	_ =	sdelay $0x1  }
0x9f: {  	s19 =	simm.s32 $_scs_section_size  }
0xa0: {  	s5 =	simm.s32 $_size__tile_overlayer_lowered;
	s6 =	simm.s32 $_tile_overlayer_lowered  }
0xa1: {  	s22 =	simm.s32 $0x1BFF;
	s21 =	sshll.u32 s6, $0x1;
	s3 =	sadd.s32 s19, s18  }
0xa2: {  	s7 =	simm.s32 $0x0;
	s20 =	sshll.u32 s5, $0x1;
	s5 =	sadd.s32 s21, s3  }
0xa3: {  	[timem:s7], [sflag:s22] =	dma.local [hbm:s5], s20  }
0xa4: {  	_ =	swait.ge [sflag:s22], s20  }
0xa5: {  	s4 =	ssub.s32 $0x0, s20;
	[sflag:s22] =	ssyncset.done $0x0  }
0xa6: {  	[sflag:s22] =	ssyncadd.s32 s4;
	_ =	sdelay $0x1  }
0xa7: {  	s23 =	simm.s32 $0x1B8B  }
0xa8: {  	_ =	swait.ge [sflag:s23], $0x1  }
0xa9: {  	[sflag:s23] =	ssyncset.done $0x0  }
0xaa: {  	s25 =	simm.s32 $0x1B8E;
	s24 =	sld [smem:$0x3FFE];
	[sflag:s23] =	ssyncadd.s32 $0xFFFFFFFF  }
0xab: {  	s26 =	simm.s32 $execute0_lowered;
	[smem:$0x3FD2] =	sst s25  }
0xac: {  	s5 =	sshll.u32 s26, $0x1;
	_ =	strace $0x80000046;
	[dreg:$0x1] =	wrdreg $0xFFFFFFFF  }
0xad: {  	s28 =	simm.s32 $_size_execute0_lowered;
	s3 =	sadd.s32 s3, s5;
	[dreg:$0x0] =	wrdreg $0x0  }
0xae: {  	s5 =	sshll.u32 s28, $0x1;
	[dreg:$0x2] =	wrdreg s3  }
0xaf: {  	[dreg:$0x3] =	wrdreg s5  }
0xb0: {  	[dreg:$0x4] =	wrdreg $0xC0  }
0xb1: {  	_ =	task [dreg:s7], $0x5FFFF  }
0xb2: {  	[dreg:$0x1] =	wrdreg $0xFFFFFFFF  }
0xb3: {  	[dreg:$0x0] =	wrdreg $0x60  }
0xb4: {  	[dreg:$0x2] =	wrdreg s16  }
0xb5: {  	[dreg:$0x3] =	wrdreg s24  }
0xb6: {  	[dreg:$0x4] =	wrdreg $0x90000  }
0xb7: {  	[dreg:$0x5] =	wrdreg $0xA  }
0xb8: {  	_ =	task.clear_ibuf [dreg:s7], $0x6FFFF;
	_ =	strace $0x90000046  }
0xb9: {  	s29 =	simm.s32 $0xA;
	_ =	strace $0x80000048  }
0xba: {  	_ =	swait.ge [sflag:s29], $0x1  }
0xbb: {  	[sflag:s29] =	ssyncadd.s32 $0xFFFFFFFF  }
0xbc: {  	_ =	strace $0x90000048  }
0xbd: {  	_ =	sfence  }
0xbe: {  	s30 =	sld [smem:$0x0];
	_ =	sdelay $0x2  }
0xbf: {  	s31 =	sshll.u32 s1, $0xD;
	s1 =	sshrl.u32 s1, $0x2  }
0xc0: {  	s3 =	sand.u32 $0x4000, s31;
	s1 =	sadd.s32 s1, s30  }
0xc1: {  	s0 =	sor.u32 s3, s0;
	s1 =	sshll.u32 s1, $0x11  }
0xc2: {  	s0 =	sor.u32 s1, s0  }
0xc3: {  	s0 =	sadd.s32 $0x8F2B, s0  }
0xc4: {  	[sflag:s0] =	ssyncadd.remote.s32 $0x1  }
0xc5: {  	_ =	sfence.sel $0xFFFF  }
0xc6: {  	[dreg:$0x0] =	wrdreg $0xFFFFFFFF;
	(pc) =	sbr.abs _section_cstart, $3  }
0xc7: {  	[dreg:$0x1] =	wrdreg $0xFFFFFFFF  }
0xc8: {  	_ =	task.clear_ibuf [dreg:s7], $0x2FFFF;
	_ =	strace $0x9FFFFFFF  }
0xc9: {  	(tm) =	ssettm $0x7FFFFFFF  }
tec
execute0_lowered:
.L_overlay_start_1:
0x0: {  	(tag) =	ssettag $0x1  }
0x1: {  	s0 =	rddreg [dreg:$0x0]  }
0x2: {  	s6 =	rddreg [dreg:$0x1]  }
0x3: {  	s1 =	srdreg.scid;
	s3 =	rddreg [dreg:$0x2]  }
0x4: {  	s2 =	stileid.u32;
	s4 =	simm.s32 $0x0;
	s22 =	simm.s32 $0x80  }
0x5: {  	s23 =	simm.s32 $0x5000;
	s8 =	sand.u32 $0x1, s1;
	s1 =	rddreg [dreg:$0x3]  }
0x6: {  	s24 =	simm.s32 $0x1;
	s25 =	simm.s32 $0x0;
	[smem:$0x7FF] =	sst s4  }
0x7: {  	s11 =	smul.u32 $0xA000, s2;
	s17 =	sadd.s32 $0x16600, s6;
	s5 =	sshll.u32 s8, $0x4  }
0x8: {  	_ =	strace $0x80000047;
	s7 =	ssub.s32 $0x2, s8;
	s16 =	smul.u32 $0xA0000, s8  }
0x9: {  	s5 =	sor.u32 s2, s5;
	s29 =	sshrl.u32 s7, $0x1;
	s13 =	sadd.s32 $0x2000, s11  }
0xa: {  	s15 =	sadd.s32 $0x4000, s11;
	s19 =	sadd.s32 $0x6000, s11;
	s20 =	sadd.s32 $0x8000, s11  }
0xb: {  	s5 =	smul.u32 $0x500, s5;
	s18 =	ssub.s32 s7, s29;
	s7 =	sadd.s32 s13, s3  }
0xc: {  	s8 =	sadd.s32 s15, s3;
	s9 =	sadd.s32 s19, s3;
	s10 =	sadd.s32 s20, s3  }
0xd: {  	s14 =	sadd.s32 s11, s16;
	s21 =	sadd.s32 s16, s13;
	s15 =	sadd.s32 s16, s15  }
0xe: {  	s19 =	sadd.s32 s16, s19;
	s20 =	sadd.s32 s16, s20;
	s14 =	sshrl.u32 s14, $0x3  }
0xf: {  	s30 =	sshrl.u32 s21, $0x3;
	s15 =	sshrl.u32 s15, $0x3;
	s19 =	sshrl.u32 s19, $0x3  }
0x10: {  	s31 =	sshrl.u32 s20, $0x3;
	s18 =	smax.u32 s18, $0x1;
	s20 =	simm.s32 $0x2  }
0x11: {  	s21 =	simm.s32 $0x2800;
	s12 =	sadd.s32 s5, s6;
	s5 =	sadd.s32 $0x16200, s6  }
0x12: {  	s6 =	sadd.s32 s11, s3;
	s13 =	sadd.s32 s17, s14;
	s14 =	sadd.s32 s17, s30  }
0x13: {  	s15 =	sadd.s32 s17, s15;
	s16 =	sadd.s32 s17, s19;
	s17 =	sadd.s32 s17, s31  }
0x14: {  	s19 =	simm.s32 $0x7000;
	s11 =	sadd.s32 $0xC200, s12;
	s12 =	sadd.s32 $0x2200, s12  }
.LBB2_1:
0x15: {  	[tilespmem:s19], [sflag:$0x2] =	stream.linear.gather [hbm4b:s5+s4], $0x2000, $0x38;
	[tilespmem:$0x13000] =	vst v63  }
0x16: {  	_ =	swait.ge [sflag:s20], $0x2000  }
0x17: {  	[sflag:s20] =	ssyncset.done $0x0  }
0x18: {  	[sflag:s20] =	ssyncadd.s32 $0xFFFFE000  }
0x19: {  	[spmem:s6] =	stream.linear.scatter [tilespmem:s19], [sflag:$0x2], $0x2000, $0x38;
	[tilespmem:$0x13000] =	vst v63  }
0x1a: {  	_ =	swait.ge [sflag:s20], $0x2000  }
0x1b: {  	[sflag:s20] =	ssyncset.done $0x0  }
0x1c: {  	[sflag:s20] =	ssyncadd.s32 $0xFFFFE000  }
0x1d: {  	[spmem:s7] =	stream.linear.scatter [tilespmem:s19], [sflag:$0x2], $0x2000, $0x38;
	[tilespmem:$0x13000] =	vst v63  }
0x1e: {  	_ =	swait.ge [sflag:s20], $0x2000  }
0x1f: {  	[sflag:s20] =	ssyncset.done $0x0  }
0x20: {  	[sflag:s20] =	ssyncadd.s32 $0xFFFFE000  }
0x21: {  	[spmem:s8] =	stream.linear.scatter [tilespmem:s19], [sflag:$0x2], $0x2000, $0x38;
	[tilespmem:$0x13000] =	vst v63  }
0x22: {  	_ =	swait.ge [sflag:s20], $0x2000  }
0x23: {  	[sflag:s20] =	ssyncset.done $0x0  }
0x24: {  	[sflag:s20] =	ssyncadd.s32 $0xFFFFE000  }
0x25: {  	[spmem:s9] =	stream.linear.scatter [tilespmem:s19], [sflag:$0x2], $0x2000, $0x38;
	[tilespmem:$0x13000] =	vst v63  }
0x26: {  	_ =	swait.ge [sflag:s20], $0x2000  }
0x27: {  	[sflag:s20] =	ssyncset.done $0x0  }
0x28: {  	[sflag:s20] =	ssyncadd.s32 $0xFFFFE000  }
0x29: {  	[spmem:s10] =	stream.linear.scatter [tilespmem:s19], [sflag:$0x2], $0x2000, $0x38;
	[tilespmem:$0x13000] =	vst v63  }
0x2a: {  	_ =	swait.ge [sflag:s20], $0x2000  }
0x2b: {  	[sflag:s20] =	ssyncset.done $0x0  }
0x2c: {  	[sflag:s20] =	ssyncadd.s32 $0xFFFFE000  }
0x2d: {  	[tilespmem:s4], [sflag:$0x2] =	stream.linear.gather [hbm4b:s11+s4], $0x2800, $0x38;
	[tilespmem:$0x13000] =	vst v63  }
0x2e: {  	_ =	swait.ge [sflag:s20], $0x2800  }
0x2f: {  	[sflag:s20] =	ssyncset.done $0x0  }
0x30: {  	[sflag:s20] =	ssyncadd.s32 $0xFFFFD800  }
0x31: {  	[tilespmem:s21], [sflag:$0x2] =	stream.linear.gather [hbm4b:s12+s4], $0x2800, $0x38;
	[tilespmem:$0x13000] =	vst v63  }
0x32: {  	_ =	swait.ge [sflag:s20], $0x2800  }
0x33: {  	[sflag:s20] =	ssyncset.done $0x0  }
0x34: {  	[sflag:s20] =	ssyncadd.s32 $0xFFFFD800  }
0x35: {  	s26 =	simm.s32 $0x0;
	[bflag:$0x0] =	sbarrier.arrive $0xFFFF  }
0x36: {  	[tilespmem:s23], [sflag:$0x1] =	stream.indirect.gather [hbm4b:s0+s22], $0x40, s26, s22, $0xb8;
	[tilespmem:$0x13000] =	vst v63  }
0x37: {  	_ =	swait.ge [sflag:s24], $0x2000  }
0x38: {  	[sflag:s24] =	ssyncset.done $0x0  }
0x39: {  	s31 =	simm.s32 $0x2800;
	[sflag:s24] =	ssyncadd.s32 $0xFFFFE000  }
0x3a: {  	[spmem:s3] =	stream.indirect.scatter.add.f32 [tilespmem:s23], [sflag:$0x2], $0x40, s31, s22, $0xb8;
	[tilespmem:$0x13000] =	vst v63  }
0x3b: {  	_ =	swait.ge [sflag:s20], $0x2000  }
0x3c: {  	s28 =	simm.s32 $0x400;
	s26 =	simm.s32 $0x200;
	[sflag:s20] =	ssyncset.done $0x0  }
.LBB2_2:
0x3d: {  	s29 =	sshra.s32 s26, $0x2  }
0x3e: {  	[sflag:s20] =	ssyncadd.s32 $0xFFFFE000;
	s26 =	smov.u32 s28;
	s30 =	sadd.s32 $0x200, s28  }
0x3f: {  	[tilespmem:s23], [sflag:$0x1] =	stream.indirect.gather [hbm4b:s0+s22], $0x40, s29, s22, $0xb8;
	[tilespmem:$0x13000] =	vst v63  }
0x40: {  	p0 =	sne.s32 s28, $0x9E00;
	_ =	swait.ge [sflag:s24], $0x2000  }
.Ltmp0:
0x41: {  	[sflag:s24] =	ssyncset.done $0x0;
	(pc) =	sbr.rel @p0 .LBB2_2-.Ltmp0, $4  }
0x42: {  	s28 =	sadd.s32 $0x2800, s29;
	[sflag:s24] =	ssyncadd.s32 $0xFFFFE000  }
0x43: {  	[spmem:s3] =	stream.indirect.scatter.add.f32 [tilespmem:s23], [sflag:$0x2], $0x40, s28, s22, $0xb8;
	[tilespmem:$0x13000] =	vst v63  }
0x44: {  	_ =	swait.ge [sflag:s20], $0x2000  }
0x45: {  	s28 =	smov.u32 s30;
	[sflag:s20] =	ssyncset.done $0x0  }
0x46: {  	s26 =	sshra.s32 s26, $0x2;
	[sflag:s20] =	ssyncadd.s32 $0xFFFFE000  }
0x47: {  	[tilespmem:s23], [sflag:$0x1] =	stream.indirect.gather [hbm4b:s0+s22], $0x40, s26, s22, $0xb8;
	[tilespmem:$0x13000] =	vst v63  }
0x48: {  	_ =	swait.ge [sflag:s24], $0x2000  }
0x49: {  	[sflag:s24] =	ssyncset.done $0x0  }
0x4a: {  	s26 =	sadd.s32 $0x2800, s26;
	[sflag:s24] =	ssyncadd.s32 $0xFFFFE000  }
0x4b: {  	[spmem:s3] =	stream.indirect.scatter.add.f32 [tilespmem:s23], [sflag:$0x2], $0x40, s26, s22, $0xb8;
	[tilespmem:$0x13000] =	vst v63  }
0x4c: {  	_ =	swait.ge [sflag:s20], $0x2000  }
0x4d: {  	[sflag:s20] =	ssyncset.done $0x0  }
0x4e: {  	[sflag:s20] =	ssyncadd.s32 $0xFFFFE000  }
0x4f: {  	[bflag:$0x0] =	sbarrier.arrive $0xFFFF  }
0x50: {  	[tilespmem:s19], [sflag:$0x2] =	stream.linear.gather [spmem:s6], $0x2000, $0x38;
	[tilespmem:$0x13000] =	vst v63  }
0x51: {  	_ =	swait.ge [sflag:s20], $0x2000  }
0x52: {  	[sflag:s20] =	ssyncset.done $0x0  }
0x53: {  	[sflag:s20] =	ssyncadd.s32 $0xFFFFE000  }
0x54: {  	[hbm4b:s13+s4] =	stream.linear.scatter [tilespmem:s19], [sflag:$0x2], $0x2000, $0x38;
	[tilespmem:$0x13000] =	vst v63  }
0x55: {  	_ =	swait.ge [sflag:s20], $0x2000  }
0x56: {  	[sflag:s20] =	ssyncset.done $0x0  }
0x57: {  	[sflag:s20] =	ssyncadd.s32 $0xFFFFE000  }
0x58: {  	[tilespmem:s19], [sflag:$0x2] =	stream.linear.gather [spmem:s7], $0x2000, $0x38;
	[tilespmem:$0x13000] =	vst v63  }
0x59: {  	_ =	swait.ge [sflag:s20], $0x2000  }
0x5a: {  	[sflag:s20] =	ssyncset.done $0x0  }
0x5b: {  	[sflag:s20] =	ssyncadd.s32 $0xFFFFE000  }
0x5c: {  	[hbm4b:s14+s4] =	stream.linear.scatter [tilespmem:s19], [sflag:$0x2], $0x2000, $0x38;
	[tilespmem:$0x13000] =	vst v63  }
0x5d: {  	_ =	swait.ge [sflag:s20], $0x2000  }
0x5e: {  	[sflag:s20] =	ssyncset.done $0x0  }
0x5f: {  	[sflag:s20] =	ssyncadd.s32 $0xFFFFE000  }
0x60: {  	[tilespmem:s19], [sflag:$0x2] =	stream.linear.gather [spmem:s8], $0x2000, $0x38;
	[tilespmem:$0x13000] =	vst v63  }
0x61: {  	_ =	swait.ge [sflag:s20], $0x2000  }
0x62: {  	[sflag:s20] =	ssyncset.done $0x0  }
0x63: {  	[sflag:s20] =	ssyncadd.s32 $0xFFFFE000  }
0x64: {  	[hbm4b:s15+s4] =	stream.linear.scatter [tilespmem:s19], [sflag:$0x2], $0x2000, $0x38;
	[tilespmem:$0x13000] =	vst v63  }
0x65: {  	_ =	swait.ge [sflag:s20], $0x2000  }
0x66: {  	[sflag:s20] =	ssyncset.done $0x0  }
0x67: {  	[sflag:s20] =	ssyncadd.s32 $0xFFFFE000  }
0x68: {  	[tilespmem:s19], [sflag:$0x2] =	stream.linear.gather [spmem:s9], $0x2000, $0x38;
	[tilespmem:$0x13000] =	vst v63  }
0x69: {  	_ =	swait.ge [sflag:s20], $0x2000  }
0x6a: {  	[sflag:s20] =	ssyncset.done $0x0  }
0x6b: {  	[sflag:s20] =	ssyncadd.s32 $0xFFFFE000  }
0x6c: {  	[hbm4b:s16+s4] =	stream.linear.scatter [tilespmem:s19], [sflag:$0x2], $0x2000, $0x38;
	[tilespmem:$0x13000] =	vst v63  }
0x6d: {  	_ =	swait.ge [sflag:s20], $0x2000  }
0x6e: {  	[sflag:s20] =	ssyncset.done $0x0  }
0x6f: {  	[sflag:s20] =	ssyncadd.s32 $0xFFFFE000  }
0x70: {  	[tilespmem:s19], [sflag:$0x2] =	stream.linear.gather [spmem:s10], $0x2000, $0x38;
	[tilespmem:$0x13000] =	vst v63  }
0x71: {  	s25 =	sadd.s32 $0x1, s25;
	_ =	swait.ge [sflag:s20], $0x2000  }
0x72: {  	p0 =	sne.s32 s25, s18;
	[sflag:s20] =	ssyncset.done $0x0  }
.Ltmp1:
0x73: {  	[sflag:s20] =	ssyncadd.s32 $0xFFFFE000;
	(pc) =	sbr.rel @p0 .LBB2_1-.Ltmp1, $4  }
0x74: {  	[hbm4b:s17+s4] =	stream.linear.scatter [tilespmem:s19], [sflag:$0x2], $0x2000, $0x38;
	[tilespmem:$0x13000] =	vst v63  }
0x75: {  	_ =	swait.ge [sflag:s20], $0x2000  }
0x76: {  	[sflag:s20] =	ssyncset.done $0x0  }
0x77: {  	[sflag:s20] =	ssyncadd.s32 $0xFFFFE000  }
0x78: {  	_ =	sfence.sel $0x180000  }
0x79: {  	[bflag:$0x0] =	sbarrier.arrive $0xFFFF  }
0x7a: {  	p0 =	sne.s32 s2, $0x0;
	_ =	strace $0x90000047  }
0x7b: {  	s0 =	sadd.s32 @!p0 $0x100000, s1;
	[bflag:$0x2] =	sbarrier.arrive $0xFFFF  }
0x7c: {  	[sflag:s0] =	ssyncadd.tile.s32 @!p0 $0x1;
	_ =	shalt  }
.Lfunc_end2:
_tile_overlayer_lowered:
.L_overlay_start_2:
0x7d: {  	(tag) =	ssettag $0x2  }
0x7e: {  	s0 =	rddreg [dreg:$0x0];
	s2 =	stileid.u32  }
0x7f: {  	s1 =	rddreg [dreg:$0x1];
	p0 =	sne.s32 s2, $0x0  }
0x80: {  	s3 =	rddreg [dreg:$0x2];
	[bflag:$0x3] =	sbarrier.arrive $0xFFFF;
	s2 =	simm.s32 @!p0 $0x1C02  }
0x81: {  	[timem:s3], [sflag:s2] =	dma.local @!p0 [hbm:s0], s1  }
0x82: {  	s0 =	simm.s32 @!p0 $0x2  }
0x83: {  	_ =	swait.ge @!p0 [sflag:s0], s1  }
0x84: {  	s1 =	ssub.s32 @!p0 $0x0, s1;
	[sflag:s0] =	ssyncset.done @!p0 $0x0  }
0x85: {  	[sflag:s0] =	ssyncadd.s32 @!p0 s1  }
0x86: {  	[bflag:$0x3] =	sbarrier.arrive $0xFFFF  }
0x87: {  	_ =	shalt  }

// kernel: kernel.14.cloned.1.call-start
scs
__scs_entry_jumppad:
0x0: {  	(pc) =	sbr.rel $0x88, $3  }
0x1: {  	(tag) =	ssettag $0x0;
	lr =	simm.s32 $0x1  }
0x2: {  	[smem:$0x3F99] =	sst lr;
	_ =	strace $0xD0000000  }
0x3: {  	_ = 	snop  }
0x4: {  	_ = 	snop  }
0x5: {  	_ = 	snop  }
0x6: {  	_ = 	snop  }
0x7: {  	_ = 	snop  }
__scs_overlays_trampoline_lowered:
0x8: {  	[smem:$0x3FA8] =	sst s0  }
0x9: {  	[smem:$0x3FA9] =	sst s1  }
0xa: {  	[smem:$0x3FAA] =	sst s2  }
0xb: {  	[smem:$0x3FAB] =	sst s3  }
0xc: {  	[smem:$0x3FAC] =	sst s4  }
0xd: {  	[smem:$0x3FAD] =	sst s5  }
0xe: {  	[smem:$0x3FAE] =	sst s6  }
0xf: {  	[smem:$0x3FAF] =	sst s7  }
0x10: {  	[smem:$0x3FB0] =	sst s8  }
0x11: {  	[smem:$0x3FB1] =	sst s9;
	s0 =	simm.s32 @!p0 $0x0  }
0x12: {  	s1 =	sld [smem:$0x3F97];
	s0 =	simm.s32 @p0 $0x1  }
0x13: {  	[smem:$0x3FB2] =	sst s0;
	s0 =	simm.s32 @!p1 $0x0  }
0x14: {  	s2 =	sld [smem:$0x3F96];
	s0 =	simm.s32 @p1 $0x1  }
0x15: {  	[smem:$0x3FB3] =	sst s0;
	s0 =	simm.s32 @!p2 $0x0  }
0x16: {  	s3 =	sld [smem:$0x3FDB];
	s0 =	simm.s32 @p2 $0x1  }
0x17: {  	s4 =	simm.s32 $0x1BF5;
	[smem:$0x3FB5] =	sst s0  }
0x18: {  	s0 =	sld [smem:$0x3F98];
	_ =	swait.ge [sflag:s4], $0x0  }
0x19: {  	s7 =	sld [smem:$0x3F99]  }
0x1a: {  	s8 =	sadd.s32 $0xFFFFE003, lr  }
0x1b: {  	s9 =	sadd.s32 $0xFFFFFEF7, lr;
	s5 =	simm.s32 $0xFFFFFFFF;
	p2 =	slt.u32 s8, $0xFFFFF086  }
0x1c: {  	p1 =	slt.u32 s9, $0xF7A;
	s5 =	simm.s32 @!p2 $0x0  }
0x1d: {  	s5 =	simm.s32 @p1 $0x1;
	p0 =	seq.s32 s7, s2  }
0x1e: {  	s7 =	smul.u32 @!p0 $0xF7A, s2;
	p2 =	seq.s32 @!p0 s5, $0x0  }
0x1f: {  	s9 =	smul.u32 $0xF7A, s1;
	s8 =	simm.s32 @!p0 $0x1BF5;
	p2 =	por !p2, p0  }
0x20: {  	[sflag:s8] =	ssyncset.s32 @!p0 $0xFFFFF086;
	s6 =	sadd.s32 @!p0 s3, s7;
	s7 =	simm.s32 @!p0 $0x108  }
0x21: {  	s3 =	sadd.s32 s3, s9;
	s6 =	sadd.s32 @!p0 $0x88, s6;
	s7 =	simm.s32 @p2 $0x1082  }
0x22: {  	[simem:s7], [sflag:s8] =	dma.local @!p0 [hbm:s6], $0xF7A  }
0x23: {  	s9 =	sor.u32 $0xD0000000, s2;
	s6 =	simm.s32 $0x108;
	_ =	swait.ge @!p0 [sflag:s8], $0x0  }
0x24: {  	s3 =	sadd.s32 $0x88, s3;
	s6 =	simm.s32 @!p1 $0x1082;
	[sflag:s4] =	ssyncset.s32 $0xFFFFF086  }
0x25: {  	[simem:s6], [sflag:s4] =	dma.local [hbm:s3], $0xF7A  }
0x26: {  	[smem:$0x3F99] =	sst s1;
	(tag) =	ssettag s2;
	_ =	strace s9  }
0x27: {  	s1 =	sld [smem:$0x3FA9]  }
0x28: {  	s2 =	sld [smem:$0x3FAA]  }
0x29: {  	s4 =	sld [smem:$0x3FAC]  }
0x2a: {  	p0 =	seq.s32 s5, $0x0;
	s5 =	sld [smem:$0x3FAD]  }
0x2b: {  	s6 =	sld [smem:$0x3FAE]  }
0x2c: {  	s7 =	sld [smem:$0x3FAF]  }
0x2d: {  	s3 =	simm.s32 $0x108;
	s8 =	sld [smem:$0x3FB0]  }
0x2e: {  	s3 =	simm.s32 @!p0 $0x1082;
	s9 =	sld [smem:$0x3FB1]  }
0x2f: {  	lr =	sadd.s32 s0, s3;
	s0 =	sld [smem:$0x3FA8]  }
0x30: {  	s3 =	sld [smem:$0x3FAB]  }
0x31: {  	[smem:$0x3FB4] =	sst s10  }
0x32: {  	s10 =	sld [smem:$0x3FB2];
	_ =	sdelay $0x3  }
0x33: {  	p0 =	seq.s32 s10, $0x1;
	s10 =	sld [smem:$0x3FB4];
	_ =	sdelay $0x3  }
0x34: {  	[smem:$0x3FB4] =	sst s10  }
0x35: {  	s10 =	sld [smem:$0x3FB3];
	_ =	sdelay $0x3  }
0x36: {  	p1 =	seq.s32 s10, $0x1;
	s10 =	sld [smem:$0x3FB4];
	_ =	sdelay $0x3  }
0x37: {  	[smem:$0x3FB4] =	sst s10  }
0x38: {  	s10 =	sld [smem:$0x3FB5]  }
0x39: {  	_ = 	snop;
	(pc) =	sbr.ind lr, $3  }
0x3a: {  	_ = 	snop  }
0x3b: {  	_ = 	snop  }
0x3c: {  	p2 =	seq.s32 s10, $0x1;
	s10 =	sld [smem:$0x3FB4]  }
0x3d: {  	_ =	shalt  }
0x3e: {  	_ =	shalt  }
0x3f: {  	_ =	shalt  }
0x40: {  	_ =	shalt  }
0x41: {  	_ =	shalt  }
0x42: {  	_ =	shalt  }
0x43: {  	_ =	shalt  }
0x44: {  	_ =	shalt  }
0x45: {  	_ =	shalt  }
0x46: {  	_ =	shalt  }
0x47: {  	_ =	shalt  }
0x48: {  	_ =	shalt  }
0x49: {  	_ =	shalt  }
0x4a: {  	_ =	shalt  }
0x4b: {  	_ =	shalt  }
0x4c: {  	_ =	shalt  }
0x4d: {  	_ =	shalt  }
0x4e: {  	_ =	shalt  }
0x4f: {  	_ =	shalt  }
0x50: {  	_ =	shalt  }
0x51: {  	_ =	shalt  }
0x52: {  	_ =	shalt  }
0x53: {  	_ =	shalt  }
0x54: {  	_ =	shalt  }
0x55: {  	_ =	shalt  }
0x56: {  	_ =	shalt  }
0x57: {  	_ =	shalt  }
0x58: {  	_ =	shalt  }
0x59: {  	_ =	shalt  }
0x5a: {  	_ =	shalt  }
0x5b: {  	_ =	shalt  }
0x5c: {  	_ =	shalt  }
0x5d: {  	_ =	shalt  }
0x5e: {  	_ =	shalt  }
0x5f: {  	_ =	shalt  }
0x60: {  	_ =	shalt  }
0x61: {  	_ =	shalt  }
0x62: {  	_ =	shalt  }
0x63: {  	_ =	shalt  }
0x64: {  	_ =	shalt  }
0x65: {  	_ =	shalt  }
0x66: {  	_ =	shalt  }
0x67: {  	_ =	shalt  }
0x68: {  	_ =	shalt  }
0x69: {  	_ =	shalt  }
0x6a: {  	_ =	shalt  }
0x6b: {  	_ =	shalt  }
0x6c: {  	_ =	shalt  }
0x6d: {  	_ =	shalt  }
0x6e: {  	_ =	shalt  }
0x6f: {  	_ =	shalt  }
0x70: {  	_ =	shalt  }
0x71: {  	_ =	shalt  }
0x72: {  	_ =	shalt  }
0x73: {  	_ =	shalt  }
0x74: {  	_ =	shalt  }
0x75: {  	_ =	shalt  }
0x76: {  	_ =	shalt  }
0x77: {  	_ =	shalt  }
0x78: {  	_ =	shalt  }
0x79: {  	_ =	shalt  }
0x7a: {  	_ =	shalt  }
0x7b: {  	_ =	shalt  }
0x7c: {  	_ =	shalt  }
0x7d: {  	_ =	shalt  }
0x7e: {  	_ =	shalt  }
0x7f: {  	_ =	shalt  }
0x80: {  	_ =	shalt  }
0x81: {  	_ =	shalt  }
0x82: {  	_ =	shalt  }
0x83: {  	_ =	shalt  }
0x84: {  	_ =	shalt  }
0x85: {  	_ =	shalt  }
0x86: {  	_ =	shalt  }
0x87: {  	_ =	shalt  }
.Lfunc_end0:
.L_simem_size_0:
called_computation.2_lowered:
.L_overlay_start_0:
0x88: {  	s2 =	sld [smem:$0x3FD9]  }
0x89: {  	s3 =	sld [smem:$0x3FFE];
	_ =	sdelay $0x1  }
0x8a: {  	s1 =	srdreg.scid  }
0x8b: {  	s0 =	sand.u32 $0x1, s1  }
0x8c: {  	s15 =	sshll.u32 s0, $0xA;
	s2 =	sadd.s32 s3, s2  }
0x8d: {  	s2 =	sadd.s32 s2, s15  }
0x8e: {  	[smem:$0x3FC0] =	sst s2  }
0x8f: {  	_ = 	snop  }
0x90: {  	s2 =	sld [smem:$0x3FD0];
	_ =	sdelay $0x2  }
0x91: {  	s16 =	simm.s32 $0xB;
	s4 =	simm.s32 $0x10  }
0x92: {  	[smem:s4], [sflag:s16] =	dma.local [hbm:s2], $0x1  }
0x93: {  	_ =	swait.eq [sflag:s16], $0x1  }
0x94: {  	[sflag:s16] =	ssyncset.done $0x0  }
0x95: {  	[sflag:s16] =	ssyncadd.s32 $0xFFFFFFFF  }
0x96: {  	s17 =	sld [smem:$0x11];
	(tm) =	ssettm $0x1  }
0x97: {  	s18 =	sld [smem:$0x3FFB];
	_ =	sdelay $0x3  }
0x98: {  	_ =	strace s18  }
0x99: {  	s2 =	sld [smem:$0x3FFC];
	_ =	sdelay $0x3  }
0x9a: {  	_ =	strace s2  }
0x9b: {  	s2 =	sld [smem:$0x3FFD];
	_ =	sdelay $0x3  }
0x9c: {  	_ =	strace s2  }
0x9d: {  	_ =	strace $0x8FFFFFFF  }
0x9e: {  	s19 =	sld [smem:$0x3FDB];
	_ =	sdelay $0x1  }
0x9f: {  	s20 =	simm.s32 $_scs_section_size  }
0xa0: {  	s5 =	simm.s32 $_size__tile_overlayer_lowered;
	s6 =	simm.s32 $_tile_overlayer_lowered  }
0xa1: {  	s7 =	simm.s32 $0x1BFF;
	s21 =	sshll.u32 s6, $0x1;
	s4 =	sadd.s32 s20, s19  }
0xa2: {  	s22 =	simm.s32 $0x0;
	s5 =	sshll.u32 s5, $0x1;
	s6 =	sadd.s32 s21, s4  }
0xa3: {  	[timem:s22], [sflag:s7] =	dma.local [hbm:s6], s5  }
0xa4: {  	_ =	swait.ge [sflag:s7], s5  }
0xa5: {  	s5 =	ssub.s32 $0x0, s5;
	[sflag:s7] =	ssyncset.done $0x0  }
0xa6: {  	[sflag:s7] =	ssyncadd.s32 s5;
	_ =	sdelay $0x1  }
0xa7: {  	s23 =	simm.s32 $0x1B8B  }
0xa8: {  	_ =	swait.ge [sflag:s23], $0x1  }
0xa9: {  	[sflag:s23] =	ssyncset.done $0x0  }
0xaa: {  	[sflag:s23] =	ssyncadd.s32 $0xFFFFFFFF  }
0xab: {  	s5 =	sld [smem:$0x0]  }
0xac: {  	s6 =	sand.u32 $0xFFFFFFFE, s1  }
0xad: {  	p0 =	sne.s32 s1, s6  }
0xae: {  	s6 =	sshll.u32 @p0 s6, $0xE  }
0xaf: {  	s6 =	sadd.s32 @p0 $0x11B8D, s6;
	s7 =	sshll.u32 @p0 s5, $0x11  }
0xb0: {  	s6 =	sor.u32 @p0 s7, s6  }
0xb1: {  	[sflag:s6] =	ssyncadd.remote.s32 @p0 $0x1;
	_ =	sdelay $0x1  }
0xb2: {  	s6 =	simm.s32 @p0 $0x1B8D  }
0xb3: {  	_ =	swait.eq @p0 [sflag:s6], $0x1  }
0xb4: {  	[sflag:s6] =	ssyncadd.s32 @p0 $0xFFFFFFFF  }
0xb5: {  	s7 =	sshll.u32 @!p0 s1, $0xE  }
0xb6: {  	s7 =	sor.u32 @!p0 $0x4000, s7;
	s6 =	simm.s32 @!p0 $0x1B8D  }
0xb7: {  	s5 =	sshll.u32 @!p0 s5, $0x11;
	s7 =	sadd.s32 @!p0 $0x11B8D, s7;
	_ =	swait.eq @!p0 [sflag:s6], $0x1  }
0xb8: {  	s5 =	sor.u32 @!p0 s5, s7;
	[sflag:s6] =	ssyncadd.s32 @!p0 $0xFFFFFFFF  }
0xb9: {  	s25 =	simm.s32 $0x1B8E;
	s24 =	sld [smem:$0x3FFE];
	[sflag:s5] =	ssyncadd.remote.s32 @!p0 $0x1  }
0xba: {  	s26 =	simm.s32 $execute0_lowered;
	[smem:$0x3FD2] =	sst s25  }
0xbb: {  	s6 =	sshll.u32 s26, $0x1;
	_ =	strace $0x8000004F;
	[dreg:$0x1] =	wrdreg $0xFFFFFFFF  }
0xbc: {  	s28 =	simm.s32 $_size_execute0_lowered;
	s4 =	sadd.s32 s4, s6;
	[dreg:$0x0] =	wrdreg $0x0  }
0xbd: {  	s6 =	sshll.u32 s28, $0x1;
	[dreg:$0x2] =	wrdreg s4  }
0xbe: {  	[dreg:$0x3] =	wrdreg s6  }
0xbf: {  	[dreg:$0x4] =	wrdreg $0xC0  }
0xc0: {  	_ =	task [dreg:s22], $0x5FFFF  }
0xc1: {  	[dreg:$0x1] =	wrdreg $0xFFFFFFFF  }
0xc2: {  	[dreg:$0x0] =	wrdreg $0x60  }
0xc3: {  	[dreg:$0x2] =	wrdreg s17  }
0xc4: {  	[dreg:$0x3] =	wrdreg s24  }
0xc5: {  	[dreg:$0x4] =	wrdreg $0x90000  }
0xc6: {  	[dreg:$0x5] =	wrdreg $0x9  }
0xc7: {  	_ =	task.clear_ibuf [dreg:s22], $0x6FFFF;
	_ =	strace $0x9000004F  }
0xc8: {  	s29 =	simm.s32 $0x9;
	_ =	strace $0x80000051  }
0xc9: {  	_ =	swait.ge [sflag:s29], $0x1  }
0xca: {  	[sflag:s29] =	ssyncadd.s32 $0xFFFFFFFF  }
0xcb: {  	_ =	strace $0x90000051  }
0xcc: {  	_ =	sfence  }
0xcd: {  	s30 =	sld [smem:$0x0];
	_ =	sdelay $0x2  }
0xce: {  	s31 =	sshll.u32 s1, $0xD;
	s1 =	sshrl.u32 s1, $0x2  }
0xcf: {  	s4 =	sand.u32 $0x4000, s31;
	s1 =	sadd.s32 s1, s30  }
0xd0: {  	s0 =	sor.u32 s4, s0;
	s1 =	sshll.u32 s1, $0x11  }
0xd1: {  	s0 =	sor.u32 s1, s0  }
0xd2: {  	s0 =	sadd.s32 $0x8F2B, s0  }
0xd3: {  	[sflag:s0] =	ssyncadd.remote.s32 $0x1  }
0xd4: {  	_ =	sfence.sel $0xFFFF  }
0xd5: {  	[dreg:$0x0] =	wrdreg $0xFFFFFFFF;
	(pc) =	sbr.abs _section_cstart, $3  }
0xd6: {  	[dreg:$0x1] =	wrdreg $0xFFFFFFFF  }
0xd7: {  	_ =	task.clear_ibuf [dreg:s22], $0x2FFFF;
	_ =	strace $0x9FFFFFFF  }
0xd8: {  	(tm) =	ssettm $0x7FFFFFFF  }
0xd9: {  	_ =	shalt  }
tec
execute0_lowered:
.L_overlay_start_1:
0x0: {  	(tag) =	ssettag $0x1  }
0x1: {  	s0 =	rddreg [dreg:$0x0]  }
0x2: {  	s6 =	rddreg [dreg:$0x1]  }
0x3: {  	s1 =	srdreg.scid;
	s3 =	rddreg [dreg:$0x2]  }
0x4: {  	s2 =	stileid.u32;
	s4 =	simm.s32 $0x0;
	s22 =	simm.s32 $0x80  }
0x5: {  	s23 =	simm.s32 $0x5000;
	s8 =	sand.u32 $0x1, s1;
	s1 =	rddreg [dreg:$0x3]  }
0x6: {  	s24 =	simm.s32 $0x1;
	s25 =	simm.s32 $0x0;
	[smem:$0x7FF] =	sst s4  }
0x7: {  	s11 =	smul.u32 $0xA000, s2;
	s17 =	sadd.s32 $0x3E600, s6;
	s5 =	sshll.u32 s8, $0x4  }
0x8: {  	_ =	strace $0x80000050;
	s7 =	ssub.s32 $0x2, s8;
	s16 =	smul.u32 $0xA0000, s8  }
0x9: {  	s5 =	sor.u32 s2, s5;
	s29 =	sshrl.u32 s7, $0x1;
	s13 =	sadd.s32 $0x2000, s11  }
0xa: {  	s15 =	sadd.s32 $0x4000, s11;
	s19 =	sadd.s32 $0x6000, s11;
	s20 =	sadd.s32 $0x8000, s11  }
0xb: {  	s5 =	smul.u32 $0x500, s5;
	s18 =	ssub.s32 s7, s29;
	s7 =	sadd.s32 s13, s3  }
0xc: {  	s8 =	sadd.s32 s15, s3;
	s9 =	sadd.s32 s19, s3;
	s10 =	sadd.s32 s20, s3  }
0xd: {  	s14 =	sadd.s32 s11, s16;
	s21 =	sadd.s32 s16, s13;
	s15 =	sadd.s32 s16, s15  }
0xe: {  	s19 =	sadd.s32 s16, s19;
	s20 =	sadd.s32 s16, s20;
	s14 =	sshrl.u32 s14, $0x3  }
0xf: {  	s30 =	sshrl.u32 s21, $0x3;
	s15 =	sshrl.u32 s15, $0x3;
	s19 =	sshrl.u32 s19, $0x3  }
0x10: {  	s31 =	sshrl.u32 s20, $0x3;
	s18 =	smax.u32 s18, $0x1;
	s20 =	simm.s32 $0x2  }
0x11: {  	s21 =	simm.s32 $0x2800;
	s12 =	sadd.s32 s5, s6;
	s5 =	sadd.s32 $0x16200, s6  }
0x12: {  	s6 =	sadd.s32 s11, s3;
	s13 =	sadd.s32 s17, s14;
	s14 =	sadd.s32 s17, s30  }
0x13: {  	s15 =	sadd.s32 s17, s15;
	s16 =	sadd.s32 s17, s19;
	s17 =	sadd.s32 s17, s31  }
0x14: {  	s19 =	simm.s32 $0x7000;
	s11 =	sadd.s32 $0xC200, s12;
	s12 =	sadd.s32 $0x2200, s12  }
.LBB2_1:
0x15: {  	[tilespmem:s19], [sflag:$0x2] =	stream.linear.gather [hbm4b:s5+s4], $0x2000, $0x38;
	[tilespmem:$0x13000] =	vst v63  }
0x16: {  	_ =	swait.ge [sflag:s20], $0x2000  }
0x17: {  	[sflag:s20] =	ssyncset.done $0x0  }
0x18: {  	[sflag:s20] =	ssyncadd.s32 $0xFFFFE000  }
0x19: {  	[spmem:s6] =	stream.linear.scatter [tilespmem:s19], [sflag:$0x2], $0x2000, $0x38;
	[tilespmem:$0x13000] =	vst v63  }
0x1a: {  	_ =	swait.ge [sflag:s20], $0x2000  }
0x1b: {  	[sflag:s20] =	ssyncset.done $0x0  }
0x1c: {  	[sflag:s20] =	ssyncadd.s32 $0xFFFFE000  }
0x1d: {  	[spmem:s7] =	stream.linear.scatter [tilespmem:s19], [sflag:$0x2], $0x2000, $0x38;
	[tilespmem:$0x13000] =	vst v63  }
0x1e: {  	_ =	swait.ge [sflag:s20], $0x2000  }
0x1f: {  	[sflag:s20] =	ssyncset.done $0x0  }
0x20: {  	[sflag:s20] =	ssyncadd.s32 $0xFFFFE000  }
0x21: {  	[spmem:s8] =	stream.linear.scatter [tilespmem:s19], [sflag:$0x2], $0x2000, $0x38;
	[tilespmem:$0x13000] =	vst v63  }
0x22: {  	_ =	swait.ge [sflag:s20], $0x2000  }
0x23: {  	[sflag:s20] =	ssyncset.done $0x0  }
0x24: {  	[sflag:s20] =	ssyncadd.s32 $0xFFFFE000  }
0x25: {  	[spmem:s9] =	stream.linear.scatter [tilespmem:s19], [sflag:$0x2], $0x2000, $0x38;
	[tilespmem:$0x13000] =	vst v63  }
0x26: {  	_ =	swait.ge [sflag:s20], $0x2000  }
0x27: {  	[sflag:s20] =	ssyncset.done $0x0  }
0x28: {  	[sflag:s20] =	ssyncadd.s32 $0xFFFFE000  }
0x29: {  	[spmem:s10] =	stream.linear.scatter [tilespmem:s19], [sflag:$0x2], $0x2000, $0x38;
	[tilespmem:$0x13000] =	vst v63  }
0x2a: {  	_ =	swait.ge [sflag:s20], $0x2000  }
0x2b: {  	[sflag:s20] =	ssyncset.done $0x0  }
0x2c: {  	[sflag:s20] =	ssyncadd.s32 $0xFFFFE000  }
0x2d: {  	[tilespmem:s4], [sflag:$0x2] =	stream.linear.gather [hbm4b:s11+s4], $0x2800, $0x38;
	[tilespmem:$0x13000] =	vst v63  }
0x2e: {  	_ =	swait.ge [sflag:s20], $0x2800  }
0x2f: {  	[sflag:s20] =	ssyncset.done $0x0  }
0x30: {  	[sflag:s20] =	ssyncadd.s32 $0xFFFFD800  }
0x31: {  	[tilespmem:s21], [sflag:$0x2] =	stream.linear.gather [hbm4b:s12+s4], $0x2800, $0x38;
	[tilespmem:$0x13000] =	vst v63  }
0x32: {  	_ =	swait.ge [sflag:s20], $0x2800  }
0x33: {  	[sflag:s20] =	ssyncset.done $0x0  }
0x34: {  	[sflag:s20] =	ssyncadd.s32 $0xFFFFD800  }
0x35: {  	s26 =	simm.s32 $0x0;
	[bflag:$0x0] =	sbarrier.arrive $0xFFFF  }
0x36: {  	[tilespmem:s23], [sflag:$0x1] =	stream.indirect.gather [hbm4b:s0+s22], $0x40, s26, s22, $0xb8;
	[tilespmem:$0x13000] =	vst v63  }
0x37: {  	_ =	swait.ge [sflag:s24], $0x2000  }
0x38: {  	[sflag:s24] =	ssyncset.done $0x0  }
0x39: {  	s31 =	simm.s32 $0x2800;
	[sflag:s24] =	ssyncadd.s32 $0xFFFFE000  }
0x3a: {  	[spmem:s3] =	stream.indirect.scatter.add.f32 [tilespmem:s23], [sflag:$0x2], $0x40, s31, s22, $0xb8;
	[tilespmem:$0x13000] =	vst v63  }
0x3b: {  	_ =	swait.ge [sflag:s20], $0x2000  }
0x3c: {  	s28 =	simm.s32 $0x400;
	s26 =	simm.s32 $0x200;
	[sflag:s20] =	ssyncset.done $0x0  }
.LBB2_2:
0x3d: {  	s29 =	sshra.s32 s26, $0x2  }
0x3e: {  	[sflag:s20] =	ssyncadd.s32 $0xFFFFE000;
	s26 =	smov.u32 s28;
	s30 =	sadd.s32 $0x200, s28  }
0x3f: {  	[tilespmem:s23], [sflag:$0x1] =	stream.indirect.gather [hbm4b:s0+s22], $0x40, s29, s22, $0xb8;
	[tilespmem:$0x13000] =	vst v63  }
0x40: {  	p0 =	sne.s32 s28, $0x9E00;
	_ =	swait.ge [sflag:s24], $0x2000  }
.Ltmp0:
0x41: {  	[sflag:s24] =	ssyncset.done $0x0;
	(pc) =	sbr.rel @p0 .LBB2_2-.Ltmp0, $4  }
0x42: {  	s28 =	sadd.s32 $0x2800, s29;
	[sflag:s24] =	ssyncadd.s32 $0xFFFFE000  }
0x43: {  	[spmem:s3] =	stream.indirect.scatter.add.f32 [tilespmem:s23], [sflag:$0x2], $0x40, s28, s22, $0xb8;
	[tilespmem:$0x13000] =	vst v63  }
0x44: {  	_ =	swait.ge [sflag:s20], $0x2000  }
0x45: {  	s28 =	smov.u32 s30;
	[sflag:s20] =	ssyncset.done $0x0  }
0x46: {  	s26 =	sshra.s32 s26, $0x2;
	[sflag:s20] =	ssyncadd.s32 $0xFFFFE000  }
0x47: {  	[tilespmem:s23], [sflag:$0x1] =	stream.indirect.gather [hbm4b:s0+s22], $0x40, s26, s22, $0xb8;
	[tilespmem:$0x13000] =	vst v63  }
0x48: {  	_ =	swait.ge [sflag:s24], $0x2000  }
0x49: {  	[sflag:s24] =	ssyncset.done $0x0  }
0x4a: {  	s26 =	sadd.s32 $0x2800, s26;
	[sflag:s24] =	ssyncadd.s32 $0xFFFFE000  }
0x4b: {  	[spmem:s3] =	stream.indirect.scatter.add.f32 [tilespmem:s23], [sflag:$0x2], $0x40, s26, s22, $0xb8;
	[tilespmem:$0x13000] =	vst v63  }
0x4c: {  	_ =	swait.ge [sflag:s20], $0x2000  }
0x4d: {  	[sflag:s20] =	ssyncset.done $0x0  }
0x4e: {  	[sflag:s20] =	ssyncadd.s32 $0xFFFFE000  }
0x4f: {  	[bflag:$0x0] =	sbarrier.arrive $0xFFFF  }
0x50: {  	[tilespmem:s19], [sflag:$0x2] =	stream.linear.gather [spmem:s6], $0x2000, $0x38;
	[tilespmem:$0x13000] =	vst v63  }
0x51: {  	_ =	swait.ge [sflag:s20], $0x2000  }
0x52: {  	[sflag:s20] =	ssyncset.done $0x0  }
0x53: {  	[sflag:s20] =	ssyncadd.s32 $0xFFFFE000  }
0x54: {  	[hbm4b:s13+s4] =	stream.linear.scatter [tilespmem:s19], [sflag:$0x2], $0x2000, $0x38;
	[tilespmem:$0x13000] =	vst v63  }
0x55: {  	_ =	swait.ge [sflag:s20], $0x2000  }
0x56: {  	[sflag:s20] =	ssyncset.done $0x0  }
0x57: {  	[sflag:s20] =	ssyncadd.s32 $0xFFFFE000  }
0x58: {  	[tilespmem:s19], [sflag:$0x2] =	stream.linear.gather [spmem:s7], $0x2000, $0x38;
	[tilespmem:$0x13000] =	vst v63  }
0x59: {  	_ =	swait.ge [sflag:s20], $0x2000  }
0x5a: {  	[sflag:s20] =	ssyncset.done $0x0  }
0x5b: {  	[sflag:s20] =	ssyncadd.s32 $0xFFFFE000  }
0x5c: {  	[hbm4b:s14+s4] =	stream.linear.scatter [tilespmem:s19], [sflag:$0x2], $0x2000, $0x38;
	[tilespmem:$0x13000] =	vst v63  }
0x5d: {  	_ =	swait.ge [sflag:s20], $0x2000  }
0x5e: {  	[sflag:s20] =	ssyncset.done $0x0  }
0x5f: {  	[sflag:s20] =	ssyncadd.s32 $0xFFFFE000  }
0x60: {  	[tilespmem:s19], [sflag:$0x2] =	stream.linear.gather [spmem:s8], $0x2000, $0x38;
	[tilespmem:$0x13000] =	vst v63  }
0x61: {  	_ =	swait.ge [sflag:s20], $0x2000  }
0x62: {  	[sflag:s20] =	ssyncset.done $0x0  }
0x63: {  	[sflag:s20] =	ssyncadd.s32 $0xFFFFE000  }
0x64: {  	[hbm4b:s15+s4] =	stream.linear.scatter [tilespmem:s19], [sflag:$0x2], $0x2000, $0x38;
	[tilespmem:$0x13000] =	vst v63  }
0x65: {  	_ =	swait.ge [sflag:s20], $0x2000  }
0x66: {  	[sflag:s20] =	ssyncset.done $0x0  }
0x67: {  	[sflag:s20] =	ssyncadd.s32 $0xFFFFE000  }
0x68: {  	[tilespmem:s19], [sflag:$0x2] =	stream.linear.gather [spmem:s9], $0x2000, $0x38;
	[tilespmem:$0x13000] =	vst v63  }
0x69: {  	_ =	swait.ge [sflag:s20], $0x2000  }
0x6a: {  	[sflag:s20] =	ssyncset.done $0x0  }
0x6b: {  	[sflag:s20] =	ssyncadd.s32 $0xFFFFE000  }
0x6c: {  	[hbm4b:s16+s4] =	stream.linear.scatter [tilespmem:s19], [sflag:$0x2], $0x2000, $0x38;
	[tilespmem:$0x13000] =	vst v63  }
0x6d: {  	_ =	swait.ge [sflag:s20], $0x2000  }
0x6e: {  	[sflag:s20] =	ssyncset.done $0x0  }
0x6f: {  	[sflag:s20] =	ssyncadd.s32 $0xFFFFE000  }
0x70: {  	[tilespmem:s19], [sflag:$0x2] =	stream.linear.gather [spmem:s10], $0x2000, $0x38;
	[tilespmem:$0x13000] =	vst v63  }
0x71: {  	s25 =	sadd.s32 $0x1, s25;
	_ =	swait.ge [sflag:s20], $0x2000  }
0x72: {  	p0 =	sne.s32 s25, s18;
	[sflag:s20] =	ssyncset.done $0x0  }
.Ltmp1:
0x73: {  	[sflag:s20] =	ssyncadd.s32 $0xFFFFE000;
	(pc) =	sbr.rel @p0 .LBB2_1-.Ltmp1, $4  }
0x74: {  	[hbm4b:s17+s4] =	stream.linear.scatter [tilespmem:s19], [sflag:$0x2], $0x2000, $0x38;
	[tilespmem:$0x13000] =	vst v63  }
0x75: {  	_ =	swait.ge [sflag:s20], $0x2000  }
0x76: {  	[sflag:s20] =	ssyncset.done $0x0  }
0x77: {  	[sflag:s20] =	ssyncadd.s32 $0xFFFFE000  }
0x78: {  	_ =	sfence.sel $0x180000  }
0x79: {  	[bflag:$0x0] =	sbarrier.arrive $0xFFFF  }
0x7a: {  	p0 =	sne.s32 s2, $0x0;
	_ =	strace $0x90000050  }
0x7b: {  	s0 =	sadd.s32 @!p0 $0x100000, s1;
	[bflag:$0x2] =	sbarrier.arrive $0xFFFF  }
0x7c: {  	[sflag:s0] =	ssyncadd.tile.s32 @!p0 $0x1;
	_ =	shalt  }
.Lfunc_end2:
_tile_overlayer_lowered:
.L_overlay_start_2:
0x7d: {  	(tag) =	ssettag $0x2  }
0x7e: {  	s0 =	rddreg [dreg:$0x0];
	s2 =	stileid.u32  }
0x7f: {  	s1 =	rddreg [dreg:$0x1];
	p0 =	sne.s32 s2, $0x0  }
0x80: {  	s3 =	rddreg [dreg:$0x2];
	[bflag:$0x3] =	sbarrier.arrive $0xFFFF;
	s2 =	simm.s32 @!p0 $0x1C02  }
0x81: {  	[timem:s3], [sflag:s2] =	dma.local @!p0 [hbm:s0], s1  }
0x82: {  	s0 =	simm.s32 @!p0 $0x2  }
0x83: {  	_ =	swait.ge @!p0 [sflag:s0], s1  }
0x84: {  	s1 =	ssub.s32 @!p0 $0x0, s1;
	[sflag:s0] =	ssyncset.done @!p0 $0x0  }
0x85: {  	[sflag:s0] =	ssyncadd.s32 @!p0 s1  }
0x86: {  	[bflag:$0x3] =	sbarrier.arrive $0xFFFF  }
0x87: {  	_ =	shalt  }

// kernel: kernel.17.cloned.1.call-start
scs
__scs_entry_jumppad:
0x0: {  	(pc) =	sbr.rel $0x88, $3  }
0x1: {  	(tag) =	ssettag $0x0;
	lr =	simm.s32 $0x1  }
0x2: {  	[smem:$0x3F99] =	sst lr;
	_ =	strace $0xD0000000  }
0x3: {  	_ = 	snop  }
0x4: {  	_ = 	snop  }
0x5: {  	_ = 	snop  }
0x6: {  	_ = 	snop  }
0x7: {  	_ = 	snop  }
__scs_overlays_trampoline_lowered:
0x8: {  	[smem:$0x3FA8] =	sst s0  }
0x9: {  	[smem:$0x3FA9] =	sst s1  }
0xa: {  	[smem:$0x3FAA] =	sst s2  }
0xb: {  	[smem:$0x3FAB] =	sst s3  }
0xc: {  	[smem:$0x3FAC] =	sst s4  }
0xd: {  	[smem:$0x3FAD] =	sst s5  }
0xe: {  	[smem:$0x3FAE] =	sst s6  }
0xf: {  	[smem:$0x3FAF] =	sst s7  }
0x10: {  	[smem:$0x3FB0] =	sst s8  }
0x11: {  	[smem:$0x3FB1] =	sst s9;
	s0 =	simm.s32 @!p0 $0x0  }
0x12: {  	s1 =	sld [smem:$0x3F97];
	s0 =	simm.s32 @p0 $0x1  }
0x13: {  	[smem:$0x3FB2] =	sst s0;
	s0 =	simm.s32 @!p1 $0x0  }
0x14: {  	s2 =	sld [smem:$0x3F96];
	s0 =	simm.s32 @p1 $0x1  }
0x15: {  	[smem:$0x3FB3] =	sst s0;
	s0 =	simm.s32 @!p2 $0x0  }
0x16: {  	s3 =	sld [smem:$0x3FDB];
	s0 =	simm.s32 @p2 $0x1  }
0x17: {  	s4 =	simm.s32 $0x1BF5;
	[smem:$0x3FB5] =	sst s0  }
0x18: {  	s0 =	sld [smem:$0x3F98];
	_ =	swait.ge [sflag:s4], $0x0  }
0x19: {  	s7 =	sld [smem:$0x3F99]  }
0x1a: {  	s8 =	sadd.s32 $0xFFFFE003, lr  }
0x1b: {  	s9 =	sadd.s32 $0xFFFFFEF7, lr;
	s5 =	simm.s32 $0xFFFFFFFF;
	p2 =	slt.u32 s8, $0xFFFFF086  }
0x1c: {  	p1 =	slt.u32 s9, $0xF7A;
	s5 =	simm.s32 @!p2 $0x0  }
0x1d: {  	s5 =	simm.s32 @p1 $0x1;
	p0 =	seq.s32 s7, s2  }
0x1e: {  	s7 =	smul.u32 @!p0 $0xF7A, s2;
	p2 =	seq.s32 @!p0 s5, $0x0  }
0x1f: {  	s9 =	smul.u32 $0xF7A, s1;
	s8 =	simm.s32 @!p0 $0x1BF5;
	p2 =	por !p2, p0  }
0x20: {  	[sflag:s8] =	ssyncset.s32 @!p0 $0xFFFFF086;
	s6 =	sadd.s32 @!p0 s3, s7;
	s7 =	simm.s32 @!p0 $0x108  }
0x21: {  	s3 =	sadd.s32 s3, s9;
	s6 =	sadd.s32 @!p0 $0x88, s6;
	s7 =	simm.s32 @p2 $0x1082  }
0x22: {  	[simem:s7], [sflag:s8] =	dma.local @!p0 [hbm:s6], $0xF7A  }
0x23: {  	s9 =	sor.u32 $0xD0000000, s2;
	s6 =	simm.s32 $0x108;
	_ =	swait.ge @!p0 [sflag:s8], $0x0  }
0x24: {  	s3 =	sadd.s32 $0x88, s3;
	s6 =	simm.s32 @!p1 $0x1082;
	[sflag:s4] =	ssyncset.s32 $0xFFFFF086  }
0x25: {  	[simem:s6], [sflag:s4] =	dma.local [hbm:s3], $0xF7A  }
0x26: {  	[smem:$0x3F99] =	sst s1;
	(tag) =	ssettag s2;
	_ =	strace s9  }
0x27: {  	s1 =	sld [smem:$0x3FA9]  }
0x28: {  	s2 =	sld [smem:$0x3FAA]  }
0x29: {  	s4 =	sld [smem:$0x3FAC]  }
0x2a: {  	p0 =	seq.s32 s5, $0x0;
	s5 =	sld [smem:$0x3FAD]  }
0x2b: {  	s6 =	sld [smem:$0x3FAE]  }
0x2c: {  	s7 =	sld [smem:$0x3FAF]  }
0x2d: {  	s3 =	simm.s32 $0x108;
	s8 =	sld [smem:$0x3FB0]  }
0x2e: {  	s3 =	simm.s32 @!p0 $0x1082;
	s9 =	sld [smem:$0x3FB1]  }
0x2f: {  	lr =	sadd.s32 s0, s3;
	s0 =	sld [smem:$0x3FA8]  }
0x30: {  	s3 =	sld [smem:$0x3FAB]  }
0x31: {  	[smem:$0x3FB4] =	sst s10  }
0x32: {  	s10 =	sld [smem:$0x3FB2];
	_ =	sdelay $0x3  }
0x33: {  	p0 =	seq.s32 s10, $0x1;
	s10 =	sld [smem:$0x3FB4];
	_ =	sdelay $0x3  }
0x34: {  	[smem:$0x3FB4] =	sst s10  }
0x35: {  	s10 =	sld [smem:$0x3FB3];
	_ =	sdelay $0x3  }
0x36: {  	p1 =	seq.s32 s10, $0x1;
	s10 =	sld [smem:$0x3FB4];
	_ =	sdelay $0x3  }
0x37: {  	[smem:$0x3FB4] =	sst s10  }
0x38: {  	s10 =	sld [smem:$0x3FB5]  }
0x39: {  	_ = 	snop;
	(pc) =	sbr.ind lr, $3  }
0x3a: {  	_ = 	snop  }
0x3b: {  	_ = 	snop  }
0x3c: {  	p2 =	seq.s32 s10, $0x1;
	s10 =	sld [smem:$0x3FB4]  }
0x3d: {  	_ =	shalt  }
0x3e: {  	_ =	shalt  }
0x3f: {  	_ =	shalt  }
0x40: {  	_ =	shalt  }
0x41: {  	_ =	shalt  }
0x42: {  	_ =	shalt  }
0x43: {  	_ =	shalt  }
0x44: {  	_ =	shalt  }
0x45: {  	_ =	shalt  }
0x46: {  	_ =	shalt  }
0x47: {  	_ =	shalt  }
0x48: {  	_ =	shalt  }
0x49: {  	_ =	shalt  }
0x4a: {  	_ =	shalt  }
0x4b: {  	_ =	shalt  }
0x4c: {  	_ =	shalt  }
0x4d: {  	_ =	shalt  }
0x4e: {  	_ =	shalt  }
0x4f: {  	_ =	shalt  }
0x50: {  	_ =	shalt  }
0x51: {  	_ =	shalt  }
0x52: {  	_ =	shalt  }
0x53: {  	_ =	shalt  }
0x54: {  	_ =	shalt  }
0x55: {  	_ =	shalt  }
0x56: {  	_ =	shalt  }
0x57: {  	_ =	shalt  }
0x58: {  	_ =	shalt  }
0x59: {  	_ =	shalt  }
0x5a: {  	_ =	shalt  }
0x5b: {  	_ =	shalt  }
0x5c: {  	_ =	shalt  }
0x5d: {  	_ =	shalt  }
0x5e: {  	_ =	shalt  }
0x5f: {  	_ =	shalt  }
0x60: {  	_ =	shalt  }
0x61: {  	_ =	shalt  }
0x62: {  	_ =	shalt  }
0x63: {  	_ =	shalt  }
0x64: {  	_ =	shalt  }
0x65: {  	_ =	shalt  }
0x66: {  	_ =	shalt  }
0x67: {  	_ =	shalt  }
0x68: {  	_ =	shalt  }
0x69: {  	_ =	shalt  }
0x6a: {  	_ =	shalt  }
0x6b: {  	_ =	shalt  }
0x6c: {  	_ =	shalt  }
0x6d: {  	_ =	shalt  }
0x6e: {  	_ =	shalt  }
0x6f: {  	_ =	shalt  }
0x70: {  	_ =	shalt  }
0x71: {  	_ =	shalt  }
0x72: {  	_ =	shalt  }
0x73: {  	_ =	shalt  }
0x74: {  	_ =	shalt  }
0x75: {  	_ =	shalt  }
0x76: {  	_ =	shalt  }
0x77: {  	_ =	shalt  }
0x78: {  	_ =	shalt  }
0x79: {  	_ =	shalt  }
0x7a: {  	_ =	shalt  }
0x7b: {  	_ =	shalt  }
0x7c: {  	_ =	shalt  }
0x7d: {  	_ =	shalt  }
0x7e: {  	_ =	shalt  }
0x7f: {  	_ =	shalt  }
0x80: {  	_ =	shalt  }
0x81: {  	_ =	shalt  }
0x82: {  	_ =	shalt  }
0x83: {  	_ =	shalt  }
0x84: {  	_ =	shalt  }
0x85: {  	_ =	shalt  }
0x86: {  	_ =	shalt  }
0x87: {  	_ =	shalt  }
.Lfunc_end0:
.L_simem_size_0:
called_computation.3_lowered:
.L_overlay_start_0:
0x88: {  	s2 =	sld [smem:$0x3FD9]  }
0x89: {  	s3 =	sld [smem:$0x3FFE];
	_ =	sdelay $0x1  }
0x8a: {  	s1 =	srdreg.scid  }
0x8b: {  	s0 =	sand.u32 $0x1, s1  }
0x8c: {  	s14 =	sshll.u32 s0, $0xA;
	s2 =	sadd.s32 s3, s2  }
0x8d: {  	s2 =	sadd.s32 s2, s14  }
0x8e: {  	[smem:$0x3FC0] =	sst s2  }
0x8f: {  	_ = 	snop  }
0x90: {  	s2 =	sld [smem:$0x3FD0];
	_ =	sdelay $0x2  }
0x91: {  	s15 =	simm.s32 $0xB;
	s4 =	simm.s32 $0x10  }
0x92: {  	[smem:s4], [sflag:s15] =	dma.local [hbm:s2], $0x1  }
0x93: {  	_ =	swait.eq [sflag:s15], $0x1  }
0x94: {  	[sflag:s15] =	ssyncset.done $0x0  }
0x95: {  	[sflag:s15] =	ssyncadd.s32 $0xFFFFFFFF  }
0x96: {  	s16 =	sld [smem:$0x10];
	(tm) =	ssettm $0x1  }
0x97: {  	s17 =	sld [smem:$0x3FFB];
	_ =	sdelay $0x3  }
0x98: {  	_ =	strace s17  }
0x99: {  	s3 =	sld [smem:$0x3FFC];
	_ =	sdelay $0x3  }
0x9a: {  	_ =	strace s3  }
0x9b: {  	s3 =	sld [smem:$0x3FFD];
	_ =	sdelay $0x3  }
0x9c: {  	_ =	strace s3  }
0x9d: {  	_ =	strace $0x8FFFFFFF  }
0x9e: {  	s18 =	sld [smem:$0x3FDB];
	_ =	sdelay $0x1  }
0x9f: {  	s19 =	simm.s32 $_scs_section_size  }
0xa0: {  	s5 =	simm.s32 $_size__tile_overlayer_lowered;
	s6 =	simm.s32 $_tile_overlayer_lowered  }
0xa1: {  	s22 =	simm.s32 $0x1BFF;
	s21 =	sshll.u32 s6, $0x1;
	s3 =	sadd.s32 s19, s18  }
0xa2: {  	s7 =	simm.s32 $0x0;
	s20 =	sshll.u32 s5, $0x1;
	s5 =	sadd.s32 s21, s3  }
0xa3: {  	[timem:s7], [sflag:s22] =	dma.local [hbm:s5], s20  }
0xa4: {  	_ =	swait.ge [sflag:s22], s20  }
0xa5: {  	s4 =	ssub.s32 $0x0, s20;
	[sflag:s22] =	ssyncset.done $0x0  }
0xa6: {  	[sflag:s22] =	ssyncadd.s32 s4;
	_ =	sdelay $0x1  }
0xa7: {  	s23 =	simm.s32 $0x1B8B  }
0xa8: {  	_ =	swait.ge [sflag:s23], $0x1  }
0xa9: {  	[sflag:s23] =	ssyncset.done $0x0  }
0xaa: {  	s25 =	simm.s32 $0x1B8E;
	s24 =	sld [smem:$0x3FFE];
	[sflag:s23] =	ssyncadd.s32 $0xFFFFFFFF  }
0xab: {  	s26 =	simm.s32 $execute0_lowered;
	[smem:$0x3FD2] =	sst s25  }
0xac: {  	s5 =	sshll.u32 s26, $0x1;
	_ =	strace $0x8000004C;
	[dreg:$0x1] =	wrdreg $0xFFFFFFFF  }
0xad: {  	s28 =	simm.s32 $_size_execute0_lowered;
	s3 =	sadd.s32 s3, s5;
	[dreg:$0x0] =	wrdreg $0x0  }
0xae: {  	s5 =	sshll.u32 s28, $0x1;
	[dreg:$0x2] =	wrdreg s3  }
0xaf: {  	[dreg:$0x3] =	wrdreg s5  }
0xb0: {  	[dreg:$0x4] =	wrdreg $0xC0  }
0xb1: {  	_ =	task [dreg:s7], $0x5FFFF  }
0xb2: {  	[dreg:$0x1] =	wrdreg $0xFFFFFFFF  }
0xb3: {  	[dreg:$0x0] =	wrdreg $0x60  }
0xb4: {  	[dreg:$0x2] =	wrdreg s16  }
0xb5: {  	[dreg:$0x3] =	wrdreg s24  }
0xb6: {  	[dreg:$0x4] =	wrdreg $0x90000  }
0xb7: {  	[dreg:$0x5] =	wrdreg $0xA  }
0xb8: {  	_ =	task.clear_ibuf [dreg:s7], $0x6FFFF;
	_ =	strace $0x9000004C  }
0xb9: {  	s29 =	simm.s32 $0xA;
	_ =	strace $0x8000004E  }
0xba: {  	_ =	swait.ge [sflag:s29], $0x1  }
0xbb: {  	[sflag:s29] =	ssyncadd.s32 $0xFFFFFFFF  }
0xbc: {  	_ =	strace $0x9000004E  }
0xbd: {  	_ =	sfence  }
0xbe: {  	s30 =	sld [smem:$0x0];
	_ =	sdelay $0x2  }
0xbf: {  	s31 =	sshll.u32 s1, $0xD;
	s1 =	sshrl.u32 s1, $0x2  }
0xc0: {  	s3 =	sand.u32 $0x4000, s31;
	s1 =	sadd.s32 s1, s30  }
0xc1: {  	s0 =	sor.u32 s3, s0;
	s1 =	sshll.u32 s1, $0x11  }
0xc2: {  	s0 =	sor.u32 s1, s0  }
0xc3: {  	s0 =	sadd.s32 $0x8F2B, s0  }
0xc4: {  	[sflag:s0] =	ssyncadd.remote.s32 $0x1  }
0xc5: {  	_ =	sfence.sel $0xFFFF  }
0xc6: {  	[dreg:$0x0] =	wrdreg $0xFFFFFFFF;
	(pc) =	sbr.abs _section_cstart, $3  }
0xc7: {  	[dreg:$0x1] =	wrdreg $0xFFFFFFFF  }
0xc8: {  	_ =	task.clear_ibuf [dreg:s7], $0x2FFFF;
	_ =	strace $0x9FFFFFFF  }
0xc9: {  	(tm) =	ssettm $0x7FFFFFFF  }
tec
execute0_lowered:
.L_overlay_start_1:
0x0: {  	(tag) =	ssettag $0x1  }
0x1: {  	s0 =	rddreg [dreg:$0x0]  }
0x2: {  	s6 =	rddreg [dreg:$0x1]  }
0x3: {  	s1 =	srdreg.scid;
	s3 =	rddreg [dreg:$0x2]  }
0x4: {  	s2 =	stileid.u32;
	s4 =	simm.s32 $0x0;
	s22 =	simm.s32 $0x80  }
0x5: {  	s23 =	simm.s32 $0x5000;
	s8 =	sand.u32 $0x1, s1;
	s1 =	rddreg [dreg:$0x3]  }
0x6: {  	s24 =	simm.s32 $0x1;
	s25 =	simm.s32 $0x0;
	[smem:$0x7FF] =	sst s4  }
0x7: {  	s11 =	smul.u32 $0xA000, s2;
	s17 =	sadd.s32 $0x16600, s6;
	s5 =	sshll.u32 s8, $0x4  }
0x8: {  	_ =	strace $0x8000004D;
	s7 =	ssub.s32 $0x2, s8;
	s16 =	smul.u32 $0xA0000, s8  }
0x9: {  	s5 =	sor.u32 s2, s5;
	s29 =	sshrl.u32 s7, $0x1;
	s13 =	sadd.s32 $0x2000, s11  }
0xa: {  	s15 =	sadd.s32 $0x4000, s11;
	s19 =	sadd.s32 $0x6000, s11;
	s20 =	sadd.s32 $0x8000, s11  }
0xb: {  	s5 =	smul.u32 $0x500, s5;
	s18 =	ssub.s32 s7, s29;
	s7 =	sadd.s32 s13, s3  }
0xc: {  	s8 =	sadd.s32 s15, s3;
	s9 =	sadd.s32 s19, s3;
	s10 =	sadd.s32 s20, s3  }
0xd: {  	s14 =	sadd.s32 s11, s16;
	s21 =	sadd.s32 s16, s13;
	s15 =	sadd.s32 s16, s15  }
0xe: {  	s19 =	sadd.s32 s16, s19;
	s20 =	sadd.s32 s16, s20;
	s14 =	sshrl.u32 s14, $0x3  }
0xf: {  	s30 =	sshrl.u32 s21, $0x3;
	s15 =	sshrl.u32 s15, $0x3;
	s19 =	sshrl.u32 s19, $0x3  }
0x10: {  	s31 =	sshrl.u32 s20, $0x3;
	s18 =	smax.u32 s18, $0x1;
	s20 =	simm.s32 $0x2  }
0x11: {  	s21 =	simm.s32 $0x2800;
	s12 =	sadd.s32 s5, s6;
	s5 =	sadd.s32 $0x16200, s6  }
0x12: {  	s6 =	sadd.s32 s11, s3;
	s13 =	sadd.s32 s17, s14;
	s14 =	sadd.s32 s17, s30  }
0x13: {  	s15 =	sadd.s32 s17, s15;
	s16 =	sadd.s32 s17, s19;
	s17 =	sadd.s32 s17, s31  }
0x14: {  	s19 =	simm.s32 $0x7000;
	s11 =	sadd.s32 $0xC200, s12;
	s12 =	sadd.s32 $0x2200, s12  }
.LBB2_1:
0x15: {  	[tilespmem:s19], [sflag:$0x2] =	stream.linear.gather [hbm4b:s5+s4], $0x2000, $0x38;
	[tilespmem:$0x13000] =	vst v63  }
0x16: {  	_ =	swait.ge [sflag:s20], $0x2000  }
0x17: {  	[sflag:s20] =	ssyncset.done $0x0  }
0x18: {  	[sflag:s20] =	ssyncadd.s32 $0xFFFFE000  }
0x19: {  	[spmem:s6] =	stream.linear.scatter [tilespmem:s19], [sflag:$0x2], $0x2000, $0x38;
	[tilespmem:$0x13000] =	vst v63  }
0x1a: {  	_ =	swait.ge [sflag:s20], $0x2000  }
0x1b: {  	[sflag:s20] =	ssyncset.done $0x0  }
0x1c: {  	[sflag:s20] =	ssyncadd.s32 $0xFFFFE000  }
0x1d: {  	[spmem:s7] =	stream.linear.scatter [tilespmem:s19], [sflag:$0x2], $0x2000, $0x38;
	[tilespmem:$0x13000] =	vst v63  }
0x1e: {  	_ =	swait.ge [sflag:s20], $0x2000  }
0x1f: {  	[sflag:s20] =	ssyncset.done $0x0  }
0x20: {  	[sflag:s20] =	ssyncadd.s32 $0xFFFFE000  }
0x21: {  	[spmem:s8] =	stream.linear.scatter [tilespmem:s19], [sflag:$0x2], $0x2000, $0x38;
	[tilespmem:$0x13000] =	vst v63  }
0x22: {  	_ =	swait.ge [sflag:s20], $0x2000  }
0x23: {  	[sflag:s20] =	ssyncset.done $0x0  }
0x24: {  	[sflag:s20] =	ssyncadd.s32 $0xFFFFE000  }
0x25: {  	[spmem:s9] =	stream.linear.scatter [tilespmem:s19], [sflag:$0x2], $0x2000, $0x38;
	[tilespmem:$0x13000] =	vst v63  }
0x26: {  	_ =	swait.ge [sflag:s20], $0x2000  }
0x27: {  	[sflag:s20] =	ssyncset.done $0x0  }
0x28: {  	[sflag:s20] =	ssyncadd.s32 $0xFFFFE000  }
0x29: {  	[spmem:s10] =	stream.linear.scatter [tilespmem:s19], [sflag:$0x2], $0x2000, $0x38;
	[tilespmem:$0x13000] =	vst v63  }
0x2a: {  	_ =	swait.ge [sflag:s20], $0x2000  }
0x2b: {  	[sflag:s20] =	ssyncset.done $0x0  }
0x2c: {  	[sflag:s20] =	ssyncadd.s32 $0xFFFFE000  }
0x2d: {  	[tilespmem:s4], [sflag:$0x2] =	stream.linear.gather [hbm4b:s11+s4], $0x2800, $0x38;
	[tilespmem:$0x13000] =	vst v63  }
0x2e: {  	_ =	swait.ge [sflag:s20], $0x2800  }
0x2f: {  	[sflag:s20] =	ssyncset.done $0x0  }
0x30: {  	[sflag:s20] =	ssyncadd.s32 $0xFFFFD800  }
0x31: {  	[tilespmem:s21], [sflag:$0x2] =	stream.linear.gather [hbm4b:s12+s4], $0x2800, $0x38;
	[tilespmem:$0x13000] =	vst v63  }
0x32: {  	_ =	swait.ge [sflag:s20], $0x2800  }
0x33: {  	[sflag:s20] =	ssyncset.done $0x0  }
0x34: {  	[sflag:s20] =	ssyncadd.s32 $0xFFFFD800  }
0x35: {  	s26 =	simm.s32 $0x0;
	[bflag:$0x0] =	sbarrier.arrive $0xFFFF  }
0x36: {  	[tilespmem:s23], [sflag:$0x1] =	stream.indirect.gather [hbm4b:s0+s22], $0x40, s26, s22, $0xb8;
	[tilespmem:$0x13000] =	vst v63  }
0x37: {  	_ =	swait.ge [sflag:s24], $0x2000  }
0x38: {  	[sflag:s24] =	ssyncset.done $0x0  }
0x39: {  	s31 =	simm.s32 $0x2800;
	[sflag:s24] =	ssyncadd.s32 $0xFFFFE000  }
0x3a: {  	[spmem:s3] =	stream.indirect.scatter.add.f32 [tilespmem:s23], [sflag:$0x2], $0x40, s31, s22, $0xb8;
	[tilespmem:$0x13000] =	vst v63  }
0x3b: {  	_ =	swait.ge [sflag:s20], $0x2000  }
0x3c: {  	s28 =	simm.s32 $0x400;
	s26 =	simm.s32 $0x200;
	[sflag:s20] =	ssyncset.done $0x0  }
.LBB2_2:
0x3d: {  	s29 =	sshra.s32 s26, $0x2  }
0x3e: {  	[sflag:s20] =	ssyncadd.s32 $0xFFFFE000;
	s26 =	smov.u32 s28;
	s30 =	sadd.s32 $0x200, s28  }
0x3f: {  	[tilespmem:s23], [sflag:$0x1] =	stream.indirect.gather [hbm4b:s0+s22], $0x40, s29, s22, $0xb8;
	[tilespmem:$0x13000] =	vst v63  }
0x40: {  	p0 =	sne.s32 s28, $0x9E00;
	_ =	swait.ge [sflag:s24], $0x2000  }
.Ltmp0:
0x41: {  	[sflag:s24] =	ssyncset.done $0x0;
	(pc) =	sbr.rel @p0 .LBB2_2-.Ltmp0, $4  }
0x42: {  	s28 =	sadd.s32 $0x2800, s29;
	[sflag:s24] =	ssyncadd.s32 $0xFFFFE000  }
0x43: {  	[spmem:s3] =	stream.indirect.scatter.add.f32 [tilespmem:s23], [sflag:$0x2], $0x40, s28, s22, $0xb8;
	[tilespmem:$0x13000] =	vst v63  }
0x44: {  	_ =	swait.ge [sflag:s20], $0x2000  }
0x45: {  	s28 =	smov.u32 s30;
	[sflag:s20] =	ssyncset.done $0x0  }
0x46: {  	s26 =	sshra.s32 s26, $0x2;
	[sflag:s20] =	ssyncadd.s32 $0xFFFFE000  }
0x47: {  	[tilespmem:s23], [sflag:$0x1] =	stream.indirect.gather [hbm4b:s0+s22], $0x40, s26, s22, $0xb8;
	[tilespmem:$0x13000] =	vst v63  }
0x48: {  	_ =	swait.ge [sflag:s24], $0x2000  }
0x49: {  	[sflag:s24] =	ssyncset.done $0x0  }
0x4a: {  	s26 =	sadd.s32 $0x2800, s26;
	[sflag:s24] =	ssyncadd.s32 $0xFFFFE000  }
0x4b: {  	[spmem:s3] =	stream.indirect.scatter.add.f32 [tilespmem:s23], [sflag:$0x2], $0x40, s26, s22, $0xb8;
	[tilespmem:$0x13000] =	vst v63  }
0x4c: {  	_ =	swait.ge [sflag:s20], $0x2000  }
0x4d: {  	[sflag:s20] =	ssyncset.done $0x0  }
0x4e: {  	[sflag:s20] =	ssyncadd.s32 $0xFFFFE000  }
0x4f: {  	[bflag:$0x0] =	sbarrier.arrive $0xFFFF  }
0x50: {  	[tilespmem:s19], [sflag:$0x2] =	stream.linear.gather [spmem:s6], $0x2000, $0x38;
	[tilespmem:$0x13000] =	vst v63  }
0x51: {  	_ =	swait.ge [sflag:s20], $0x2000  }
0x52: {  	[sflag:s20] =	ssyncset.done $0x0  }
0x53: {  	[sflag:s20] =	ssyncadd.s32 $0xFFFFE000  }
0x54: {  	[hbm4b:s13+s4] =	stream.linear.scatter [tilespmem:s19], [sflag:$0x2], $0x2000, $0x38;
	[tilespmem:$0x13000] =	vst v63  }
0x55: {  	_ =	swait.ge [sflag:s20], $0x2000  }
0x56: {  	[sflag:s20] =	ssyncset.done $0x0  }
0x57: {  	[sflag:s20] =	ssyncadd.s32 $0xFFFFE000  }
0x58: {  	[tilespmem:s19], [sflag:$0x2] =	stream.linear.gather [spmem:s7], $0x2000, $0x38;
	[tilespmem:$0x13000] =	vst v63  }
0x59: {  	_ =	swait.ge [sflag:s20], $0x2000  }
0x5a: {  	[sflag:s20] =	ssyncset.done $0x0  }
0x5b: {  	[sflag:s20] =	ssyncadd.s32 $0xFFFFE000  }
0x5c: {  	[hbm4b:s14+s4] =	stream.linear.scatter [tilespmem:s19], [sflag:$0x2], $0x2000, $0x38;
	[tilespmem:$0x13000] =	vst v63  }
0x5d: {  	_ =	swait.ge [sflag:s20], $0x2000  }
0x5e: {  	[sflag:s20] =	ssyncset.done $0x0  }
0x5f: {  	[sflag:s20] =	ssyncadd.s32 $0xFFFFE000  }
0x60: {  	[tilespmem:s19], [sflag:$0x2] =	stream.linear.gather [spmem:s8], $0x2000, $0x38;
	[tilespmem:$0x13000] =	vst v63  }
0x61: {  	_ =	swait.ge [sflag:s20], $0x2000  }
0x62: {  	[sflag:s20] =	ssyncset.done $0x0  }
0x63: {  	[sflag:s20] =	ssyncadd.s32 $0xFFFFE000  }
0x64: {  	[hbm4b:s15+s4] =	stream.linear.scatter [tilespmem:s19], [sflag:$0x2], $0x2000, $0x38;
	[tilespmem:$0x13000] =	vst v63  }
0x65: {  	_ =	swait.ge [sflag:s20], $0x2000  }
0x66: {  	[sflag:s20] =	ssyncset.done $0x0  }
0x67: {  	[sflag:s20] =	ssyncadd.s32 $0xFFFFE000  }
0x68: {  	[tilespmem:s19], [sflag:$0x2] =	stream.linear.gather [spmem:s9], $0x2000, $0x38;
	[tilespmem:$0x13000] =	vst v63  }
0x69: {  	_ =	swait.ge [sflag:s20], $0x2000  }
0x6a: {  	[sflag:s20] =	ssyncset.done $0x0  }
0x6b: {  	[sflag:s20] =	ssyncadd.s32 $0xFFFFE000  }
0x6c: {  	[hbm4b:s16+s4] =	stream.linear.scatter [tilespmem:s19], [sflag:$0x2], $0x2000, $0x38;
	[tilespmem:$0x13000] =	vst v63  }
0x6d: {  	_ =	swait.ge [sflag:s20], $0x2000  }
0x6e: {  	[sflag:s20] =	ssyncset.done $0x0  }
0x6f: {  	[sflag:s20] =	ssyncadd.s32 $0xFFFFE000  }
0x70: {  	[tilespmem:s19], [sflag:$0x2] =	stream.linear.gather [spmem:s10], $0x2000, $0x38;
	[tilespmem:$0x13000] =	vst v63  }
0x71: {  	s25 =	sadd.s32 $0x1, s25;
	_ =	swait.ge [sflag:s20], $0x2000  }
0x72: {  	p0 =	sne.s32 s25, s18;
	[sflag:s20] =	ssyncset.done $0x0  }
.Ltmp1:
0x73: {  	[sflag:s20] =	ssyncadd.s32 $0xFFFFE000;
	(pc) =	sbr.rel @p0 .LBB2_1-.Ltmp1, $4  }
0x74: {  	[hbm4b:s17+s4] =	stream.linear.scatter [tilespmem:s19], [sflag:$0x2], $0x2000, $0x38;
	[tilespmem:$0x13000] =	vst v63  }
0x75: {  	_ =	swait.ge [sflag:s20], $0x2000  }
0x76: {  	[sflag:s20] =	ssyncset.done $0x0  }
0x77: {  	[sflag:s20] =	ssyncadd.s32 $0xFFFFE000  }
0x78: {  	_ =	sfence.sel $0x180000  }
0x79: {  	[bflag:$0x0] =	sbarrier.arrive $0xFFFF  }
0x7a: {  	p0 =	sne.s32 s2, $0x0;
	_ =	strace $0x9000004D  }
0x7b: {  	s0 =	sadd.s32 @!p0 $0x100000, s1;
	[bflag:$0x2] =	sbarrier.arrive $0xFFFF  }
0x7c: {  	[sflag:s0] =	ssyncadd.tile.s32 @!p0 $0x1;
	_ =	shalt  }
.Lfunc_end2:
_tile_overlayer_lowered:
.L_overlay_start_2:
0x7d: {  	(tag) =	ssettag $0x2  }
0x7e: {  	s0 =	rddreg [dreg:$0x0];
	s2 =	stileid.u32  }
0x7f: {  	s1 =	rddreg [dreg:$0x1];
	p0 =	sne.s32 s2, $0x0  }
0x80: {  	s3 =	rddreg [dreg:$0x2];
	[bflag:$0x3] =	sbarrier.arrive $0xFFFF;
	s2 =	simm.s32 @!p0 $0x1C02  }
0x81: {  	[timem:s3], [sflag:s2] =	dma.local @!p0 [hbm:s0], s1  }
0x82: {  	s0 =	simm.s32 @!p0 $0x2  }
0x83: {  	_ =	swait.ge @!p0 [sflag:s0], s1  }
0x84: {  	s1 =	ssub.s32 @!p0 $0x0, s1;
	[sflag:s0] =	ssyncset.done @!p0 $0x0  }
0x85: {  	[sflag:s0] =	ssyncadd.s32 @!p0 s1  }
0x86: {  	[bflag:$0x3] =	sbarrier.arrive $0xFFFF  }
0x87: {  	_ =	shalt  }

// kernel: kernel.8.cloned.1.call-start
scs
__scs_entry_jumppad:
0x0: {  	(pc) =	sbr.rel $0x88, $3  }
0x1: {  	(tag) =	ssettag $0x0;
	lr =	simm.s32 $0x1  }
0x2: {  	[smem:$0x3F99] =	sst lr;
	_ =	strace $0xD0000000  }
0x3: {  	_ = 	snop  }
0x4: {  	_ = 	snop  }
0x5: {  	_ = 	snop  }
0x6: {  	_ = 	snop  }
0x7: {  	_ = 	snop  }
__scs_overlays_trampoline_lowered:
0x8: {  	[smem:$0x3FA8] =	sst s0  }
0x9: {  	[smem:$0x3FA9] =	sst s1  }
0xa: {  	[smem:$0x3FAA] =	sst s2  }
0xb: {  	[smem:$0x3FAB] =	sst s3  }
0xc: {  	[smem:$0x3FAC] =	sst s4  }
0xd: {  	[smem:$0x3FAD] =	sst s5  }
0xe: {  	[smem:$0x3FAE] =	sst s6  }
0xf: {  	[smem:$0x3FAF] =	sst s7  }
0x10: {  	[smem:$0x3FB0] =	sst s8  }
0x11: {  	[smem:$0x3FB1] =	sst s9;
	s0 =	simm.s32 @!p0 $0x0  }
0x12: {  	s1 =	sld [smem:$0x3F97];
	s0 =	simm.s32 @p0 $0x1  }
0x13: {  	[smem:$0x3FB2] =	sst s0;
	s0 =	simm.s32 @!p1 $0x0  }
0x14: {  	s2 =	sld [smem:$0x3F96];
	s0 =	simm.s32 @p1 $0x1  }
0x15: {  	[smem:$0x3FB3] =	sst s0;
	s0 =	simm.s32 @!p2 $0x0  }
0x16: {  	s3 =	sld [smem:$0x3FDB];
	s0 =	simm.s32 @p2 $0x1  }
0x17: {  	s4 =	simm.s32 $0x1BF5;
	[smem:$0x3FB5] =	sst s0  }
0x18: {  	s0 =	sld [smem:$0x3F98];
	_ =	swait.ge [sflag:s4], $0x0  }
0x19: {  	s7 =	sld [smem:$0x3F99]  }
0x1a: {  	s8 =	sadd.s32 $0xFFFFE003, lr  }
0x1b: {  	s9 =	sadd.s32 $0xFFFFFEF7, lr;
	s5 =	simm.s32 $0xFFFFFFFF;
	p2 =	slt.u32 s8, $0xFFFFF086  }
0x1c: {  	p1 =	slt.u32 s9, $0xF7A;
	s5 =	simm.s32 @!p2 $0x0  }
0x1d: {  	s5 =	simm.s32 @p1 $0x1;
	p0 =	seq.s32 s7, s2  }
0x1e: {  	s7 =	smul.u32 @!p0 $0xF7A, s2;
	p2 =	seq.s32 @!p0 s5, $0x0  }
0x1f: {  	s9 =	smul.u32 $0xF7A, s1;
	s8 =	simm.s32 @!p0 $0x1BF5;
	p2 =	por !p2, p0  }
0x20: {  	[sflag:s8] =	ssyncset.s32 @!p0 $0xFFFFF086;
	s6 =	sadd.s32 @!p0 s3, s7;
	s7 =	simm.s32 @!p0 $0x108  }
0x21: {  	s3 =	sadd.s32 s3, s9;
	s6 =	sadd.s32 @!p0 $0x88, s6;
	s7 =	simm.s32 @p2 $0x1082  }
0x22: {  	[simem:s7], [sflag:s8] =	dma.local @!p0 [hbm:s6], $0xF7A  }
0x23: {  	s9 =	sor.u32 $0xD0000000, s2;
	s6 =	simm.s32 $0x108;
	_ =	swait.ge @!p0 [sflag:s8], $0x0  }
0x24: {  	s3 =	sadd.s32 $0x88, s3;
	s6 =	simm.s32 @!p1 $0x1082;
	[sflag:s4] =	ssyncset.s32 $0xFFFFF086  }
0x25: {  	[simem:s6], [sflag:s4] =	dma.local [hbm:s3], $0xF7A  }
0x26: {  	[smem:$0x3F99] =	sst s1;
	(tag) =	ssettag s2;
	_ =	strace s9  }
0x27: {  	s1 =	sld [smem:$0x3FA9]  }
0x28: {  	s2 =	sld [smem:$0x3FAA]  }
0x29: {  	s4 =	sld [smem:$0x3FAC]  }
0x2a: {  	p0 =	seq.s32 s5, $0x0;
	s5 =	sld [smem:$0x3FAD]  }
0x2b: {  	s6 =	sld [smem:$0x3FAE]  }
0x2c: {  	s7 =	sld [smem:$0x3FAF]  }
0x2d: {  	s3 =	simm.s32 $0x108;
	s8 =	sld [smem:$0x3FB0]  }
0x2e: {  	s3 =	simm.s32 @!p0 $0x1082;
	s9 =	sld [smem:$0x3FB1]  }
0x2f: {  	lr =	sadd.s32 s0, s3;
	s0 =	sld [smem:$0x3FA8]  }
0x30: {  	s3 =	sld [smem:$0x3FAB]  }
0x31: {  	[smem:$0x3FB4] =	sst s10  }
0x32: {  	s10 =	sld [smem:$0x3FB2];
	_ =	sdelay $0x3  }
0x33: {  	p0 =	seq.s32 s10, $0x1;
	s10 =	sld [smem:$0x3FB4];
	_ =	sdelay $0x3  }
0x34: {  	[smem:$0x3FB4] =	sst s10  }
0x35: {  	s10 =	sld [smem:$0x3FB3];
	_ =	sdelay $0x3  }
0x36: {  	p1 =	seq.s32 s10, $0x1;
	s10 =	sld [smem:$0x3FB4];
	_ =	sdelay $0x3  }
0x37: {  	[smem:$0x3FB4] =	sst s10  }
0x38: {  	s10 =	sld [smem:$0x3FB5]  }
0x39: {  	_ = 	snop;
	(pc) =	sbr.ind lr, $3  }
0x3a: {  	_ = 	snop  }
0x3b: {  	_ = 	snop  }
0x3c: {  	p2 =	seq.s32 s10, $0x1;
	s10 =	sld [smem:$0x3FB4]  }
0x3d: {  	_ =	shalt  }
0x3e: {  	_ =	shalt  }
0x3f: {  	_ =	shalt  }
0x40: {  	_ =	shalt  }
0x41: {  	_ =	shalt  }
0x42: {  	_ =	shalt  }
0x43: {  	_ =	shalt  }
0x44: {  	_ =	shalt  }
0x45: {  	_ =	shalt  }
0x46: {  	_ =	shalt  }
0x47: {  	_ =	shalt  }
0x48: {  	_ =	shalt  }
0x49: {  	_ =	shalt  }
0x4a: {  	_ =	shalt  }
0x4b: {  	_ =	shalt  }
0x4c: {  	_ =	shalt  }
0x4d: {  	_ =	shalt  }
0x4e: {  	_ =	shalt  }
0x4f: {  	_ =	shalt  }
0x50: {  	_ =	shalt  }
0x51: {  	_ =	shalt  }
0x52: {  	_ =	shalt  }
0x53: {  	_ =	shalt  }
0x54: {  	_ =	shalt  }
0x55: {  	_ =	shalt  }
0x56: {  	_ =	shalt  }
0x57: {  	_ =	shalt  }
0x58: {  	_ =	shalt  }
0x59: {  	_ =	shalt  }
0x5a: {  	_ =	shalt  }
0x5b: {  	_ =	shalt  }
0x5c: {  	_ =	shalt  }
0x5d: {  	_ =	shalt  }
0x5e: {  	_ =	shalt  }
0x5f: {  	_ =	shalt  }
0x60: {  	_ =	shalt  }
0x61: {  	_ =	shalt  }
0x62: {  	_ =	shalt  }
0x63: {  	_ =	shalt  }
0x64: {  	_ =	shalt  }
0x65: {  	_ =	shalt  }
0x66: {  	_ =	shalt  }
0x67: {  	_ =	shalt  }
0x68: {  	_ =	shalt  }
0x69: {  	_ =	shalt  }
0x6a: {  	_ =	shalt  }
0x6b: {  	_ =	shalt  }
0x6c: {  	_ =	shalt  }
0x6d: {  	_ =	shalt  }
0x6e: {  	_ =	shalt  }
0x6f: {  	_ =	shalt  }
0x70: {  	_ =	shalt  }
0x71: {  	_ =	shalt  }
0x72: {  	_ =	shalt  }
0x73: {  	_ =	shalt  }
0x74: {  	_ =	shalt  }
0x75: {  	_ =	shalt  }
0x76: {  	_ =	shalt  }
0x77: {  	_ =	shalt  }
0x78: {  	_ =	shalt  }
0x79: {  	_ =	shalt  }
0x7a: {  	_ =	shalt  }
0x7b: {  	_ =	shalt  }
0x7c: {  	_ =	shalt  }
0x7d: {  	_ =	shalt  }
0x7e: {  	_ =	shalt  }
0x7f: {  	_ =	shalt  }
0x80: {  	_ =	shalt  }
0x81: {  	_ =	shalt  }
0x82: {  	_ =	shalt  }
0x83: {  	_ =	shalt  }
0x84: {  	_ =	shalt  }
0x85: {  	_ =	shalt  }
0x86: {  	_ =	shalt  }
0x87: {  	_ =	shalt  }
.Lfunc_end0:
.L_simem_size_0:
called_computation_lowered:
.L_overlay_start_0:
0x88: {  	s2 =	sld [smem:$0x3FD9]  }
0x89: {  	s3 =	sld [smem:$0x3FFE];
	_ =	sdelay $0x1  }
0x8a: {  	s1 =	srdreg.scid  }
0x8b: {  	s0 =	sand.u32 $0x1, s1  }
0x8c: {  	s15 =	sshll.u32 s0, $0xA;
	s2 =	sadd.s32 s3, s2  }
0x8d: {  	s2 =	sadd.s32 s2, s15  }
0x8e: {  	[smem:$0x3FC0] =	sst s2  }
0x8f: {  	_ = 	snop  }
0x90: {  	s2 =	sld [smem:$0x3FD0];
	_ =	sdelay $0x2  }
0x91: {  	s16 =	simm.s32 $0xB;
	s4 =	simm.s32 $0x10  }
0x92: {  	[smem:s4], [sflag:s16] =	dma.local [hbm:s2], $0x1  }
0x93: {  	_ =	swait.eq [sflag:s16], $0x1  }
0x94: {  	[sflag:s16] =	ssyncset.done $0x0  }
0x95: {  	[sflag:s16] =	ssyncadd.s32 $0xFFFFFFFF  }
0x96: {  	s17 =	sld [smem:$0x11];
	(tm) =	ssettm $0x1  }
0x97: {  	s18 =	sld [smem:$0x3FFB];
	_ =	sdelay $0x3  }
0x98: {  	_ =	strace s18  }
0x99: {  	s2 =	sld [smem:$0x3FFC];
	_ =	sdelay $0x3  }
0x9a: {  	_ =	strace s2  }
0x9b: {  	s2 =	sld [smem:$0x3FFD];
	_ =	sdelay $0x3  }
0x9c: {  	_ =	strace s2  }
0x9d: {  	_ =	strace $0x8FFFFFFF  }
0x9e: {  	s19 =	sld [smem:$0x3FDB];
	_ =	sdelay $0x1  }
0x9f: {  	s20 =	simm.s32 $_scs_section_size  }
0xa0: {  	s5 =	simm.s32 $_size__tile_overlayer_lowered;
	s6 =	simm.s32 $_tile_overlayer_lowered  }
0xa1: {  	s7 =	simm.s32 $0x1BFF;
	s21 =	sshll.u32 s6, $0x1;
	s4 =	sadd.s32 s20, s19  }
0xa2: {  	s22 =	simm.s32 $0x0;
	s5 =	sshll.u32 s5, $0x1;
	s6 =	sadd.s32 s21, s4  }
0xa3: {  	[timem:s22], [sflag:s7] =	dma.local [hbm:s6], s5  }
0xa4: {  	_ =	swait.ge [sflag:s7], s5  }
0xa5: {  	s5 =	ssub.s32 $0x0, s5;
	[sflag:s7] =	ssyncset.done $0x0  }
0xa6: {  	[sflag:s7] =	ssyncadd.s32 s5;
	_ =	sdelay $0x1  }
0xa7: {  	s23 =	simm.s32 $0x1B8B  }
0xa8: {  	_ =	swait.ge [sflag:s23], $0x1  }
0xa9: {  	[sflag:s23] =	ssyncset.done $0x0  }
0xaa: {  	[sflag:s23] =	ssyncadd.s32 $0xFFFFFFFF  }
0xab: {  	s5 =	sld [smem:$0x0]  }
0xac: {  	s6 =	sand.u32 $0xFFFFFFFE, s1  }
0xad: {  	p0 =	sne.s32 s1, s6  }
0xae: {  	s6 =	sshll.u32 @p0 s6, $0xE  }
0xaf: {  	s6 =	sadd.s32 @p0 $0x11B8D, s6;
	s7 =	sshll.u32 @p0 s5, $0x11  }
0xb0: {  	s6 =	sor.u32 @p0 s7, s6  }
0xb1: {  	[sflag:s6] =	ssyncadd.remote.s32 @p0 $0x1;
	_ =	sdelay $0x1  }
0xb2: {  	s6 =	simm.s32 @p0 $0x1B8D  }
0xb3: {  	_ =	swait.eq @p0 [sflag:s6], $0x1  }
0xb4: {  	[sflag:s6] =	ssyncadd.s32 @p0 $0xFFFFFFFF  }
0xb5: {  	s7 =	sshll.u32 @!p0 s1, $0xE  }
0xb6: {  	s7 =	sor.u32 @!p0 $0x4000, s7;
	s6 =	simm.s32 @!p0 $0x1B8D  }
0xb7: {  	s5 =	sshll.u32 @!p0 s5, $0x11;
	s7 =	sadd.s32 @!p0 $0x11B8D, s7;
	_ =	swait.eq @!p0 [sflag:s6], $0x1  }
0xb8: {  	s5 =	sor.u32 @!p0 s5, s7;
	[sflag:s6] =	ssyncadd.s32 @!p0 $0xFFFFFFFF  }
0xb9: {  	s25 =	simm.s32 $0x1B8E;
	s24 =	sld [smem:$0x3FFE];
	[sflag:s5] =	ssyncadd.remote.s32 @!p0 $0x1  }
0xba: {  	s26 =	simm.s32 $execute0_lowered;
	[smem:$0x3FD2] =	sst s25  }
0xbb: {  	s6 =	sshll.u32 s26, $0x1;
	_ =	strace $0x80000049;
	[dreg:$0x1] =	wrdreg $0xFFFFFFFF  }
0xbc: {  	s28 =	simm.s32 $_size_execute0_lowered;
	s4 =	sadd.s32 s4, s6;
	[dreg:$0x0] =	wrdreg $0x0  }
0xbd: {  	s6 =	sshll.u32 s28, $0x1;
	[dreg:$0x2] =	wrdreg s4  }
0xbe: {  	[dreg:$0x3] =	wrdreg s6  }
0xbf: {  	[dreg:$0x4] =	wrdreg $0xC0  }
0xc0: {  	_ =	task [dreg:s22], $0x5FFFF  }
0xc1: {  	[dreg:$0x1] =	wrdreg $0xFFFFFFFF  }
0xc2: {  	[dreg:$0x0] =	wrdreg $0x60  }
0xc3: {  	[dreg:$0x2] =	wrdreg s17  }
0xc4: {  	[dreg:$0x3] =	wrdreg s24  }
0xc5: {  	[dreg:$0x4] =	wrdreg $0x90000  }
0xc6: {  	[dreg:$0x5] =	wrdreg $0x9  }
0xc7: {  	_ =	task.clear_ibuf [dreg:s22], $0x6FFFF;
	_ =	strace $0x90000049  }
0xc8: {  	s29 =	simm.s32 $0x9;
	_ =	strace $0x8000004B  }
0xc9: {  	_ =	swait.ge [sflag:s29], $0x1  }
0xca: {  	[sflag:s29] =	ssyncadd.s32 $0xFFFFFFFF  }
0xcb: {  	_ =	strace $0x9000004B  }
0xcc: {  	_ =	sfence  }
0xcd: {  	s30 =	sld [smem:$0x0];
	_ =	sdelay $0x2  }
0xce: {  	s31 =	sshll.u32 s1, $0xD;
	s1 =	sshrl.u32 s1, $0x2  }
0xcf: {  	s4 =	sand.u32 $0x4000, s31;
	s1 =	sadd.s32 s1, s30  }
0xd0: {  	s0 =	sor.u32 s4, s0;
	s1 =	sshll.u32 s1, $0x11  }
0xd1: {  	s0 =	sor.u32 s1, s0  }
0xd2: {  	s0 =	sadd.s32 $0x8F2B, s0  }
0xd3: {  	[sflag:s0] =	ssyncadd.remote.s32 $0x1  }
0xd4: {  	_ =	sfence.sel $0xFFFF  }
0xd5: {  	[dreg:$0x0] =	wrdreg $0xFFFFFFFF;
	(pc) =	sbr.abs _section_cstart, $3  }
0xd6: {  	[dreg:$0x1] =	wrdreg $0xFFFFFFFF  }
0xd7: {  	_ =	task.clear_ibuf [dreg:s22], $0x2FFFF;
	_ =	strace $0x9FFFFFFF  }
0xd8: {  	(tm) =	ssettm $0x7FFFFFFF  }
0xd9: {  	_ =	shalt  }
tec
execute0_lowered:
.L_overlay_start_1:
0x0: {  	(tag) =	ssettag $0x1  }
0x1: {  	s0 =	rddreg [dreg:$0x0]  }
0x2: {  	s6 =	rddreg [dreg:$0x1]  }
0x3: {  	s1 =	srdreg.scid;
	s3 =	rddreg [dreg:$0x2]  }
0x4: {  	s2 =	stileid.u32;
	s4 =	simm.s32 $0x0;
	s22 =	simm.s32 $0x80  }
0x5: {  	s23 =	simm.s32 $0x5000;
	s8 =	sand.u32 $0x1, s1;
	s1 =	rddreg [dreg:$0x3]  }
0x6: {  	s24 =	simm.s32 $0x1;
	s25 =	simm.s32 $0x0;
	[smem:$0x7FF] =	sst s4  }
0x7: {  	s11 =	smul.u32 $0xA000, s2;
	s17 =	sadd.s32 $0x3E600, s6;
	s5 =	sshll.u32 s8, $0x4  }
0x8: {  	_ =	strace $0x8000004A;
	s7 =	ssub.s32 $0x2, s8;
	s16 =	smul.u32 $0xA0000, s8  }
0x9: {  	s5 =	sor.u32 s2, s5;
	s29 =	sshrl.u32 s7, $0x1;
	s13 =	sadd.s32 $0x2000, s11  }
0xa: {  	s15 =	sadd.s32 $0x4000, s11;
	s19 =	sadd.s32 $0x6000, s11;
	s20 =	sadd.s32 $0x8000, s11  }
0xb: {  	s5 =	smul.u32 $0x500, s5;
	s18 =	ssub.s32 s7, s29;
	s7 =	sadd.s32 s13, s3  }
0xc: {  	s8 =	sadd.s32 s15, s3;
	s9 =	sadd.s32 s19, s3;
	s10 =	sadd.s32 s20, s3  }
0xd: {  	s14 =	sadd.s32 s11, s16;
	s21 =	sadd.s32 s16, s13;
	s15 =	sadd.s32 s16, s15  }
0xe: {  	s19 =	sadd.s32 s16, s19;
	s20 =	sadd.s32 s16, s20;
	s14 =	sshrl.u32 s14, $0x3  }
0xf: {  	s30 =	sshrl.u32 s21, $0x3;
	s15 =	sshrl.u32 s15, $0x3;
	s19 =	sshrl.u32 s19, $0x3  }
0x10: {  	s31 =	sshrl.u32 s20, $0x3;
	s18 =	smax.u32 s18, $0x1;
	s20 =	simm.s32 $0x2  }
0x11: {  	s21 =	simm.s32 $0x2800;
	s12 =	sadd.s32 s5, s6;
	s5 =	sadd.s32 $0x16200, s6  }
0x12: {  	s6 =	sadd.s32 s11, s3;
	s13 =	sadd.s32 s17, s14;
	s14 =	sadd.s32 s17, s30  }
0x13: {  	s15 =	sadd.s32 s17, s15;
	s16 =	sadd.s32 s17, s19;
	s17 =	sadd.s32 s17, s31  }
0x14: {  	s19 =	simm.s32 $0x7000;
	s11 =	sadd.s32 $0xC200, s12;
	s12 =	sadd.s32 $0x2200, s12  }
.LBB2_1:
0x15: {  	[tilespmem:s19], [sflag:$0x2] =	stream.linear.gather [hbm4b:s5+s4], $0x2000, $0x38;
	[tilespmem:$0x13000] =	vst v63  }
0x16: {  	_ =	swait.ge [sflag:s20], $0x2000  }
0x17: {  	[sflag:s20] =	ssyncset.done $0x0  }
0x18: {  	[sflag:s20] =	ssyncadd.s32 $0xFFFFE000  }
0x19: {  	[spmem:s6] =	stream.linear.scatter [tilespmem:s19], [sflag:$0x2], $0x2000, $0x38;
	[tilespmem:$0x13000] =	vst v63  }
0x1a: {  	_ =	swait.ge [sflag:s20], $0x2000  }
0x1b: {  	[sflag:s20] =	ssyncset.done $0x0  }
0x1c: {  	[sflag:s20] =	ssyncadd.s32 $0xFFFFE000  }
0x1d: {  	[spmem:s7] =	stream.linear.scatter [tilespmem:s19], [sflag:$0x2], $0x2000, $0x38;
	[tilespmem:$0x13000] =	vst v63  }
0x1e: {  	_ =	swait.ge [sflag:s20], $0x2000  }
0x1f: {  	[sflag:s20] =	ssyncset.done $0x0  }
0x20: {  	[sflag:s20] =	ssyncadd.s32 $0xFFFFE000  }
0x21: {  	[spmem:s8] =	stream.linear.scatter [tilespmem:s19], [sflag:$0x2], $0x2000, $0x38;
	[tilespmem:$0x13000] =	vst v63  }
0x22: {  	_ =	swait.ge [sflag:s20], $0x2000  }
0x23: {  	[sflag:s20] =	ssyncset.done $0x0  }
0x24: {  	[sflag:s20] =	ssyncadd.s32 $0xFFFFE000  }
0x25: {  	[spmem:s9] =	stream.linear.scatter [tilespmem:s19], [sflag:$0x2], $0x2000, $0x38;
	[tilespmem:$0x13000] =	vst v63  }
0x26: {  	_ =	swait.ge [sflag:s20], $0x2000  }
0x27: {  	[sflag:s20] =	ssyncset.done $0x0  }
0x28: {  	[sflag:s20] =	ssyncadd.s32 $0xFFFFE000  }
0x29: {  	[spmem:s10] =	stream.linear.scatter [tilespmem:s19], [sflag:$0x2], $0x2000, $0x38;
	[tilespmem:$0x13000] =	vst v63  }
0x2a: {  	_ =	swait.ge [sflag:s20], $0x2000  }
0x2b: {  	[sflag:s20] =	ssyncset.done $0x0  }
0x2c: {  	[sflag:s20] =	ssyncadd.s32 $0xFFFFE000  }
0x2d: {  	[tilespmem:s4], [sflag:$0x2] =	stream.linear.gather [hbm4b:s11+s4], $0x2800, $0x38;
	[tilespmem:$0x13000] =	vst v63  }
0x2e: {  	_ =	swait.ge [sflag:s20], $0x2800  }
0x2f: {  	[sflag:s20] =	ssyncset.done $0x0  }
0x30: {  	[sflag:s20] =	ssyncadd.s32 $0xFFFFD800  }
0x31: {  	[tilespmem:s21], [sflag:$0x2] =	stream.linear.gather [hbm4b:s12+s4], $0x2800, $0x38;
	[tilespmem:$0x13000] =	vst v63  }
0x32: {  	_ =	swait.ge [sflag:s20], $0x2800  }
0x33: {  	[sflag:s20] =	ssyncset.done $0x0  }
0x34: {  	[sflag:s20] =	ssyncadd.s32 $0xFFFFD800  }
0x35: {  	s26 =	simm.s32 $0x0;
	[bflag:$0x0] =	sbarrier.arrive $0xFFFF  }
0x36: {  	[tilespmem:s23], [sflag:$0x1] =	stream.indirect.gather [hbm4b:s0+s22], $0x40, s26, s22, $0xb8;
	[tilespmem:$0x13000] =	vst v63  }
0x37: {  	_ =	swait.ge [sflag:s24], $0x2000  }
0x38: {  	[sflag:s24] =	ssyncset.done $0x0  }
0x39: {  	s31 =	simm.s32 $0x2800;
	[sflag:s24] =	ssyncadd.s32 $0xFFFFE000  }
0x3a: {  	[spmem:s3] =	stream.indirect.scatter.add.f32 [tilespmem:s23], [sflag:$0x2], $0x40, s31, s22, $0xb8;
	[tilespmem:$0x13000] =	vst v63  }
0x3b: {  	_ =	swait.ge [sflag:s20], $0x2000  }
0x3c: {  	s28 =	simm.s32 $0x400;
	s26 =	simm.s32 $0x200;
	[sflag:s20] =	ssyncset.done $0x0  }
.LBB2_2:
0x3d: {  	s29 =	sshra.s32 s26, $0x2  }
0x3e: {  	[sflag:s20] =	ssyncadd.s32 $0xFFFFE000;
	s26 =	smov.u32 s28;
	s30 =	sadd.s32 $0x200, s28  }
0x3f: {  	[tilespmem:s23], [sflag:$0x1] =	stream.indirect.gather [hbm4b:s0+s22], $0x40, s29, s22, $0xb8;
	[tilespmem:$0x13000] =	vst v63  }
0x40: {  	p0 =	sne.s32 s28, $0x9E00;
	_ =	swait.ge [sflag:s24], $0x2000  }
.Ltmp0:
0x41: {  	[sflag:s24] =	ssyncset.done $0x0;
	(pc) =	sbr.rel @p0 .LBB2_2-.Ltmp0, $4  }
0x42: {  	s28 =	sadd.s32 $0x2800, s29;
	[sflag:s24] =	ssyncadd.s32 $0xFFFFE000  }
0x43: {  	[spmem:s3] =	stream.indirect.scatter.add.f32 [tilespmem:s23], [sflag:$0x2], $0x40, s28, s22, $0xb8;
	[tilespmem:$0x13000] =	vst v63  }
0x44: {  	_ =	swait.ge [sflag:s20], $0x2000  }
0x45: {  	s28 =	smov.u32 s30;
	[sflag:s20] =	ssyncset.done $0x0  }
0x46: {  	s26 =	sshra.s32 s26, $0x2;
	[sflag:s20] =	ssyncadd.s32 $0xFFFFE000  }
0x47: {  	[tilespmem:s23], [sflag:$0x1] =	stream.indirect.gather [hbm4b:s0+s22], $0x40, s26, s22, $0xb8;
	[tilespmem:$0x13000] =	vst v63  }
0x48: {  	_ =	swait.ge [sflag:s24], $0x2000  }
0x49: {  	[sflag:s24] =	ssyncset.done $0x0  }
0x4a: {  	s26 =	sadd.s32 $0x2800, s26;
	[sflag:s24] =	ssyncadd.s32 $0xFFFFE000  }
0x4b: {  	[spmem:s3] =	stream.indirect.scatter.add.f32 [tilespmem:s23], [sflag:$0x2], $0x40, s26, s22, $0xb8;
	[tilespmem:$0x13000] =	vst v63  }
0x4c: {  	_ =	swait.ge [sflag:s20], $0x2000  }
0x4d: {  	[sflag:s20] =	ssyncset.done $0x0  }
0x4e: {  	[sflag:s20] =	ssyncadd.s32 $0xFFFFE000  }
0x4f: {  	[bflag:$0x0] =	sbarrier.arrive $0xFFFF  }
0x50: {  	[tilespmem:s19], [sflag:$0x2] =	stream.linear.gather [spmem:s6], $0x2000, $0x38;
	[tilespmem:$0x13000] =	vst v63  }
0x51: {  	_ =	swait.ge [sflag:s20], $0x2000  }
0x52: {  	[sflag:s20] =	ssyncset.done $0x0  }
0x53: {  	[sflag:s20] =	ssyncadd.s32 $0xFFFFE000  }
0x54: {  	[hbm4b:s13+s4] =	stream.linear.scatter [tilespmem:s19], [sflag:$0x2], $0x2000, $0x38;
	[tilespmem:$0x13000] =	vst v63  }
0x55: {  	_ =	swait.ge [sflag:s20], $0x2000  }
0x56: {  	[sflag:s20] =	ssyncset.done $0x0  }
0x57: {  	[sflag:s20] =	ssyncadd.s32 $0xFFFFE000  }
0x58: {  	[tilespmem:s19], [sflag:$0x2] =	stream.linear.gather [spmem:s7], $0x2000, $0x38;
	[tilespmem:$0x13000] =	vst v63  }
0x59: {  	_ =	swait.ge [sflag:s20], $0x2000  }
0x5a: {  	[sflag:s20] =	ssyncset.done $0x0  }
0x5b: {  	[sflag:s20] =	ssyncadd.s32 $0xFFFFE000  }
0x5c: {  	[hbm4b:s14+s4] =	stream.linear.scatter [tilespmem:s19], [sflag:$0x2], $0x2000, $0x38;
	[tilespmem:$0x13000] =	vst v63  }
0x5d: {  	_ =	swait.ge [sflag:s20], $0x2000  }
0x5e: {  	[sflag:s20] =	ssyncset.done $0x0  }
0x5f: {  	[sflag:s20] =	ssyncadd.s32 $0xFFFFE000  }
0x60: {  	[tilespmem:s19], [sflag:$0x2] =	stream.linear.gather [spmem:s8], $0x2000, $0x38;
	[tilespmem:$0x13000] =	vst v63  }
0x61: {  	_ =	swait.ge [sflag:s20], $0x2000  }
0x62: {  	[sflag:s20] =	ssyncset.done $0x0  }
0x63: {  	[sflag:s20] =	ssyncadd.s32 $0xFFFFE000  }
0x64: {  	[hbm4b:s15+s4] =	stream.linear.scatter [tilespmem:s19], [sflag:$0x2], $0x2000, $0x38;
	[tilespmem:$0x13000] =	vst v63  }
0x65: {  	_ =	swait.ge [sflag:s20], $0x2000  }
0x66: {  	[sflag:s20] =	ssyncset.done $0x0  }
0x67: {  	[sflag:s20] =	ssyncadd.s32 $0xFFFFE000  }
0x68: {  	[tilespmem:s19], [sflag:$0x2] =	stream.linear.gather [spmem:s9], $0x2000, $0x38;
	[tilespmem:$0x13000] =	vst v63  }
0x69: {  	_ =	swait.ge [sflag:s20], $0x2000  }
0x6a: {  	[sflag:s20] =	ssyncset.done $0x0  }
0x6b: {  	[sflag:s20] =	ssyncadd.s32 $0xFFFFE000  }
0x6c: {  	[hbm4b:s16+s4] =	stream.linear.scatter [tilespmem:s19], [sflag:$0x2], $0x2000, $0x38;
	[tilespmem:$0x13000] =	vst v63  }
0x6d: {  	_ =	swait.ge [sflag:s20], $0x2000  }
0x6e: {  	[sflag:s20] =	ssyncset.done $0x0  }
0x6f: {  	[sflag:s20] =	ssyncadd.s32 $0xFFFFE000  }
0x70: {  	[tilespmem:s19], [sflag:$0x2] =	stream.linear.gather [spmem:s10], $0x2000, $0x38;
	[tilespmem:$0x13000] =	vst v63  }
0x71: {  	s25 =	sadd.s32 $0x1, s25;
	_ =	swait.ge [sflag:s20], $0x2000  }
0x72: {  	p0 =	sne.s32 s25, s18;
	[sflag:s20] =	ssyncset.done $0x0  }
.Ltmp1:
0x73: {  	[sflag:s20] =	ssyncadd.s32 $0xFFFFE000;
	(pc) =	sbr.rel @p0 .LBB2_1-.Ltmp1, $4  }
0x74: {  	[hbm4b:s17+s4] =	stream.linear.scatter [tilespmem:s19], [sflag:$0x2], $0x2000, $0x38;
	[tilespmem:$0x13000] =	vst v63  }
0x75: {  	_ =	swait.ge [sflag:s20], $0x2000  }
0x76: {  	[sflag:s20] =	ssyncset.done $0x0  }
0x77: {  	[sflag:s20] =	ssyncadd.s32 $0xFFFFE000  }
0x78: {  	_ =	sfence.sel $0x180000  }
0x79: {  	[bflag:$0x0] =	sbarrier.arrive $0xFFFF  }
0x7a: {  	p0 =	sne.s32 s2, $0x0;
	_ =	strace $0x9000004A  }
0x7b: {  	s0 =	sadd.s32 @!p0 $0x100000, s1;
	[bflag:$0x2] =	sbarrier.arrive $0xFFFF  }
0x7c: {  	[sflag:s0] =	ssyncadd.tile.s32 @!p0 $0x1;
	_ =	shalt  }
.Lfunc_end2:
_tile_overlayer_lowered:
.L_overlay_start_2:
0x7d: {  	(tag) =	ssettag $0x2  }
0x7e: {  	s0 =	rddreg [dreg:$0x0];
	s2 =	stileid.u32  }
0x7f: {  	s1 =	rddreg [dreg:$0x1];
	p0 =	sne.s32 s2, $0x0  }
0x80: {  	s3 =	rddreg [dreg:$0x2];
	[bflag:$0x3] =	sbarrier.arrive $0xFFFF;
	s2 =	simm.s32 @!p0 $0x1C02  }
0x81: {  	[timem:s3], [sflag:s2] =	dma.local @!p0 [hbm:s0], s1  }
0x82: {  	s0 =	simm.s32 @!p0 $0x2  }
0x83: {  	_ =	swait.ge @!p0 [sflag:s0], s1  }
0x84: {  	s1 =	ssub.s32 @!p0 $0x0, s1;
	[sflag:s0] =	ssyncset.done @!p0 $0x0  }
0x85: {  	[sflag:s0] =	ssyncadd.s32 @!p0 s1  }
0x86: {  	[bflag:$0x3] =	sbarrier.arrive $0xFFFF  }
0x87: {  	_ =	shalt  }

</sc_bundles>
